<compile_context>
chip_gen: v7x
topology: tpu7x:2x2x1
jax: 0.10.2.dev20260603
libtpu: 0.0.44.dev20260713+nightly
codegen_flags: <defaults>
</compile_context>

<pallas_src>
import functools

import jax
import jax.numpy as jnp
from jax import lax
from jax.experimental import pallas as pl
from jax.experimental.pallas import tpu as pltpu
from jax.experimental.pallas import tpu_sc as plsc

N = 10000
D = 128
C = 16
NC, NS, L = 2, 16, 16
NW = NC * NS
NPAD = 10240
ROWS_T = NPAD // NS
DUMMY = N
CHUNK = 128


def _fill_const(ref, n, val):
    def body(i, _):
        ref[pl.ds(i * L, L)] = jnp.full((L,), val, jnp.float32)
        return 0
    lax.fori_loop(0, n // L, body, 0)


def _rsqrt16(d):
    i = lax.bitcast_convert_type(d, jnp.int32)
    i = jnp.int32(0x5F3759DF) - lax.shift_right_logical(i, jnp.full((L,), 1, jnp.int32))
    y = lax.bitcast_convert_type(i, jnp.float32)
    for _ in range(3):
        y = y * (1.5 - 0.5 * d * y * y)
    return y


def _splat(vec, j):
    return jnp.broadcast_to(vec[j], (L,))


def _tc_matmul(xp, wt):
    def body(x_ref, w_ref, o_ref):
        o_ref[...] = jnp.dot(x_ref[...], w_ref[...],
                             preferred_element_type=jnp.float32)
    return pl.pallas_call(
        body,
        grid=(NPAD // 512,),
        in_specs=[pl.BlockSpec((512, D), lambda i: (i, 0)),
                  pl.BlockSpec((D, C), lambda i: (0, 0))],
        out_specs=pl.BlockSpec((512, C), lambda i: (i, 0)),
        out_shape=jax.ShapeDtypeStruct((NPAD, C), jnp.float32),
    )(xp, wt)


def _sc_deg(dst_r):
    nchunks = dst_r.shape[1]
    mesh = plsc.VectorSubcoreMesh(core_axis_name="c", subcore_axis_name="s")

    @functools.partial(
        pl.kernel,
        out_type=jax.ShapeDtypeStruct((NC, NPAD), jnp.float32),
        mesh=mesh,
        compiler_params=pltpu.CompilerParams(use_tc_tiling_on_sc=False),
        scratch_types=[
            pltpu.VMEM((CHUNK,), jnp.int32),
            pltpu.VMEM((CHUNK,), jnp.float32),
            pltpu.VMEM((ROWS_T,), jnp.float32),
            pltpu.VMEM_SHARED((NPAD,), jnp.float32),
        ],
    )
    def k(dst_hbm, deg_out, idx_v, ones_v, buf_v, acc):
        c = lax.axis_index("c")
        s = lax.axis_index("s")
        w = c * NS + s
        _fill_const(ones_v, CHUNK, 1.0)
        _fill_const(buf_v, ROWS_T, 0.5)
        pltpu.sync_copy(buf_v, acc.at[pl.ds(s * ROWS_T, ROWS_T)])
        plsc.subcore_barrier()

        def body(j, _):
            pltpu.sync_copy(dst_hbm.at[w, j], idx_v)
            pltpu.sync_copy(ones_v, acc.at[idx_v], add=True)
            return 0
        lax.fori_loop(0, nchunks, body, 0)
        plsc.subcore_barrier()
        pltpu.sync_copy(acc.at[pl.ds(s * ROWS_T, ROWS_T)],
                        deg_out.at[c, pl.ds(s * ROWS_T, ROWS_T)])

    return k(dst_r)


def _sc_hop(first_hop, uin, deg, src_r, dst_r):
    nchunks = src_r.shape[1]
    mesh = plsc.VectorSubcoreMesh(core_axis_name="c", subcore_axis_name="s")
    scratch = [
        pltpu.VMEM((ROWS_T,), jnp.float32),
        pltpu.VMEM((ROWS_T,), jnp.float32),
        pltpu.VMEM((ROWS_T, C), jnp.float32),
        pltpu.VMEM((ROWS_T, C), jnp.float32),
        pltpu.VMEM((ROWS_T, C), jnp.float32),
        pltpu.VMEM((ROWS_T, C), jnp.float32),
        pltpu.VMEM((CHUNK,), jnp.int32),
        pltpu.VMEM((CHUNK,), jnp.int32),
        pltpu.VMEM((CHUNK, C), jnp.float32),
        pltpu.VMEM_SHARED((NPAD, C), jnp.float32),
        pltpu.SemaphoreType.DMA,
    ]
    out_type = (jax.ShapeDtypeStruct((NPAD, C), jnp.float32),
                jax.ShapeDtypeStruct((NC, NPAD, C), jnp.float32))

    @functools.partial(
        pl.kernel, out_type=out_type, mesh=mesh, scratch_types=scratch,
        compiler_params=pltpu.CompilerParams(use_tc_tiling_on_sc=False))
    def k(uin_hbm, deg_hbm, src_hbm, dst_hbm, u_out, v_out,
          a_v, b_v, za_v, zb_v, u_v, h_v, idx_s, idx_d, rows, acc, sem):
        c = lax.axis_index("c")
        s = lax.axis_index("s")
        w = c * NS + s
        rs = s * ROWS_T
        pltpu.sync_copy(deg_hbm.at[0, pl.ds(rs, ROWS_T)], a_v)
        pltpu.sync_copy(deg_hbm.at[1, pl.ds(rs, ROWS_T)], b_v)
        if first_hop:
            pltpu.sync_copy(uin_hbm.at[pl.ds(rs, ROWS_T)], za_v)
        else:
            pltpu.sync_copy(uin_hbm.at[0, pl.ds(rs, ROWS_T)], za_v)
            pltpu.sync_copy(uin_hbm.at[1, pl.ds(rs, ROWS_T)], zb_v)

        def scale_rows(kk, _):
            d = a_v[pl.ds(kk * L, L)] + b_v[pl.ds(kk * L, L)]
            f = _rsqrt16(d) if first_hop else (1.0 / d)
            for j in range(L):
                n = kk * L + j
                if first_hop:
                    row = za_v[n] * _splat(f, j)
                else:
                    row = (za_v[n] + zb_v[n]) * _splat(f, j)
                u_v[n] = row
                h_v[n] = row * 0.5
            return 0
        lax.fori_loop(0, ROWS_T // L, scale_rows, 0)
        pltpu.sync_copy(u_v, u_out.at[pl.ds(rs, ROWS_T)])
        pltpu.sync_copy(h_v, acc.at[pl.ds(rs, ROWS_T)])
        plsc.subcore_barrier()

        def body(j, _):
            pltpu.sync_copy(src_hbm.at[w, j], idx_s)
            pltpu.async_copy(u_out.at[idx_s], rows, sem).wait()
            pltpu.sync_copy(dst_hbm.at[w, j], idx_d)
            pltpu.sync_copy(rows, acc.at[idx_d], add=True)
            return 0
        lax.fori_loop(0, nchunks, body, 0)
        plsc.subcore_barrier()
        pltpu.sync_copy(acc.at[pl.ds(rs, ROWS_T)],
                        v_out.at[c, pl.ds(rs, ROWS_T)])

    return k(uin, deg, src_r, dst_r)


def _tc_head(v2a, v2b, dega, degb, b2):
    def body(va, vb, da, db, b_ref, o_ref):
        d = da[...] + db[...]
        wrow = lax.rsqrt(d) * (va[...] + vb[...])
        y = wrow + b_ref[...]
        m = jnp.max(y, axis=1, keepdims=True)
        e = jnp.exp(y - m)
        o_ref[...] = (y - m) - jnp.log(jnp.sum(e, axis=1, keepdims=True))
    return pl.pallas_call(
        body,
        grid=(NPAD // 512,),
        in_specs=[pl.BlockSpec((512, C), lambda i: (i, 0)),
                  pl.BlockSpec((512, C), lambda i: (i, 0)),
                  pl.BlockSpec((512, 1), lambda i: (i, 0)),
                  pl.BlockSpec((512, 1), lambda i: (i, 0)),
                  pl.BlockSpec((1, C), lambda i: (0, 0))],
        out_specs=pl.BlockSpec((512, C), lambda i: (i, 0)),
        out_shape=jax.ShapeDtypeStruct((NPAD, C), jnp.float32),
    )(v2a, v2b, dega, degb, b2)


def kernel(x, edge_index, W, b):
    E = edge_index.shape[1]
    epw = ((E + NW - 1) // NW + CHUNK - 1) // CHUNK * CHUNK
    epad = NW * epw - E
    src = edge_index[0].astype(jnp.int32)
    dst = edge_index[1].astype(jnp.int32)
    pad = jnp.full((epad,), DUMMY, jnp.int32)
    src_r = jnp.concatenate([src, pad]).reshape(NW, epw // CHUNK, CHUNK)
    dst_r = jnp.concatenate([dst, pad]).reshape(NW, epw // CHUNK, CHUNK)
    xp = jnp.pad(x, ((0, NPAD - N), (0, 0)))

    z = _tc_matmul(xp, W.T)
    deg = _sc_deg(dst_r)
    _, v1 = _sc_hop(True, z, deg, src_r, dst_r)
    _, v2 = _sc_hop(False, v1, deg, src_r, dst_r)
    out = _tc_head(v2[0], v2[1], deg[0][:, None], deg[1][:, None], b[None, :])
    return out[:N]

# --- scband reference (transcript-rebuilt; emitter-appended) ---
"""Pipeline reference for scband-net-19516331393148 (READ-ONLY COPY).

The authoritative reference and input builder live on the scoring server;
editing this copy changes nothing except your own understanding.
"""

import jax, jax.numpy as jnp
import numpy as np

N_NODES = 10000
N_EDGES = 320000
D_FEAT = 128
N_CLASSES = 16
K_HOPS = 2


def setup_inputs(seed: int = 0) -> dict:
    key = jax.random.key(seed)
    k1, k2, k3 = jax.random.split(key, 3)
    x = jax.random.normal(k1, (N_NODES, D_FEAT), dtype=jnp.float32)
    edge_index = jax.random.randint(k2, (2, N_EDGES), 0, N_NODES, dtype=jnp.int64)
    W = jax.random.normal(k3, (N_CLASSES, D_FEAT), dtype=jnp.float32) * (1.0 / np.sqrt(D_FEAT))
    b = jnp.zeros((N_CLASSES,), dtype=jnp.float32)
    return {"x": x, "edge_index": edge_index, "W": W, "b": b}


def reference(x, edge_index, W, b):
    N = x.shape[0]
    # gcn_norm with self-loops (SGConv default)
    loop = jnp.arange(N, dtype=edge_index.dtype)
    src = jnp.concatenate([edge_index[0], loop])
    dst = jnp.concatenate([edge_index[1], loop])
    ew = jnp.ones(src.shape[0], dtype=x.dtype)
    deg = jax.ops.segment_sum(ew, dst, num_segments=N)
    deg_inv_sqrt = jnp.where(deg > 0, 1.0 / jnp.sqrt(deg), 0.0)
    norm = deg_inv_sqrt[src] * ew * deg_inv_sqrt[dst]
    h = x
    for _ in range(K_HOPS):
        msg = h[src] * norm[:, None]
        h = jax.ops.segment_sum(msg, dst, num_segments=N)
    out = h @ W.T + b
    return jax.nn.log_softmax(out, axis=1)

if __name__ == "__main__":
    import jax
    _d = setup_inputs()
    print(jax.jit(kernel)(*tuple(_d.values())))

</pallas_src>

<mosaic_0001>
#map = affine_map<(d0, d1) -> (0, 0, 0)>
#map1 = affine_map<(d0, d1) -> (0, 0)>
module attributes {stable_mosaic.version = 14 : i64} {
  func.func @k(%arg0: i32, %arg1: i32, %arg2: memref<2x10240x16xf32, #tpu.memory_space<hbm>>, %arg3: memref<2x10240xf32, #tpu.memory_space<hbm>>, %arg4: memref<32x79x128xi32, #tpu.memory_space<hbm>>, %arg5: memref<32x79x128xi32, #tpu.memory_space<hbm>>, %arg6: memref<10240x16xf32, #tpu.memory_space<hbm>>, %arg7: memref<2x10240x16xf32, #tpu.memory_space<hbm>>, %arg8: memref<640xf32, #tpu.memory_space<vmem>>, %arg9: memref<640xf32, #tpu.memory_space<vmem>>, %arg10: memref<640x16xf32, #tpu.memory_space<vmem>>, %arg11: memref<640x16xf32, #tpu.memory_space<vmem>>, %arg12: memref<640x16xf32, #tpu.memory_space<vmem>>, %arg13: memref<640x16xf32, #tpu.memory_space<vmem>>, %arg14: memref<128xi32, #tpu.memory_space<vmem>>, %arg15: memref<128xi32, #tpu.memory_space<vmem>>, %arg16: memref<128x16xf32, #tpu.memory_space<vmem>>, %arg17: memref<10240x16xf32, #tpu.memory_space<vmem_shared>>, %arg18: memref<!tpu.dma_semaphore, #tpu.memory_space<semaphore_mem>>) attributes {dimension_semantics = [#tpu.dimension_semantics<core_parallel>, #tpu.dimension_semantics<subcore_parallel>], iteration_bounds = array<i64: 2, 16>, scalar_prefetch = 0 : i64, scratch_operands = 11 : i64, tpu.core_type = #tpu.core_type<sc_vector_subcore>, window_params = [{transform_indices = #map}, {transform_indices = #map1}, {transform_indices = #map}, {transform_indices = #map}, {transform_indices = #map1}, {transform_indices = #map}]} {
    %mul3A = arith.constant 16 : i32
    %mul3A_0 = arith.muli %arg0, %mul3A : i32
    %add3A = arith.addi %mul3A_0, %arg1 : i32
    %mul3A_1 = arith.constant 640 : i32
    %mul3A_2 = arith.muli %arg1, %mul3A_1 : i32
    %run_scoped3A = arith.constant 0 : i32
    "tpu.region"() ({
      %run_scoped3A_20 = tpu.sem_alloc : memref<!tpu.dma_semaphore, #tpu.memory_space<semaphore_mem>>
      %dma_start3A = tpu.memref_slice %arg3[%run_scoped3A, %mul3A_2] : memref<2x10240xf32, #tpu.memory_space<hbm>> -> memref<1x640xf32, #tpu.memory_space<hbm>>
      %dma_start3A_21 = tpu.memref_squeeze %dma_start3A : memref<1x640xf32, #tpu.memory_space<hbm>> -> memref<640xf32, #tpu.memory_space<hbm>>
      %dma_start3A_22 = tpu.memref_slice %arg3[%run_scoped3A, %mul3A_2] : memref<2x10240xf32, #tpu.memory_space<hbm>> -> memref<1x640xf32, #tpu.memory_space<hbm>>
      %dma_start3A_23 = tpu.memref_squeeze %dma_start3A_22 : memref<1x640xf32, #tpu.memory_space<hbm>> -> memref<640xf32, #tpu.memory_space<hbm>>
      tpu.enqueue_dma source(%dma_start3A_23 : memref<640xf32, #tpu.memory_space<hbm>>) target(%arg8 : memref<640xf32, #tpu.memory_space<vmem>>) target_semaphore(%run_scoped3A_20 : memref<!tpu.dma_semaphore, #tpu.memory_space<semaphore_mem>>)
      %dma_wait3A = tpu.memref_slice %arg3[%run_scoped3A, %mul3A_2] : memref<2x10240xf32, #tpu.memory_space<hbm>> -> memref<1x640xf32, #tpu.memory_space<hbm>>
      %dma_wait3A_24 = tpu.memref_squeeze %dma_wait3A : memref<1x640xf32, #tpu.memory_space<hbm>> -> memref<640xf32, #tpu.memory_space<hbm>>
      %dma_wait3A_25 = tpu.memref_slice %arg3[%run_scoped3A, %mul3A_2] : memref<2x10240xf32, #tpu.memory_space<hbm>> -> memref<1x640xf32, #tpu.memory_space<hbm>>
      %dma_wait3A_26 = tpu.memref_squeeze %dma_wait3A_25 : memref<1x640xf32, #tpu.memory_space<hbm>> -> memref<640xf32, #tpu.memory_space<hbm>>
      tpu.wait_dma2 semaphore(%run_scoped3A_20 : memref<!tpu.dma_semaphore, #tpu.memory_space<semaphore_mem>>) src(%dma_wait3A_26 : memref<640xf32, #tpu.memory_space<hbm>>) dst(%arg8 : memref<640xf32, #tpu.memory_space<vmem>>)
      tpu.yield
    }) : () -> ()
    %run_scoped3A_3 = arith.constant 1 : i32
    "tpu.region"() ({
      %run_scoped3A_20 = tpu.sem_alloc : memref<!tpu.dma_semaphore, #tpu.memory_space<semaphore_mem>>
      %dma_start3A = tpu.memref_slice %arg3[%run_scoped3A_3, %mul3A_2] : memref<2x10240xf32, #tpu.memory_space<hbm>> -> memref<1x640xf32, #tpu.memory_space<hbm>>
      %dma_start3A_21 = tpu.memref_squeeze %dma_start3A : memref<1x640xf32, #tpu.memory_space<hbm>> -> memref<640xf32, #tpu.memory_space<hbm>>
      %dma_start3A_22 = tpu.memref_slice %arg3[%run_scoped3A_3, %mul3A_2] : memref<2x10240xf32, #tpu.memory_space<hbm>> -> memref<1x640xf32, #tpu.memory_space<hbm>>
      %dma_start3A_23 = tpu.memref_squeeze %dma_start3A_22 : memref<1x640xf32, #tpu.memory_space<hbm>> -> memref<640xf32, #tpu.memory_space<hbm>>
      tpu.enqueue_dma source(%dma_start3A_23 : memref<640xf32, #tpu.memory_space<hbm>>) target(%arg9 : memref<640xf32, #tpu.memory_space<vmem>>) target_semaphore(%run_scoped3A_20 : memref<!tpu.dma_semaphore, #tpu.memory_space<semaphore_mem>>)
      %dma_wait3A = tpu.memref_slice %arg3[%run_scoped3A_3, %mul3A_2] : memref<2x10240xf32, #tpu.memory_space<hbm>> -> memref<1x640xf32, #tpu.memory_space<hbm>>
      %dma_wait3A_24 = tpu.memref_squeeze %dma_wait3A : memref<1x640xf32, #tpu.memory_space<hbm>> -> memref<640xf32, #tpu.memory_space<hbm>>
      %dma_wait3A_25 = tpu.memref_slice %arg3[%run_scoped3A_3, %mul3A_2] : memref<2x10240xf32, #tpu.memory_space<hbm>> -> memref<1x640xf32, #tpu.memory_space<hbm>>
      %dma_wait3A_26 = tpu.memref_squeeze %dma_wait3A_25 : memref<1x640xf32, #tpu.memory_space<hbm>> -> memref<640xf32, #tpu.memory_space<hbm>>
      tpu.wait_dma2 semaphore(%run_scoped3A_20 : memref<!tpu.dma_semaphore, #tpu.memory_space<semaphore_mem>>) src(%dma_wait3A_26 : memref<640xf32, #tpu.memory_space<hbm>>) dst(%arg9 : memref<640xf32, #tpu.memory_space<vmem>>)
      tpu.yield
    }) : () -> ()
    %run_scoped3A_4 = arith.constant 0 : i32
    "tpu.region"() ({
      %run_scoped3A_20 = tpu.sem_alloc : memref<!tpu.dma_semaphore, #tpu.memory_space<semaphore_mem>>
      %dma_start3A = arith.constant 0 : i32
      %dma_start3A_21 = tpu.memref_slice %arg2[%run_scoped3A_4, %mul3A_2, %dma_start3A] : memref<2x10240x16xf32, #tpu.memory_space<hbm>> -> memref<1x640x16xf32, #tpu.memory_space<hbm>>
      %dma_start3A_22 = tpu.memref_squeeze %dma_start3A_21 : memref<1x640x16xf32, #tpu.memory_space<hbm>> -> memref<640x16xf32, #tpu.memory_space<hbm>>
      %dma_start3A_23 = arith.constant 0 : i32
      %dma_start3A_24 = tpu.memref_slice %arg2[%run_scoped3A_4, %mul3A_2, %dma_start3A_23] : memref<2x10240x16xf32, #tpu.memory_space<hbm>> -> memref<1x640x16xf32, #tpu.memory_space<hbm>>
      %dma_start3A_25 = tpu.memref_squeeze %dma_start3A_24 : memref<1x640x16xf32, #tpu.memory_space<hbm>> -> memref<640x16xf32, #tpu.memory_space<hbm>>
      tpu.enqueue_dma source(%dma_start3A_25 : memref<640x16xf32, #tpu.memory_space<hbm>>) target(%arg10 : memref<640x16xf32, #tpu.memory_space<vmem>>) target_semaphore(%run_scoped3A_20 : memref<!tpu.dma_semaphore, #tpu.memory_space<semaphore_mem>>)
      %dma_wait3A = arith.constant 0 : i32
      %dma_wait3A_26 = tpu.memref_slice %arg2[%run_scoped3A_4, %mul3A_2, %dma_wait3A] : memref<2x10240x16xf32, #tpu.memory_space<hbm>> -> memref<1x640x16xf32, #tpu.memory_space<hbm>>
      %dma_wait3A_27 = tpu.memref_squeeze %dma_wait3A_26 : memref<1x640x16xf32, #tpu.memory_space<hbm>> -> memref<640x16xf32, #tpu.memory_space<hbm>>
      %dma_wait3A_28 = arith.constant 0 : i32
      %dma_wait3A_29 = tpu.memref_slice %arg2[%run_scoped3A_4, %mul3A_2, %dma_wait3A_28] : memref<2x10240x16xf32, #tpu.memory_space<hbm>> -> memref<1x640x16xf32, #tpu.memory_space<hbm>>
      %dma_wait3A_30 = tpu.memref_squeeze %dma_wait3A_29 : memref<1x640x16xf32, #tpu.memory_space<hbm>> -> memref<640x16xf32, #tpu.memory_space<hbm>>
      tpu.wait_dma2 semaphore(%run_scoped3A_20 : memref<!tpu.dma_semaphore, #tpu.memory_space<semaphore_mem>>) src(%dma_wait3A_30 : memref<640x16xf32, #tpu.memory_space<hbm>>) dst(%arg10 : memref<640x16xf32, #tpu.memory_space<vmem>>)
      tpu.yield
    }) : () -> ()
    %run_scoped3A_5 = arith.constant 1 : i32
    "tpu.region"() ({
      %run_scoped3A_20 = tpu.sem_alloc : memref<!tpu.dma_semaphore, #tpu.memory_space<semaphore_mem>>
      %dma_start3A = arith.constant 0 : i32
      %dma_start3A_21 = tpu.memref_slice %arg2[%run_scoped3A_5, %mul3A_2, %dma_start3A] : memref<2x10240x16xf32, #tpu.memory_space<hbm>> -> memref<1x640x16xf32, #tpu.memory_space<hbm>>
      %dma_start3A_22 = tpu.memref_squeeze %dma_start3A_21 : memref<1x640x16xf32, #tpu.memory_space<hbm>> -> memref<640x16xf32, #tpu.memory_space<hbm>>
      %dma_start3A_23 = arith.constant 0 : i32
      %dma_start3A_24 = tpu.memref_slice %arg2[%run_scoped3A_5, %mul3A_2, %dma_start3A_23] : memref<2x10240x16xf32, #tpu.memory_space<hbm>> -> memref<1x640x16xf32, #tpu.memory_space<hbm>>
      %dma_start3A_25 = tpu.memref_squeeze %dma_start3A_24 : memref<1x640x16xf32, #tpu.memory_space<hbm>> -> memref<640x16xf32, #tpu.memory_space<hbm>>
      tpu.enqueue_dma source(%dma_start3A_25 : memref<640x16xf32, #tpu.memory_space<hbm>>) target(%arg11 : memref<640x16xf32, #tpu.memory_space<vmem>>) target_semaphore(%run_scoped3A_20 : memref<!tpu.dma_semaphore, #tpu.memory_space<semaphore_mem>>)
      %dma_wait3A = arith.constant 0 : i32
      %dma_wait3A_26 = tpu.memref_slice %arg2[%run_scoped3A_5, %mul3A_2, %dma_wait3A] : memref<2x10240x16xf32, #tpu.memory_space<hbm>> -> memref<1x640x16xf32, #tpu.memory_space<hbm>>
      %dma_wait3A_27 = tpu.memref_squeeze %dma_wait3A_26 : memref<1x640x16xf32, #tpu.memory_space<hbm>> -> memref<640x16xf32, #tpu.memory_space<hbm>>
      %dma_wait3A_28 = arith.constant 0 : i32
      %dma_wait3A_29 = tpu.memref_slice %arg2[%run_scoped3A_5, %mul3A_2, %dma_wait3A_28] : memref<2x10240x16xf32, #tpu.memory_space<hbm>> -> memref<1x640x16xf32, #tpu.memory_space<hbm>>
      %dma_wait3A_30 = tpu.memref_squeeze %dma_wait3A_29 : memref<1x640x16xf32, #tpu.memory_space<hbm>> -> memref<640x16xf32, #tpu.memory_space<hbm>>
      tpu.wait_dma2 semaphore(%run_scoped3A_20 : memref<!tpu.dma_semaphore, #tpu.memory_space<semaphore_mem>>) src(%dma_wait3A_30 : memref<640x16xf32, #tpu.memory_space<hbm>>) dst(%arg11 : memref<640x16xf32, #tpu.memory_space<vmem>>)
      tpu.yield
    }) : () -> ()
    %scan3A = arith.constant 0 : i32
    %scan3A_6 = arith.constant 0 : i32
    %scan3A_7 = arith.constant 40 : i32
    %scan3A_8 = arith.addi %scan3A_6, %scan3A_7 : i32
    %scan3A_9 = arith.constant 1 : i32
    %scan3A_10 = scf.for %scan3A_20 = %scan3A_6 to %scan3A_8 step %scan3A_9 iter_args(%scan3A_21 = %scan3A) -> (i32)  : i32 {
      %mul3A_22 = arith.constant 16 : i32
      %mul3A_23 = arith.muli %scan3A_20, %mul3A_22 : i32
      %get3A = arith.index_cast %mul3A_23 : i32 to index
      %get3A_24 = tpu.vector_load %arg8[%get3A] {strides = array<i32>} : memref<640xf32, #tpu.memory_space<vmem>>, vector<16xf32>,
      %get3A_25 = vector.shape_cast %get3A_24 : vector<16xf32> to vector<16xf32>
      %mul3A_26 = arith.constant 16 : i32
      %mul3A_27 = arith.muli %scan3A_20, %mul3A_26 : i32
      %get3A_28 = arith.index_cast %mul3A_27 : i32 to index
      %get3A_29 = tpu.vector_load %arg9[%get3A_28] {strides = array<i32>} : memref<640xf32, #tpu.memory_space<vmem>>, vector<16xf32>,
      %get3A_30 = vector.shape_cast %get3A_29 : vector<16xf32> to vector<16xf32>
      %add3A_31 = arith.addf %get3A_25, %get3A_30 : vector<16xf32>
      %div3A = arith.constant 1.000000e+00 : f32
      %div3A_32 = vector.broadcast %div3A : f32 to vector<16xf32>
      %div3A_33 = arith.divf %div3A_32, %add3A_31 : vector<16xf32>
      %mul3A_34 = arith.constant 16 : i32
      %mul3A_35 = arith.muli %scan3A_20, %mul3A_34 : i32
      %add3A_36 = arith.constant 0 : i32
      %add3A_37 = arith.addi %mul3A_35, %add3A_36 : i32
      %get3A_38 = arith.index_cast %add3A_37 : i32 to index
      %get3A_39 = arith.constant 0 : index
      %get3A_40 = tpu.vector_load %arg10[%get3A_38, %get3A_39] {strides = array<i32>} : memref<640x16xf32, #tpu.memory_space<vmem>>, vector<1x16xf32>,
      %get3A_41 = vector.shape_cast %get3A_40 : vector<1x16xf32> to vector<16xf32>
      %get3A_42 = arith.index_cast %add3A_37 : i32 to index
      %get3A_43 = arith.constant 0 : index
      %get3A_44 = tpu.vector_load %arg11[%get3A_42, %get3A_43] {strides = array<i32>} : memref<640x16xf32, #tpu.memory_space<vmem>>, vector<1x16xf32>,
      %get3A_45 = vector.shape_cast %get3A_44 : vector<1x16xf32> to vector<16xf32>
      %add3A_46 = arith.addf %get3A_41, %get3A_45 : vector<16xf32>
      %slice3A = vector.extract_strided_slice %div3A_33 {offsets = [0], sizes = [1], strides = [1]} : vector<16xf32> to vector<1xf32>
      %squeeze3A = vector.extract %slice3A[0] : f32 from vector<1xf32>
      %broadcast_in_dim3A = vector.broadcast %squeeze3A : f32 to vector<16xf32>
      %mul3A_47 = arith.mulf %add3A_46, %broadcast_in_dim3A : vector<16xf32>
      %swap3A = arith.index_cast %add3A_37 : i32 to index
      %swap3A_48 = arith.constant 0 : index
      %swap3A_49 = tpu.vector_load %arg12[%swap3A, %swap3A_48] {strides = array<i32>} : memref<640x16xf32, #tpu.memory_space<vmem>>, vector<1x16xf32>,
      %swap3A_50 = vector.shape_cast %swap3A_49 : vector<1x16xf32> to vector<16xf32>
      %swap3A_51 = vector.shape_cast %mul3A_47 : vector<16xf32> to vector<1x16xf32>
      tpu.vector_store %arg12[%swap3A, %swap3A_48], %swap3A_51 {strides = array<i32>} : memref<640x16xf32, #tpu.memory_space<vmem>>, vector<1x16xf32>,
      %mul3A_52 = arith.constant 5.000000e-01 : f32
      %mul3A_53 = vector.broadcast %mul3A_52 : f32 to vector<16xf32>
      %mul3A_54 = arith.mulf %mul3A_47, %mul3A_53 : vector<16xf32>
      %swap3A_55 = arith.index_cast %add3A_37 : i32 to index
      %swap3A_56 = arith.constant 0 : index
      %swap3A_57 = tpu.vector_load %arg13[%swap3A_55, %swap3A_56] {strides = array<i32>} : memref<640x16xf32, #tpu.memory_space<vmem>>, vector<1x16xf32>,
      %swap3A_58 = vector.shape_cast %swap3A_57 : vector<1x16xf32> to vector<16xf32>
      %swap3A_59 = vector.shape_cast %mul3A_54 : vector<16xf32> to vector<1x16xf32>
      tpu.vector_store %arg13[%swap3A_55, %swap3A_56], %swap3A_59 {strides = array<i32>} : memref<640x16xf32, #tpu.memory_space<vmem>>, vector<1x16xf32>,
      %mul3A_60 = arith.constant 16 : i32
      %mul3A_61 = arith.muli %scan3A_20, %mul3A_60 : i32
      %add3A_62 = arith.constant 1 : i32
      %add3A_63 = arith.addi %mul3A_61, %add3A_62 : i32
      %get3A_64 = arith.index_cast %add3A_63 : i32 to index
      %get3A_65 = arith.constant 0 : index
      %get3A_66 = tpu.vector_load %arg10[%get3A_64, %get3A_65] {strides = array<i32>} : memref<640x16xf32, #tpu.memory_space<vmem>>, vector<1x16xf32>,
      %get3A_67 = vector.shape_cast %get3A_66 : vector<1x16xf32> to vector<16xf32>
      %get3A_68 = arith.index_cast %add3A_63 : i32 to index
      %get3A_69 = arith.constant 0 : index
      %get3A_70 = tpu.vector_load %arg11[%get3A_68, %get3A_69] {strides = array<i32>} : memref<640x16xf32, #tpu.memory_space<vmem>>, vector<1x16xf32>,
      %get3A_71 = vector.shape_cast %get3A_70 : vector<1x16xf32> to vector<16xf32>
      %add3A_72 = arith.addf %get3A_67, %get3A_71 : vector<16xf32>
      %slice3A_73 = vector.extract_strided_slice %div3A_33 {offsets = [1], sizes = [1], strides = [1]} : vector<16xf32> to vector<1xf32>
      %squeeze3A_74 = vector.extract %slice3A_73[0] : f32 from vector<1xf32>
      %broadcast_in_dim3A_75 = vector.broadcast %squeeze3A_74 : f32 to vector<16xf32>
      %mul3A_76 = arith.mulf %add3A_72, %broadcast_in_dim3A_75 : vector<16xf32>
      %swap3A_77 = arith.index_cast %add3A_63 : i32 to index
      %swap3A_78 = arith.constant 0 : index
      %swap3A_79 = tpu.vector_load %arg12[%swap3A_77, %swap3A_78] {strides = array<i32>} : memref<640x16xf32, #tpu.memory_space<vmem>>, vector<1x16xf32>,
      %swap3A_80 = vector.shape_cast %swap3A_79 : vector<1x16xf32> to vector<16xf32>
      %swap3A_81 = vector.shape_cast %mul3A_76 : vector<16xf32> to vector<1x16xf32>
      tpu.vector_store %arg12[%swap3A_77, %swap3A_78], %swap3A_81 {strides = array<i32>} : memref<640x16xf32, #tpu.memory_space<vmem>>, vector<1x16xf32>,
      %mul3A_82 = arith.constant 5.000000e-01 : f32
      %mul3A_83 = vector.broadcast %mul3A_82 : f32 to vector<16xf32>
      %mul3A_84 = arith.mulf %mul3A_76, %mul3A_83 : vector<16xf32>
      %swap3A_85 = arith.index_cast %add3A_63 : i32 to index
      %swap3A_86 = arith.constant 0 : index
      %swap3A_87 = tpu.vector_load %arg13[%swap3A_85, %swap3A_86] {strides = array<i32>} : memref<640x16xf32, #tpu.memory_space<vmem>>, vector<1x16xf32>,
      %swap3A_88 = vector.shape_cast %swap3A_87 : vector<1x16xf32> to vector<16xf32>
      %swap3A_89 = vector.shape_cast %mul3A_84 : vector<16xf32> to vector<1x16xf32>
      tpu.vector_store %arg13[%swap3A_85, %swap3A_86], %swap3A_89 {strides = array<i32>} : memref<640x16xf32, #tpu.memory_space<vmem>>, vector<1x16xf32>,
      %mul3A_90 = arith.constant 16 : i32
      %mul3A_91 = arith.muli %scan3A_20, %mul3A_90 : i32
      %add3A_92 = arith.constant 2 : i32
      %add3A_93 = arith.addi %mul3A_91, %add3A_92 : i32
      %get3A_94 = arith.index_cast %add3A_93 : i32 to index
      %get3A_95 = arith.constant 0 : index
      %get3A_96 = tpu.vector_load %arg10[%get3A_94, %get3A_95] {strides = array<i32>} : memref<640x16xf32, #tpu.memory_space<vmem>>, vector<1x16xf32>,
      %get3A_97 = vector.shape_cast %get3A_96 : vector<1x16xf32> to vector<16xf32>
      %get3A_98 = arith.index_cast %add3A_93 : i32 to index
      %get3A_99 = arith.constant 0 : index
      %get3A_100 = tpu.vector_load %arg11[%get3A_98, %get3A_99] {strides = array<i32>} : memref<640x16xf32, #tpu.memory_space<vmem>>, vector<1x16xf32>,
      %get3A_101 = vector.shape_cast %get3A_100 : vector<1x16xf32> to vector<16xf32>
      %add3A_102 = arith.addf %get3A_97, %get3A_101 : vector<16xf32>
      %slice3A_103 = vector.extract_strided_slice %div3A_33 {offsets = [2], sizes = [1], strides = [1]} : vector<16xf32> to vector<1xf32>
      %squeeze3A_104 = vector.extract %slice3A_103[0] : f32 from vector<1xf32>
      %broadcast_in_dim3A_105 = vector.broadcast %squeeze3A_104 : f32 to vector<16xf32>
      %mul3A_106 = arith.mulf %add3A_102, %broadcast_in_dim3A_105 : vector<16xf32>
      %swap3A_107 = arith.index_cast %add3A_93 : i32 to index
      %swap3A_108 = arith.constant 0 : index
      %swap3A_109 = tpu.vector_load %arg12[%swap3A_107, %swap3A_108] {strides = array<i32>} : memref<640x16xf32, #tpu.memory_space<vmem>>, vector<1x16xf32>,
      %swap3A_110 = vector.shape_cast %swap3A_109 : vector<1x16xf32> to vector<16xf32>
      %swap3A_111 = vector.shape_cast %mul3A_106 : vector<16xf32> to vector<1x16xf32>
      tpu.vector_store %arg12[%swap3A_107, %swap3A_108], %swap3A_111 {strides = array<i32>} : memref<640x16xf32, #tpu.memory_space<vmem>>, vector<1x16xf32>,
      %mul3A_112 = arith.constant 5.000000e-01 : f32
      %mul3A_113 = vector.broadcast %mul3A_112 : f32 to vector<16xf32>
      %mul3A_114 = arith.mulf %mul3A_106, %mul3A_113 : vector<16xf32>
      %swap3A_115 = arith.index_cast %add3A_93 : i32 to index
      %swap3A_116 = arith.constant 0 : index
      %swap3A_117 = tpu.vector_load %arg13[%swap3A_115, %swap3A_116] {strides = array<i32>} : memref<640x16xf32, #tpu.memory_space<vmem>>, vector<1x16xf32>,
      %swap3A_118 = vector.shape_cast %swap3A_117 : vector<1x16xf32> to vector<16xf32>
      %swap3A_119 = vector.shape_cast %mul3A_114 : vector<16xf32> to vector<1x16xf32>
      tpu.vector_store %arg13[%swap3A_115, %swap3A_116], %swap3A_119 {strides = array<i32>} : memref<640x16xf32, #tpu.memory_space<vmem>>, vector<1x16xf32>,
      %mul3A_120 = arith.constant 16 : i32
      %mul3A_121 = arith.muli %scan3A_20, %mul3A_120 : i32
      %add3A_122 = arith.constant 3 : i32
      %add3A_123 = arith.addi %mul3A_121, %add3A_122 : i32
      %get3A_124 = arith.index_cast %add3A_123 : i32 to index
      %get3A_125 = arith.constant 0 : index
      %get3A_126 = tpu.vector_load %arg10[%get3A_124, %get3A_125] {strides = array<i32>} : memref<640x16xf32, #tpu.memory_space<vmem>>, vector<1x16xf32>,
      %get3A_127 = vector.shape_cast %get3A_126 : vector<1x16xf32> to vector<16xf32>
      %get3A_128 = arith.index_cast %add3A_123 : i32 to index
      %get3A_129 = arith.constant 0 : index
      %get3A_130 = tpu.vector_load %arg11[%get3A_128, %get3A_129] {strides = array<i32>} : memref<640x16xf32, #tpu.memory_space<vmem>>, vector<1x16xf32>,
      %get3A_131 = vector.shape_cast %get3A_130 : vector<1x16xf32> to vector<16xf32>
      %add3A_132 = arith.addf %get3A_127, %get3A_131 : vector<16xf32>
      %slice3A_133 = vector.extract_strided_slice %div3A_33 {offsets = [3], sizes = [1], strides = [1]} : vector<16xf32> to vector<1xf32>
      %squeeze3A_134 = vector.extract %slice3A_133[0] : f32 from vector<1xf32>
      %broadcast_in_dim3A_135 = vector.broadcast %squeeze3A_134 : f32 to vector<16xf32>
      %mul3A_136 = arith.mulf %add3A_132, %broadcast_in_dim3A_135 : vector<16xf32>
      %swap3A_137 = arith.index_cast %add3A_123 : i32 to index
      %swap3A_138 = arith.constant 0 : index
      %swap3A_139 = tpu.vector_load %arg12[%swap3A_137, %swap3A_138] {strides = array<i32>} : memref<640x16xf32, #tpu.memory_space<vmem>>, vector<1x16xf32>,
      %swap3A_140 = vector.shape_cast %swap3A_139 : vector<1x16xf32> to vector<16xf32>
      %swap3A_141 = vector.shape_cast %mul3A_136 : vector<16xf32> to vector<1x16xf32>
      tpu.vector_store %arg12[%swap3A_137, %swap3A_138], %swap3A_141 {strides = array<i32>} : memref<640x16xf32, #tpu.memory_space<vmem>>, vector<1x16xf32>,
      %mul3A_142 = arith.constant 5.000000e-01 : f32
      %mul3A_143 = vector.broadcast %mul3A_142 : f32 to vector<16xf32>
      %mul3A_144 = arith.mulf %mul3A_136, %mul3A_143 : vector<16xf32>
      %swap3A_145 = arith.index_cast %add3A_123 : i32 to index
      %swap3A_146 = arith.constant 0 : index
      %swap3A_147 = tpu.vector_load %arg13[%swap3A_145, %swap3A_146] {strides = array<i32>} : memref<640x16xf32, #tpu.memory_space<vmem>>, vector<1x16xf32>,
      %swap3A_148 = vector.shape_cast %swap3A_147 : vector<1x16xf32> to vector<16xf32>
      %swap3A_149 = vector.shape_cast %mul3A_144 : vector<16xf32> to vector<1x16xf32>
      tpu.vector_store %arg13[%swap3A_145, %swap3A_146], %swap3A_149 {strides = array<i32>} : memref<640x16xf32, #tpu.memory_space<vmem>>, vector<1x16xf32>,
      %mul3A_150 = arith.constant 16 : i32
      %mul3A_151 = arith.muli %scan3A_20, %mul3A_150 : i32
      %add3A_152 = arith.constant 4 : i32
      %add3A_153 = arith.addi %mul3A_151, %add3A_152 : i32
      %get3A_154 = arith.index_cast %add3A_153 : i32 to index
      %get3A_155 = arith.constant 0 : index
      %get3A_156 = tpu.vector_load %arg10[%get3A_154, %get3A_155] {strides = array<i32>} : memref<640x16xf32, #tpu.memory_space<vmem>>, vector<1x16xf32>,
      %get3A_157 = vector.shape_cast %get3A_156 : vector<1x16xf32> to vector<16xf32>
      %get3A_158 = arith.index_cast %add3A_153 : i32 to index
      %get3A_159 = arith.constant 0 : index
      %get3A_160 = tpu.vector_load %arg11[%get3A_158, %get3A_159] {strides = array<i32>} : memref<640x16xf32, #tpu.memory_space<vmem>>, vector<1x16xf32>,
      %get3A_161 = vector.shape_cast %get3A_160 : vector<1x16xf32> to vector<16xf32>
      %add3A_162 = arith.addf %get3A_157, %get3A_161 : vector<16xf32>
      %slice3A_163 = vector.extract_strided_slice %div3A_33 {offsets = [4], sizes = [1], strides = [1]} : vector<16xf32> to vector<1xf32>
      %squeeze3A_164 = vector.extract %slice3A_163[0] : f32 from vector<1xf32>
      %broadcast_in_dim3A_165 = vector.broadcast %squeeze3A_164 : f32 to vector<16xf32>
      %mul3A_166 = arith.mulf %add3A_162, %broadcast_in_dim3A_165 : vector<16xf32>
      %swap3A_167 = arith.index_cast %add3A_153 : i32 to index
      %swap3A_168 = arith.constant 0 : index
      %swap3A_169 = tpu.vector_load %arg12[%swap3A_167, %swap3A_168] {strides = array<i32>} : memref<640x16xf32, #tpu.memory_space<vmem>>, vector<1x16xf32>,
      %swap3A_170 = vector.shape_cast %swap3A_169 : vector<1x16xf32> to vector<16xf32>
      %swap3A_171 = vector.shape_cast %mul3A_166 : vector<16xf32> to vector<1x16xf32>
      tpu.vector_store %arg12[%swap3A_167, %swap3A_168], %swap3A_171 {strides = array<i32>} : memref<640x16xf32, #tpu.memory_space<vmem>>, vector<1x16xf32>,
      %mul3A_172 = arith.constant 5.000000e-01 : f32
      %mul3A_173 = vector.broadcast %mul3A_172 : f32 to vector<16xf32>
      %mul3A_174 = arith.mulf %mul3A_166, %mul3A_173 : vector<16xf32>
      %swap3A_175 = arith.index_cast %add3A_153 : i32 to index
      %swap3A_176 = arith.constant 0 : index
      %swap3A_177 = tpu.vector_load %arg13[%swap3A_175, %swap3A_176] {strides = array<i32>} : memref<640x16xf32, #tpu.memory_space<vmem>>, vector<1x16xf32>,
      %swap3A_178 = vector.shape_cast %swap3A_177 : vector<1x16xf32> to vector<16xf32>
      %swap3A_179 = vector.shape_cast %mul3A_174 : vector<16xf32> to vector<1x16xf32>
      tpu.vector_store %arg13[%swap3A_175, %swap3A_176], %swap3A_179 {strides = array<i32>} : memref<640x16xf32, #tpu.memory_space<vmem>>, vector<1x16xf32>,
      %mul3A_180 = arith.constant 16 : i32
      %mul3A_181 = arith.muli %scan3A_20, %mul3A_180 : i32
      %add3A_182 = arith.constant 5 : i32
      %add3A_183 = arith.addi %mul3A_181, %add3A_182 : i32
      %get3A_184 = arith.index_cast %add3A_183 : i32 to index
      %get3A_185 = arith.constant 0 : index
      %get3A_186 = tpu.vector_load %arg10[%get3A_184, %get3A_185] {strides = array<i32>} : memref<640x16xf32, #tpu.memory_space<vmem>>, vector<1x16xf32>,
      %get3A_187 = vector.shape_cast %get3A_186 : vector<1x16xf32> to vector<16xf32>
      %get3A_188 = arith.index_cast %add3A_183 : i32 to index
      %get3A_189 = arith.constant 0 : index
      %get3A_190 = tpu.vector_load %arg11[%get3A_188, %get3A_189] {strides = array<i32>} : memref<640x16xf32, #tpu.memory_space<vmem>>, vector<1x16xf32>,
      %get3A_191 = vector.shape_cast %get3A_190 : vector<1x16xf32> to vector<16xf32>
      %add3A_192 = arith.addf %get3A_187, %get3A_191 : vector<16xf32>
      %slice3A_193 = vector.extract_strided_slice %div3A_33 {offsets = [5], sizes = [1], strides = [1]} : vector<16xf32> to vector<1xf32>
      %squeeze3A_194 = vector.extract %slice3A_193[0] : f32 from vector<1xf32>
      %broadcast_in_dim3A_195 = vector.broadcast %squeeze3A_194 : f32 to vector<16xf32>
      %mul3A_196 = arith.mulf %add3A_192, %broadcast_in_dim3A_195 : vector<16xf32>
      %swap3A_197 = arith.index_cast %add3A_183 : i32 to index
      %swap3A_198 = arith.constant 0 : index
      %swap3A_199 = tpu.vector_load %arg12[%swap3A_197, %swap3A_198] {strides = array<i32>} : memref<640x16xf32, #tpu.memory_space<vmem>>, vector<1x16xf32>,
      %swap3A_200 = vector.shape_cast %swap3A_199 : vector<1x16xf32> to vector<16xf32>
      %swap3A_201 = vector.shape_cast %mul3A_196 : vector<16xf32> to vector<1x16xf32>
      tpu.vector_store %arg12[%swap3A_197, %swap3A_198], %swap3A_201 {strides = array<i32>} : memref<640x16xf32, #tpu.memory_space<vmem>>, vector<1x16xf32>,
      %mul3A_202 = arith.constant 5.000000e-01 : f32
      %mul3A_203 = vector.broadcast %mul3A_202 : f32 to vector<16xf32>
      %mul3A_204 = arith.mulf %mul3A_196, %mul3A_203 : vector<16xf32>
      %swap3A_205 = arith.index_cast %add3A_183 : i32 to index
      %swap3A_206 = arith.constant 0 : index
      %swap3A_207 = tpu.vector_load %arg13[%swap3A_205, %swap3A_206] {strides = array<i32>} : memref<640x16xf32, #tpu.memory_space<vmem>>, vector<1x16xf32>,
      %swap3A_208 = vector.shape_cast %swap3A_207 : vector<1x16xf32> to vector<16xf32>
      %swap3A_209 = vector.shape_cast %mul3A_204 : vector<16xf32> to vector<1x16xf32>
      tpu.vector_store %arg13[%swap3A_205, %swap3A_206], %swap3A_209 {strides = array<i32>} : memref<640x16xf32, #tpu.memory_space<vmem>>, vector<1x16xf32>,
      %mul3A_210 = arith.constant 16 : i32
      %mul3A_211 = arith.muli %scan3A_20, %mul3A_210 : i32
      %add3A_212 = arith.constant 6 : i32
      %add3A_213 = arith.addi %mul3A_211, %add3A_212 : i32
      %get3A_214 = arith.index_cast %add3A_213 : i32 to index
      %get3A_215 = arith.constant 0 : index
      %get3A_216 = tpu.vector_load %arg10[%get3A_214, %get3A_215] {strides = array<i32>} : memref<640x16xf32, #tpu.memory_space<vmem>>, vector<1x16xf32>,
      %get3A_217 = vector.shape_cast %get3A_216 : vector<1x16xf32> to vector<16xf32>
      %get3A_218 = arith.index_cast %add3A_213 : i32 to index
      %get3A_219 = arith.constant 0 : index
      %get3A_220 = tpu.vector_load %arg11[%get3A_218, %get3A_219] {strides = array<i32>} : memref<640x16xf32, #tpu.memory_space<vmem>>, vector<1x16xf32>,
      %get3A_221 = vector.shape_cast %get3A_220 : vector<1x16xf32> to vector<16xf32>
      %add3A_222 = arith.addf %get3A_217, %get3A_221 : vector<16xf32>
      %slice3A_223 = vector.extract_strided_slice %div3A_33 {offsets = [6], sizes = [1], strides = [1]} : vector<16xf32> to vector<1xf32>
      %squeeze3A_224 = vector.extract %slice3A_223[0] : f32 from vector<1xf32>
      %broadcast_in_dim3A_225 = vector.broadcast %squeeze3A_224 : f32 to vector<16xf32>
      %mul3A_226 = arith.mulf %add3A_222, %broadcast_in_dim3A_225 : vector<16xf32>
      %swap3A_227 = arith.index_cast %add3A_213 : i32 to index
      %swap3A_228 = arith.constant 0 : index
      %swap3A_229 = tpu.vector_load %arg12[%swap3A_227, %swap3A_228] {strides = array<i32>} : memref<640x16xf32, #tpu.memory_space<vmem>>, vector<1x16xf32>,
      %swap3A_230 = vector.shape_cast %swap3A_229 : vector<1x16xf32> to vector<16xf32>
      %swap3A_231 = vector.shape_cast %mul3A_226 : vector<16xf32> to vector<1x16xf32>
      tpu.vector_store %arg12[%swap3A_227, %swap3A_228], %swap3A_231 {strides = array<i32>} : memref<640x16xf32, #tpu.memory_space<vmem>>, vector<1x16xf32>,
      %mul3A_232 = arith.constant 5.000000e-01 : f32
      %mul3A_233 = vector.broadcast %mul3A_232 : f32 to vector<16xf32>
      %mul3A_234 = arith.mulf %mul3A_226, %mul3A_233 : vector<16xf32>
      %swap3A_235 = arith.index_cast %add3A_213 : i32 to index
      %swap3A_236 = arith.constant 0 : index
      %swap3A_237 = tpu.vector_load %arg13[%swap3A_235, %swap3A_236] {strides = array<i32>} : memref<640x16xf32, #tpu.memory_space<vmem>>, vector<1x16xf32>,
      %swap3A_238 = vector.shape_cast %swap3A_237 : vector<1x16xf32> to vector<16xf32>
      %swap3A_239 = vector.shape_cast %mul3A_234 : vector<16xf32> to vector<1x16xf32>
      tpu.vector_store %arg13[%swap3A_235, %swap3A_236], %swap3A_239 {strides = array<i32>} : memref<640x16xf32, #tpu.memory_space<vmem>>, vector<1x16xf32>,
      %mul3A_240 = arith.constant 16 : i32
      %mul3A_241 = arith.muli %scan3A_20, %mul3A_240 : i32
      %add3A_242 = arith.constant 7 : i32
      %add3A_243 = arith.addi %mul3A_241, %add3A_242 : i32
      %get3A_244 = arith.index_cast %add3A_243 : i32 to index
      %get3A_245 = arith.constant 0 : index
      %get3A_246 = tpu.vector_load %arg10[%get3A_244, %get3A_245] {strides = array<i32>} : memref<640x16xf32, #tpu.memory_space<vmem>>, vector<1x16xf32>,
      %get3A_247 = vector.shape_cast %get3A_246 : vector<1x16xf32> to vector<16xf32>
      %get3A_248 = arith.index_cast %add3A_243 : i32 to index
      %get3A_249 = arith.constant 0 : index
      %get3A_250 = tpu.vector_load %arg11[%get3A_248, %get3A_249] {strides = array<i32>} : memref<640x16xf32, #tpu.memory_space<vmem>>, vector<1x16xf32>,
      %get3A_251 = vector.shape_cast %get3A_250 : vector<1x16xf32> to vector<16xf32>
      %add3A_252 = arith.addf %get3A_247, %get3A_251 : vector<16xf32>
      %slice3A_253 = vector.extract_strided_slice %div3A_33 {offsets = [7], sizes = [1], strides = [1]} : vector<16xf32> to vector<1xf32>
      %squeeze3A_254 = vector.extract %slice3A_253[0] : f32 from vector<1xf32>
      %broadcast_in_dim3A_255 = vector.broadcast %squeeze3A_254 : f32 to vector<16xf32>
      %mul3A_256 = arith.mulf %add3A_252, %broadcast_in_dim3A_255 : vector<16xf32>
      %swap3A_257 = arith.index_cast %add3A_243 : i32 to index
      %swap3A_258 = arith.constant 0 : index
      %swap3A_259 = tpu.vector_load %arg12[%swap3A_257, %swap3A_258] {strides = array<i32>} : memref<640x16xf32, #tpu.memory_space<vmem>>, vector<1x16xf32>,
      %swap3A_260 = vector.shape_cast %swap3A_259 : vector<1x16xf32> to vector<16xf32>
      %swap3A_261 = vector.shape_cast %mul3A_256 : vector<16xf32> to vector<1x16xf32>
      tpu.vector_store %arg12[%swap3A_257, %swap3A_258], %swap3A_261 {strides = array<i32>} : memref<640x16xf32, #tpu.memory_space<vmem>>, vector<1x16xf32>,
      %mul3A_262 = arith.constant 5.000000e-01 : f32
      %mul3A_263 = vector.broadcast %mul3A_262 : f32 to vector<16xf32>
      %mul3A_264 = arith.mulf %mul3A_256, %mul3A_263 : vector<16xf32>
      %swap3A_265 = arith.index_cast %add3A_243 : i32 to index
      %swap3A_266 = arith.constant 0 : index
      %swap3A_267 = tpu.vector_load %arg13[%swap3A_265, %swap3A_266] {strides = array<i32>} : memref<640x16xf32, #tpu.memory_space<vmem>>, vector<1x16xf32>,
      %swap3A_268 = vector.shape_cast %swap3A_267 : vector<1x16xf32> to vector<16xf32>
      %swap3A_269 = vector.shape_cast %mul3A_264 : vector<16xf32> to vector<1x16xf32>
      tpu.vector_store %arg13[%swap3A_265, %swap3A_266], %swap3A_269 {strides = array<i32>} : memref<640x16xf32, #tpu.memory_space<vmem>>, vector<1x16xf32>,
      %mul3A_270 = arith.constant 16 : i32
      %mul3A_271 = arith.muli %scan3A_20, %mul3A_270 : i32
      %add3A_272 = arith.constant 8 : i32
      %add3A_273 = arith.addi %mul3A_271, %add3A_272 : i32
      %get3A_274 = arith.index_cast %add3A_273 : i32 to index
      %get3A_275 = arith.constant 0 : index
      %get3A_276 = tpu.vector_load %arg10[%get3A_274, %get3A_275] {strides = array<i32>} : memref<640x16xf32, #tpu.memory_space<vmem>>, vector<1x16xf32>,
      %get3A_277 = vector.shape_cast %get3A_276 : vector<1x16xf32> to vector<16xf32>
      %get3A_278 = arith.index_cast %add3A_273 : i32 to index
      %get3A_279 = arith.constant 0 : index
      %get3A_280 = tpu.vector_load %arg11[%get3A_278, %get3A_279] {strides = array<i32>} : memref<640x16xf32, #tpu.memory_space<vmem>>, vector<1x16xf32>,
      %get3A_281 = vector.shape_cast %get3A_280 : vector<1x16xf32> to vector<16xf32>
      %add3A_282 = arith.addf %get3A_277, %get3A_281 : vector<16xf32>
      %slice3A_283 = vector.extract_strided_slice %div3A_33 {offsets = [8], sizes = [1], strides = [1]} : vector<16xf32> to vector<1xf32>
      %squeeze3A_284 = vector.extract %slice3A_283[0] : f32 from vector<1xf32>
      %broadcast_in_dim3A_285 = vector.broadcast %squeeze3A_284 : f32 to vector<16xf32>
      %mul3A_286 = arith.mulf %add3A_282, %broadcast_in_dim3A_285 : vector<16xf32>
      %swap3A_287 = arith.index_cast %add3A_273 : i32 to index
      %swap3A_288 = arith.constant 0 : index
      %swap3A_289 = tpu.vector_load %arg12[%swap3A_287, %swap3A_288] {strides = array<i32>} : memref<640x16xf32, #tpu.memory_space<vmem>>, vector<1x16xf32>,
      %swap3A_290 = vector.shape_cast %swap3A_289 : vector<1x16xf32> to vector<16xf32>
      %swap3A_291 = vector.shape_cast %mul3A_286 : vector<16xf32> to vector<1x16xf32>
      tpu.vector_store %arg12[%swap3A_287, %swap3A_288], %swap3A_291 {strides = array<i32>} : memref<640x16xf32, #tpu.memory_space<vmem>>, vector<1x16xf32>,
      %mul3A_292 = arith.constant 5.000000e-01 : f32
      %mul3A_293 = vector.broadcast %mul3A_292 : f32 to vector<16xf32>
      %mul3A_294 = arith.mulf %mul3A_286, %mul3A_293 : vector<16xf32>
      %swap3A_295 = arith.index_cast %add3A_273 : i32 to index
      %swap3A_296 = arith.constant 0 : index
      %swap3A_297 = tpu.vector_load %arg13[%swap3A_295, %swap3A_296] {strides = array<i32>} : memref<640x16xf32, #tpu.memory_space<vmem>>, vector<1x16xf32>,
      %swap3A_298 = vector.shape_cast %swap3A_297 : vector<1x16xf32> to vector<16xf32>
      %swap3A_299 = vector.shape_cast %mul3A_294 : vector<16xf32> to vector<1x16xf32>
      tpu.vector_store %arg13[%swap3A_295, %swap3A_296], %swap3A_299 {strides = array<i32>} : memref<640x16xf32, #tpu.memory_space<vmem>>, vector<1x16xf32>,
      %mul3A_300 = arith.constant 16 : i32
      %mul3A_301 = arith.muli %scan3A_20, %mul3A_300 : i32
      %add3A_302 = arith.constant 9 : i32
      %add3A_303 = arith.addi %mul3A_301, %add3A_302 : i32
      %get3A_304 = arith.index_cast %add3A_303 : i32 to index
      %get3A_305 = arith.constant 0 : index
      %get3A_306 = tpu.vector_load %arg10[%get3A_304, %get3A_305] {strides = array<i32>} : memref<640x16xf32, #tpu.memory_space<vmem>>, vector<1x16xf32>,
      %get3A_307 = vector.shape_cast %get3A_306 : vector<1x16xf32> to vector<16xf32>
      %get3A_308 = arith.index_cast %add3A_303 : i32 to index
      %get3A_309 = arith.constant 0 : index
      %get3A_310 = tpu.vector_load %arg11[%get3A_308, %get3A_309] {strides = array<i32>} : memref<640x16xf32, #tpu.memory_space<vmem>>, vector<1x16xf32>,
      %get3A_311 = vector.shape_cast %get3A_310 : vector<1x16xf32> to vector<16xf32>
      %add3A_312 = arith.addf %get3A_307, %get3A_311 : vector<16xf32>
      %slice3A_313 = vector.extract_strided_slice %div3A_33 {offsets = [9], sizes = [1], strides = [1]} : vector<16xf32> to vector<1xf32>
      %squeeze3A_314 = vector.extract %slice3A_313[0] : f32 from vector<1xf32>
      %broadcast_in_dim3A_315 = vector.broadcast %squeeze3A_314 : f32 to vector<16xf32>
      %mul3A_316 = arith.mulf %add3A_312, %broadcast_in_dim3A_315 : vector<16xf32>
      %swap3A_317 = arith.index_cast %add3A_303 : i32 to index
      %swap3A_318 = arith.constant 0 : index
      %swap3A_319 = tpu.vector_load %arg12[%swap3A_317, %swap3A_318] {strides = array<i32>} : memref<640x16xf32, #tpu.memory_space<vmem>>, vector<1x16xf32>,
      %swap3A_320 = vector.shape_cast %swap3A_319 : vector<1x16xf32> to vector<16xf32>
      %swap3A_321 = vector.shape_cast %mul3A_316 : vector<16xf32> to vector<1x16xf32>
      tpu.vector_store %arg12[%swap3A_317, %swap3A_318], %swap3A_321 {strides = array<i32>} : memref<640x16xf32, #tpu.memory_space<vmem>>, vector<1x16xf32>,
      %mul3A_322 = arith.constant 5.000000e-01 : f32
      %mul3A_323 = vector.broadcast %mul3A_322 : f32 to vector<16xf32>
      %mul3A_324 = arith.mulf %mul3A_316, %mul3A_323 : vector<16xf32>
      %swap3A_325 = arith.index_cast %add3A_303 : i32 to index
      %swap3A_326 = arith.constant 0 : index
      %swap3A_327 = tpu.vector_load %arg13[%swap3A_325, %swap3A_326] {strides = array<i32>} : memref<640x16xf32, #tpu.memory_space<vmem>>, vector<1x16xf32>,
      %swap3A_328 = vector.shape_cast %swap3A_327 : vector<1x16xf32> to vector<16xf32>
      %swap3A_329 = vector.shape_cast %mul3A_324 : vector<16xf32> to vector<1x16xf32>
      tpu.vector_store %arg13[%swap3A_325, %swap3A_326], %swap3A_329 {strides = array<i32>} : memref<640x16xf32, #tpu.memory_space<vmem>>, vector<1x16xf32>,
      %mul3A_330 = arith.constant 16 : i32
      %mul3A_331 = arith.muli %scan3A_20, %mul3A_330 : i32
      %add3A_332 = arith.constant 10 : i32
      %add3A_333 = arith.addi %mul3A_331, %add3A_332 : i32
      %get3A_334 = arith.index_cast %add3A_333 : i32 to index
      %get3A_335 = arith.constant 0 : index
      %get3A_336 = tpu.vector_load %arg10[%get3A_334, %get3A_335] {strides = array<i32>} : memref<640x16xf32, #tpu.memory_space<vmem>>, vector<1x16xf32>,
      %get3A_337 = vector.shape_cast %get3A_336 : vector<1x16xf32> to vector<16xf32>
      %get3A_338 = arith.index_cast %add3A_333 : i32 to index
      %get3A_339 = arith.constant 0 : index
      %get3A_340 = tpu.vector_load %arg11[%get3A_338, %get3A_339] {strides = array<i32>} : memref<640x16xf32, #tpu.memory_space<vmem>>, vector<1x16xf32>,
      %get3A_341 = vector.shape_cast %get3A_340 : vector<1x16xf32> to vector<16xf32>
      %add3A_342 = arith.addf %get3A_337, %get3A_341 : vector<16xf32>
      %slice3A_343 = vector.extract_strided_slice %div3A_33 {offsets = [10], sizes = [1], strides = [1]} : vector<16xf32> to vector<1xf32>
      %squeeze3A_344 = vector.extract %slice3A_343[0] : f32 from vector<1xf32>
      %broadcast_in_dim3A_345 = vector.broadcast %squeeze3A_344 : f32 to vector<16xf32>
      %mul3A_346 = arith.mulf %add3A_342, %broadcast_in_dim3A_345 : vector<16xf32>
      %swap3A_347 = arith.index_cast %add3A_333 : i32 to index
      %swap3A_348 = arith.constant 0 : index
      %swap3A_349 = tpu.vector_load %arg12[%swap3A_347, %swap3A_348] {strides = array<i32>} : memref<640x16xf32, #tpu.memory_space<vmem>>, vector<1x16xf32>,
      %swap3A_350 = vector.shape_cast %swap3A_349 : vector<1x16xf32> to vector<16xf32>
      %swap3A_351 = vector.shape_cast %mul3A_346 : vector<16xf32> to vector<1x16xf32>
      tpu.vector_store %arg12[%swap3A_347, %swap3A_348], %swap3A_351 {strides = array<i32>} : memref<640x16xf32, #tpu.memory_space<vmem>>, vector<1x16xf32>,
      %mul3A_352 = arith.constant 5.000000e-01 : f32
      %mul3A_353 = vector.broadcast %mul3A_352 : f32 to vector<16xf32>
      %mul3A_354 = arith.mulf %mul3A_346, %mul3A_353 : vector<16xf32>
      %swap3A_355 = arith.index_cast %add3A_333 : i32 to index
      %swap3A_356 = arith.constant 0 : index
      %swap3A_357 = tpu.vector_load %arg13[%swap3A_355, %swap3A_356] {strides = array<i32>} : memref<640x16xf32, #tpu.memory_space<vmem>>, vector<1x16xf32>,
      %swap3A_358 = vector.shape_cast %swap3A_357 : vector<1x16xf32> to vector<16xf32>
      %swap3A_359 = vector.shape_cast %mul3A_354 : vector<16xf32> to vector<1x16xf32>
      tpu.vector_store %arg13[%swap3A_355, %swap3A_356], %swap3A_359 {strides = array<i32>} : memref<640x16xf32, #tpu.memory_space<vmem>>, vector<1x16xf32>,
      %mul3A_360 = arith.constant 16 : i32
      %mul3A_361 = arith.muli %scan3A_20, %mul3A_360 : i32
      %add3A_362 = arith.constant 11 : i32
      %add3A_363 = arith.addi %mul3A_361, %add3A_362 : i32
      %get3A_364 = arith.index_cast %add3A_363 : i32 to index
      %get3A_365 = arith.constant 0 : index
      %get3A_366 = tpu.vector_load %arg10[%get3A_364, %get3A_365] {strides = array<i32>} : memref<640x16xf32, #tpu.memory_space<vmem>>, vector<1x16xf32>,
      %get3A_367 = vector.shape_cast %get3A_366 : vector<1x16xf32> to vector<16xf32>
      %get3A_368 = arith.index_cast %add3A_363 : i32 to index
      %get3A_369 = arith.constant 0 : index
      %get3A_370 = tpu.vector_load %arg11[%get3A_368, %get3A_369] {strides = array<i32>} : memref<640x16xf32, #tpu.memory_space<vmem>>, vector<1x16xf32>,
      %get3A_371 = vector.shape_cast %get3A_370 : vector<1x16xf32> to vector<16xf32>
      %add3A_372 = arith.addf %get3A_367, %get3A_371 : vector<16xf32>
      %slice3A_373 = vector.extract_strided_slice %div3A_33 {offsets = [11], sizes = [1], strides = [1]} : vector<16xf32> to vector<1xf32>
      %squeeze3A_374 = vector.extract %slice3A_373[0] : f32 from vector<1xf32>
      %broadcast_in_dim3A_375 = vector.broadcast %squeeze3A_374 : f32 to vector<16xf32>
      %mul3A_376 = arith.mulf %add3A_372, %broadcast_in_dim3A_375 : vector<16xf32>
      %swap3A_377 = arith.index_cast %add3A_363 : i32 to index
      %swap3A_378 = arith.constant 0 : index
      %swap3A_379 = tpu.vector_load %arg12[%swap3A_377, %swap3A_378] {strides = array<i32>} : memref<640x16xf32, #tpu.memory_space<vmem>>, vector<1x16xf32>,
      %swap3A_380 = vector.shape_cast %swap3A_379 : vector<1x16xf32> to vector<16xf32>
      %swap3A_381 = vector.shape_cast %mul3A_376 : vector<16xf32> to vector<1x16xf32>
      tpu.vector_store %arg12[%swap3A_377, %swap3A_378], %swap3A_381 {strides = array<i32>} : memref<640x16xf32, #tpu.memory_space<vmem>>, vector<1x16xf32>,
      %mul3A_382 = arith.constant 5.000000e-01 : f32
      %mul3A_383 = vector.broadcast %mul3A_382 : f32 to vector<16xf32>
      %mul3A_384 = arith.mulf %mul3A_376, %mul3A_383 : vector<16xf32>
      %swap3A_385 = arith.index_cast %add3A_363 : i32 to index
      %swap3A_386 = arith.constant 0 : index
      %swap3A_387 = tpu.vector_load %arg13[%swap3A_385, %swap3A_386] {strides = array<i32>} : memref<640x16xf32, #tpu.memory_space<vmem>>, vector<1x16xf32>,
      %swap3A_388 = vector.shape_cast %swap3A_387 : vector<1x16xf32> to vector<16xf32>
      %swap3A_389 = vector.shape_cast %mul3A_384 : vector<16xf32> to vector<1x16xf32>
      tpu.vector_store %arg13[%swap3A_385, %swap3A_386], %swap3A_389 {strides = array<i32>} : memref<640x16xf32, #tpu.memory_space<vmem>>, vector<1x16xf32>,
      %mul3A_390 = arith.constant 16 : i32
      %mul3A_391 = arith.muli %scan3A_20, %mul3A_390 : i32
      %add3A_392 = arith.constant 12 : i32
      %add3A_393 = arith.addi %mul3A_391, %add3A_392 : i32
      %get3A_394 = arith.index_cast %add3A_393 : i32 to index
      %get3A_395 = arith.constant 0 : index
      %get3A_396 = tpu.vector_load %arg10[%get3A_394, %get3A_395] {strides = array<i32>} : memref<640x16xf32, #tpu.memory_space<vmem>>, vector<1x16xf32>,
      %get3A_397 = vector.shape_cast %get3A_396 : vector<1x16xf32> to vector<16xf32>
      %get3A_398 = arith.index_cast %add3A_393 : i32 to index
      %get3A_399 = arith.constant 0 : index
      %get3A_400 = tpu.vector_load %arg11[%get3A_398, %get3A_399] {strides = array<i32>} : memref<640x16xf32, #tpu.memory_space<vmem>>, vector<1x16xf32>,
      %get3A_401 = vector.shape_cast %get3A_400 : vector<1x16xf32> to vector<16xf32>
      %add3A_402 = arith.addf %get3A_397, %get3A_401 : vector<16xf32>
      %slice3A_403 = vector.extract_strided_slice %div3A_33 {offsets = [12], sizes = [1], strides = [1]} : vector<16xf32> to vector<1xf32>
      %squeeze3A_404 = vector.extract %slice3A_403[0] : f32 from vector<1xf32>
      %broadcast_in_dim3A_405 = vector.broadcast %squeeze3A_404 : f32 to vector<16xf32>
      %mul3A_406 = arith.mulf %add3A_402, %broadcast_in_dim3A_405 : vector<16xf32>
      %swap3A_407 = arith.index_cast %add3A_393 : i32 to index
      %swap3A_408 = arith.constant 0 : index
      %swap3A_409 = tpu.vector_load %arg12[%swap3A_407, %swap3A_408] {strides = array<i32>} : memref<640x16xf32, #tpu.memory_space<vmem>>, vector<1x16xf32>,
      %swap3A_410 = vector.shape_cast %swap3A_409 : vector<1x16xf32> to vector<16xf32>
      %swap3A_411 = vector.shape_cast %mul3A_406 : vector<16xf32> to vector<1x16xf32>
      tpu.vector_store %arg12[%swap3A_407, %swap3A_408], %swap3A_411 {strides = array<i32>} : memref<640x16xf32, #tpu.memory_space<vmem>>, vector<1x16xf32>,
      %mul3A_412 = arith.constant 5.000000e-01 : f32
      %mul3A_413 = vector.broadcast %mul3A_412 : f32 to vector<16xf32>
      %mul3A_414 = arith.mulf %mul3A_406, %mul3A_413 : vector<16xf32>
      %swap3A_415 = arith.index_cast %add3A_393 : i32 to index
      %swap3A_416 = arith.constant 0 : index
      %swap3A_417 = tpu.vector_load %arg13[%swap3A_415, %swap3A_416] {strides = array<i32>} : memref<640x16xf32, #tpu.memory_space<vmem>>, vector<1x16xf32>,
      %swap3A_418 = vector.shape_cast %swap3A_417 : vector<1x16xf32> to vector<16xf32>
      %swap3A_419 = vector.shape_cast %mul3A_414 : vector<16xf32> to vector<1x16xf32>
      tpu.vector_store %arg13[%swap3A_415, %swap3A_416], %swap3A_419 {strides = array<i32>} : memref<640x16xf32, #tpu.memory_space<vmem>>, vector<1x16xf32>,
      %mul3A_420 = arith.constant 16 : i32
      %mul3A_421 = arith.muli %scan3A_20, %mul3A_420 : i32
      %add3A_422 = arith.constant 13 : i32
      %add3A_423 = arith.addi %mul3A_421, %add3A_422 : i32
      %get3A_424 = arith.index_cast %add3A_423 : i32 to index
      %get3A_425 = arith.constant 0 : index
      %get3A_426 = tpu.vector_load %arg10[%get3A_424, %get3A_425] {strides = array<i32>} : memref<640x16xf32, #tpu.memory_space<vmem>>, vector<1x16xf32>,
      %get3A_427 = vector.shape_cast %get3A_426 : vector<1x16xf32> to vector<16xf32>
      %get3A_428 = arith.index_cast %add3A_423 : i32 to index
      %get3A_429 = arith.constant 0 : index
      %get3A_430 = tpu.vector_load %arg11[%get3A_428, %get3A_429] {strides = array<i32>} : memref<640x16xf32, #tpu.memory_space<vmem>>, vector<1x16xf32>,
      %get3A_431 = vector.shape_cast %get3A_430 : vector<1x16xf32> to vector<16xf32>
      %add3A_432 = arith.addf %get3A_427, %get3A_431 : vector<16xf32>
      %slice3A_433 = vector.extract_strided_slice %div3A_33 {offsets = [13], sizes = [1], strides = [1]} : vector<16xf32> to vector<1xf32>
      %squeeze3A_434 = vector.extract %slice3A_433[0] : f32 from vector<1xf32>
      %broadcast_in_dim3A_435 = vector.broadcast %squeeze3A_434 : f32 to vector<16xf32>
      %mul3A_436 = arith.mulf %add3A_432, %broadcast_in_dim3A_435 : vector<16xf32>
      %swap3A_437 = arith.index_cast %add3A_423 : i32 to index
      %swap3A_438 = arith.constant 0 : index
      %swap3A_439 = tpu.vector_load %arg12[%swap3A_437, %swap3A_438] {strides = array<i32>} : memref<640x16xf32, #tpu.memory_space<vmem>>, vector<1x16xf32>,
      %swap3A_440 = vector.shape_cast %swap3A_439 : vector<1x16xf32> to vector<16xf32>
      %swap3A_441 = vector.shape_cast %mul3A_436 : vector<16xf32> to vector<1x16xf32>
      tpu.vector_store %arg12[%swap3A_437, %swap3A_438], %swap3A_441 {strides = array<i32>} : memref<640x16xf32, #tpu.memory_space<vmem>>, vector<1x16xf32>,
      %mul3A_442 = arith.constant 5.000000e-01 : f32
      %mul3A_443 = vector.broadcast %mul3A_442 : f32 to vector<16xf32>
      %mul3A_444 = arith.mulf %mul3A_436, %mul3A_443 : vector<16xf32>
      %swap3A_445 = arith.index_cast %add3A_423 : i32 to index
      %swap3A_446 = arith.constant 0 : index
      %swap3A_447 = tpu.vector_load %arg13[%swap3A_445, %swap3A_446] {strides = array<i32>} : memref<640x16xf32, #tpu.memory_space<vmem>>, vector<1x16xf32>,
      %swap3A_448 = vector.shape_cast %swap3A_447 : vector<1x16xf32> to vector<16xf32>
      %swap3A_449 = vector.shape_cast %mul3A_444 : vector<16xf32> to vector<1x16xf32>
      tpu.vector_store %arg13[%swap3A_445, %swap3A_446], %swap3A_449 {strides = array<i32>} : memref<640x16xf32, #tpu.memory_space<vmem>>, vector<1x16xf32>,
      %mul3A_450 = arith.constant 16 : i32
      %mul3A_451 = arith.muli %scan3A_20, %mul3A_450 : i32
      %add3A_452 = arith.constant 14 : i32
      %add3A_453 = arith.addi %mul3A_451, %add3A_452 : i32
      %get3A_454 = arith.index_cast %add3A_453 : i32 to index
      %get3A_455 = arith.constant 0 : index
      %get3A_456 = tpu.vector_load %arg10[%get3A_454, %get3A_455] {strides = array<i32>} : memref<640x16xf32, #tpu.memory_space<vmem>>, vector<1x16xf32>,
      %get3A_457 = vector.shape_cast %get3A_456 : vector<1x16xf32> to vector<16xf32>
      %get3A_458 = arith.index_cast %add3A_453 : i32 to index
      %get3A_459 = arith.constant 0 : index
      %get3A_460 = tpu.vector_load %arg11[%get3A_458, %get3A_459] {strides = array<i32>} : memref<640x16xf32, #tpu.memory_space<vmem>>, vector<1x16xf32>,
      %get3A_461 = vector.shape_cast %get3A_460 : vector<1x16xf32> to vector<16xf32>
      %add3A_462 = arith.addf %get3A_457, %get3A_461 : vector<16xf32>
      %slice3A_463 = vector.extract_strided_slice %div3A_33 {offsets = [14], sizes = [1], strides = [1]} : vector<16xf32> to vector<1xf32>
      %squeeze3A_464 = vector.extract %slice3A_463[0] : f32 from vector<1xf32>
      %broadcast_in_dim3A_465 = vector.broadcast %squeeze3A_464 : f32 to vector<16xf32>
      %mul3A_466 = arith.mulf %add3A_462, %broadcast_in_dim3A_465 : vector<16xf32>
      %swap3A_467 = arith.index_cast %add3A_453 : i32 to index
      %swap3A_468 = arith.constant 0 : index
      %swap3A_469 = tpu.vector_load %arg12[%swap3A_467, %swap3A_468] {strides = array<i32>} : memref<640x16xf32, #tpu.memory_space<vmem>>, vector<1x16xf32>,
      %swap3A_470 = vector.shape_cast %swap3A_469 : vector<1x16xf32> to vector<16xf32>
      %swap3A_471 = vector.shape_cast %mul3A_466 : vector<16xf32> to vector<1x16xf32>
      tpu.vector_store %arg12[%swap3A_467, %swap3A_468], %swap3A_471 {strides = array<i32>} : memref<640x16xf32, #tpu.memory_space<vmem>>, vector<1x16xf32>,
      %mul3A_472 = arith.constant 5.000000e-01 : f32
      %mul3A_473 = vector.broadcast %mul3A_472 : f32 to vector<16xf32>
      %mul3A_474 = arith.mulf %mul3A_466, %mul3A_473 : vector<16xf32>
      %swap3A_475 = arith.index_cast %add3A_453 : i32 to index
      %swap3A_476 = arith.constant 0 : index
      %swap3A_477 = tpu.vector_load %arg13[%swap3A_475, %swap3A_476] {strides = array<i32>} : memref<640x16xf32, #tpu.memory_space<vmem>>, vector<1x16xf32>,
      %swap3A_478 = vector.shape_cast %swap3A_477 : vector<1x16xf32> to vector<16xf32>
      %swap3A_479 = vector.shape_cast %mul3A_474 : vector<16xf32> to vector<1x16xf32>
      tpu.vector_store %arg13[%swap3A_475, %swap3A_476], %swap3A_479 {strides = array<i32>} : memref<640x16xf32, #tpu.memory_space<vmem>>, vector<1x16xf32>,
      %mul3A_480 = arith.constant 16 : i32
      %mul3A_481 = arith.muli %scan3A_20, %mul3A_480 : i32
      %add3A_482 = arith.constant 15 : i32
      %add3A_483 = arith.addi %mul3A_481, %add3A_482 : i32
      %get3A_484 = arith.index_cast %add3A_483 : i32 to index
      %get3A_485 = arith.constant 0 : index
      %get3A_486 = tpu.vector_load %arg10[%get3A_484, %get3A_485] {strides = array<i32>} : memref<640x16xf32, #tpu.memory_space<vmem>>, vector<1x16xf32>,
      %get3A_487 = vector.shape_cast %get3A_486 : vector<1x16xf32> to vector<16xf32>
      %get3A_488 = arith.index_cast %add3A_483 : i32 to index
      %get3A_489 = arith.constant 0 : index
      %get3A_490 = tpu.vector_load %arg11[%get3A_488, %get3A_489] {strides = array<i32>} : memref<640x16xf32, #tpu.memory_space<vmem>>, vector<1x16xf32>,
      %get3A_491 = vector.shape_cast %get3A_490 : vector<1x16xf32> to vector<16xf32>
      %add3A_492 = arith.addf %get3A_487, %get3A_491 : vector<16xf32>
      %slice3A_493 = vector.extract_strided_slice %div3A_33 {offsets = [15], sizes = [1], strides = [1]} : vector<16xf32> to vector<1xf32>
      %squeeze3A_494 = vector.extract %slice3A_493[0] : f32 from vector<1xf32>
      %broadcast_in_dim3A_495 = vector.broadcast %squeeze3A_494 : f32 to vector<16xf32>
      %mul3A_496 = arith.mulf %add3A_492, %broadcast_in_dim3A_495 : vector<16xf32>
      %swap3A_497 = arith.index_cast %add3A_483 : i32 to index
      %swap3A_498 = arith.constant 0 : index
      %swap3A_499 = tpu.vector_load %arg12[%swap3A_497, %swap3A_498] {strides = array<i32>} : memref<640x16xf32, #tpu.memory_space<vmem>>, vector<1x16xf32>,
      %swap3A_500 = vector.shape_cast %swap3A_499 : vector<1x16xf32> to vector<16xf32>
      %swap3A_501 = vector.shape_cast %mul3A_496 : vector<16xf32> to vector<1x16xf32>
      tpu.vector_store %arg12[%swap3A_497, %swap3A_498], %swap3A_501 {strides = array<i32>} : memref<640x16xf32, #tpu.memory_space<vmem>>, vector<1x16xf32>,
      %mul3A_502 = arith.constant 5.000000e-01 : f32
      %mul3A_503 = vector.broadcast %mul3A_502 : f32 to vector<16xf32>
      %mul3A_504 = arith.mulf %mul3A_496, %mul3A_503 : vector<16xf32>
      %swap3A_505 = arith.index_cast %add3A_483 : i32 to index
      %swap3A_506 = arith.constant 0 : index
      %swap3A_507 = tpu.vector_load %arg13[%swap3A_505, %swap3A_506] {strides = array<i32>} : memref<640x16xf32, #tpu.memory_space<vmem>>, vector<1x16xf32>,
      %swap3A_508 = vector.shape_cast %swap3A_507 : vector<1x16xf32> to vector<16xf32>
      %swap3A_509 = vector.shape_cast %mul3A_504 : vector<16xf32> to vector<1x16xf32>
      tpu.vector_store %arg13[%swap3A_505, %swap3A_506], %swap3A_509 {strides = array<i32>} : memref<640x16xf32, #tpu.memory_space<vmem>>, vector<1x16xf32>,
      %scan3A_510 = arith.constant 0 : i32
      scf.yield %scan3A_510 : i32
    }
    %scan3A_11 = arith.constant 40 : i32
    "tpu.region"() ({
      %run_scoped3A_20 = tpu.sem_alloc : memref<!tpu.dma_semaphore, #tpu.memory_space<semaphore_mem>>
      %dma_start3A = arith.constant 0 : i32
      %dma_start3A_21 = tpu.memref_slice %arg6[%mul3A_2, %dma_start3A] : memref<10240x16xf32, #tpu.memory_space<hbm>> -> memref<640x16xf32, #tpu.memory_space<hbm>>
      %dma_start3A_22 = arith.constant 0 : i32
      %dma_start3A_23 = tpu.memref_slice %arg6[%mul3A_2, %dma_start3A_22] : memref<10240x16xf32, #tpu.memory_space<hbm>> -> memref<640x16xf32, #tpu.memory_space<hbm>>
      tpu.enqueue_dma source(%arg12 : memref<640x16xf32, #tpu.memory_space<vmem>>) target(%dma_start3A_23 : memref<640x16xf32, #tpu.memory_space<hbm>>) target_semaphore(%run_scoped3A_20 : memref<!tpu.dma_semaphore, #tpu.memory_space<semaphore_mem>>)
      %dma_wait3A = arith.constant 0 : i32
      %dma_wait3A_24 = tpu.memref_slice %arg6[%mul3A_2, %dma_wait3A] : memref<10240x16xf32, #tpu.memory_space<hbm>> -> memref<640x16xf32, #tpu.memory_space<hbm>>
      %dma_wait3A_25 = arith.constant 0 : i32
      %dma_wait3A_26 = tpu.memref_slice %arg6[%mul3A_2, %dma_wait3A_25] : memref<10240x16xf32, #tpu.memory_space<hbm>> -> memref<640x16xf32, #tpu.memory_space<hbm>>
      tpu.wait_dma2 semaphore(%run_scoped3A_20 : memref<!tpu.dma_semaphore, #tpu.memory_space<semaphore_mem>>) src(%arg12 : memref<640x16xf32, #tpu.memory_space<vmem>>) dst(%dma_wait3A_26 : memref<640x16xf32, #tpu.memory_space<hbm>>)
      tpu.yield
    }) : () -> ()
    "tpu.region"() ({
      %run_scoped3A_20 = tpu.sem_alloc : memref<!tpu.dma_semaphore, #tpu.memory_space<semaphore_mem>>
      %dma_start3A = arith.constant 0 : i32
      %dma_start3A_21 = tpu.memref_slice %arg17[%mul3A_2, %dma_start3A] : memref<10240x16xf32, #tpu.memory_space<vmem_shared>> -> memref<640x16xf32, #tpu.memory_space<vmem_shared>>
      %dma_start3A_22 = arith.constant 0 : i32
      %dma_start3A_23 = tpu.memref_slice %arg17[%mul3A_2, %dma_start3A_22] : memref<10240x16xf32, #tpu.memory_space<vmem_shared>> -> memref<640x16xf32, #tpu.memory_space<vmem_shared>>
      tpu.enqueue_dma source(%arg13 : memref<640x16xf32, #tpu.memory_space<vmem>>) target(%dma_start3A_23 : memref<640x16xf32, #tpu.memory_space<vmem_shared>>) target_semaphore(%run_scoped3A_20 : memref<!tpu.dma_semaphore, #tpu.memory_space<semaphore_mem>>)
      %dma_wait3A = arith.constant 0 : i32
      %dma_wait3A_24 = tpu.memref_slice %arg17[%mul3A_2, %dma_wait3A] : memref<10240x16xf32, #tpu.memory_space<vmem_shared>> -> memref<640x16xf32, #tpu.memory_space<vmem_shared>>
      %dma_wait3A_25 = arith.constant 0 : i32
      %dma_wait3A_26 = tpu.memref_slice %arg17[%mul3A_2, %dma_wait3A_25] : memref<10240x16xf32, #tpu.memory_space<vmem_shared>> -> memref<640x16xf32, #tpu.memory_space<vmem_shared>>
      tpu.wait_dma2 semaphore(%run_scoped3A_20 : memref<!tpu.dma_semaphore, #tpu.memory_space<semaphore_mem>>) src(%arg13 : memref<640x16xf32, #tpu.memory_space<vmem>>) dst(%dma_wait3A_26 : memref<640x16xf32, #tpu.memory_space<vmem_shared>>)
      tpu.yield
    }) : () -> ()
    %barrier3A = arith.constant 0 : index
    tpu.barrier barrier_id(%barrier3A)
    %scan3A_12 = arith.constant 0 : i32
    %scan3A_13 = arith.constant 0 : i32
    %scan3A_14 = arith.constant 79 : i32
    %scan3A_15 = arith.addi %scan3A_13, %scan3A_14 : i32
    %scan3A_16 = arith.constant 1 : i32
    %scan3A_17 = scf.for %scan3A_20 = %scan3A_13 to %scan3A_15 step %scan3A_16 iter_args(%scan3A_21 = %scan3A_12) -> (i32)  : i32 {
      "tpu.region"() ({
        %run_scoped3A_27 = tpu.sem_alloc : memref<!tpu.dma_semaphore, #tpu.memory_space<semaphore_mem>>
        %dma_start3A_28 = arith.constant 0 : i32
        %dma_start3A_29 = tpu.memref_slice %arg4[%add3A, %scan3A_20, %dma_start3A_28] : memref<32x79x128xi32, #tpu.memory_space<hbm>> -> memref<1x1x128xi32, #tpu.memory_space<hbm>>
        %dma_start3A_30 = tpu.memref_squeeze %dma_start3A_29 : memref<1x1x128xi32, #tpu.memory_space<hbm>> -> memref<128xi32, #tpu.memory_space<hbm>>
        %dma_start3A_31 = arith.constant 0 : i32
        %dma_start3A_32 = tpu.memref_slice %arg4[%add3A, %scan3A_20, %dma_start3A_31] : memref<32x79x128xi32, #tpu.memory_space<hbm>> -> memref<1x1x128xi32, #tpu.memory_space<hbm>>
        %dma_start3A_33 = tpu.memref_squeeze %dma_start3A_32 : memref<1x1x128xi32, #tpu.memory_space<hbm>> -> memref<128xi32, #tpu.memory_space<hbm>>
        tpu.enqueue_dma source(%dma_start3A_33 : memref<128xi32, #tpu.memory_space<hbm>>) target(%arg14 : memref<128xi32, #tpu.memory_space<vmem>>) target_semaphore(%run_scoped3A_27 : memref<!tpu.dma_semaphore, #tpu.memory_space<semaphore_mem>>)
        %dma_wait3A_34 = arith.constant 0 : i32
        %dma_wait3A_35 = tpu.memref_slice %arg4[%add3A, %scan3A_20, %dma_wait3A_34] : memref<32x79x128xi32, #tpu.memory_space<hbm>> -> memref<1x1x128xi32, #tpu.memory_space<hbm>>
        %dma_wait3A_36 = tpu.memref_squeeze %dma_wait3A_35 : memref<1x1x128xi32, #tpu.memory_space<hbm>> -> memref<128xi32, #tpu.memory_space<hbm>>
        %dma_wait3A_37 = arith.constant 0 : i32
        %dma_wait3A_38 = tpu.memref_slice %arg4[%add3A, %scan3A_20, %dma_wait3A_37] : memref<32x79x128xi32, #tpu.memory_space<hbm>> -> memref<1x1x128xi32, #tpu.memory_space<hbm>>
        %dma_wait3A_39 = tpu.memref_squeeze %dma_wait3A_38 : memref<1x1x128xi32, #tpu.memory_space<hbm>> -> memref<128xi32, #tpu.memory_space<hbm>>
        tpu.wait_dma2 semaphore(%run_scoped3A_27 : memref<!tpu.dma_semaphore, #tpu.memory_space<semaphore_mem>>) src(%dma_wait3A_39 : memref<128xi32, #tpu.memory_space<hbm>>) dst(%arg14 : memref<128xi32, #tpu.memory_space<vmem>>)
        tpu.yield
      }) : () -> ()
      %dma_start3A = arith.constant 0 : i32
      %dma_start3A_22 = arith.constant 0 : i32
      %dma_start3A_23 = tpu.memref_slice %arg6[%dma_start3A, %dma_start3A_22] : memref<10240x16xf32, #tpu.memory_space<hbm>> -> memref<10240x16xf32, #tpu.memory_space<hbm>>
      tpu.enqueue_indirect_dma source(%dma_start3A_23 : memref<10240x16xf32, #tpu.memory_space<hbm>>) target(%arg16 : memref<128x16xf32, #tpu.memory_space<vmem>>) offsets(%arg14 : memref<128xi32, #tpu.memory_space<vmem>>) semaphore(%arg18 : memref<!tpu.dma_semaphore, #tpu.memory_space<semaphore_mem>>)
      %dma_wait3A = arith.constant 0 : i32
      %dma_wait3A_24 = arith.constant 0 : i32
      %dma_wait3A_25 = tpu.memref_slice %arg6[%dma_wait3A, %dma_wait3A_24] : memref<10240x16xf32, #tpu.memory_space<hbm>> -> memref<10240x16xf32, #tpu.memory_space<hbm>>
      tpu.wait_indirect_dma semaphore(%arg18 : memref<!tpu.dma_semaphore, #tpu.memory_space<semaphore_mem>>) src(%dma_wait3A_25 : memref<10240x16xf32, #tpu.memory_space<hbm>>) dst(%arg16 : memref<128x16xf32, #tpu.memory_space<vmem>>)
      "tpu.region"() ({
        %run_scoped3A_27 = tpu.sem_alloc : memref<!tpu.dma_semaphore, #tpu.memory_space<semaphore_mem>>
        %dma_start3A_28 = arith.constant 0 : i32
        %dma_start3A_29 = tpu.memref_slice %arg5[%add3A, %scan3A_20, %dma_start3A_28] : memref<32x79x128xi32, #tpu.memory_space<hbm>> -> memref<1x1x128xi32, #tpu.memory_space<hbm>>
        %dma_start3A_30 = tpu.memref_squeeze %dma_start3A_29 : memref<1x1x128xi32, #tpu.memory_space<hbm>> -> memref<128xi32, #tpu.memory_space<hbm>>
        %dma_start3A_31 = arith.constant 0 : i32
        %dma_start3A_32 = tpu.memref_slice %arg5[%add3A, %scan3A_20, %dma_start3A_31] : memref<32x79x128xi32, #tpu.memory_space<hbm>> -> memref<1x1x128xi32, #tpu.memory_space<hbm>>
        %dma_start3A_33 = tpu.memref_squeeze %dma_start3A_32 : memref<1x1x128xi32, #tpu.memory_space<hbm>> -> memref<128xi32, #tpu.memory_space<hbm>>
        tpu.enqueue_dma source(%dma_start3A_33 : memref<128xi32, #tpu.memory_space<hbm>>) target(%arg15 : memref<128xi32, #tpu.memory_space<vmem>>) target_semaphore(%run_scoped3A_27 : memref<!tpu.dma_semaphore, #tpu.memory_space<semaphore_mem>>)
        %dma_wait3A_34 = arith.constant 0 : i32
        %dma_wait3A_35 = tpu.memref_slice %arg5[%add3A, %scan3A_20, %dma_wait3A_34] : memref<32x79x128xi32, #tpu.memory_space<hbm>> -> memref<1x1x128xi32, #tpu.memory_space<hbm>>
        %dma_wait3A_36 = tpu.memref_squeeze %dma_wait3A_35 : memref<1x1x128xi32, #tpu.memory_space<hbm>> -> memref<128xi32, #tpu.memory_space<hbm>>
        %dma_wait3A_37 = arith.constant 0 : i32
        %dma_wait3A_38 = tpu.memref_slice %arg5[%add3A, %scan3A_20, %dma_wait3A_37] : memref<32x79x128xi32, #tpu.memory_space<hbm>> -> memref<1x1x128xi32, #tpu.memory_space<hbm>>
        %dma_wait3A_39 = tpu.memref_squeeze %dma_wait3A_38 : memref<1x1x128xi32, #tpu.memory_space<hbm>> -> memref<128xi32, #tpu.memory_space<hbm>>
        tpu.wait_dma2 semaphore(%run_scoped3A_27 : memref<!tpu.dma_semaphore, #tpu.memory_space<semaphore_mem>>) src(%dma_wait3A_39 : memref<128xi32, #tpu.memory_space<hbm>>) dst(%arg15 : memref<128xi32, #tpu.memory_space<vmem>>)
        tpu.yield
      }) : () -> ()
      "tpu.region"() ({
        %run_scoped3A_27 = tpu.sem_alloc : memref<!tpu.dma_semaphore, #tpu.memory_space<semaphore_mem>>
        %dma_start3A_28 = arith.constant 0 : i32
        %dma_start3A_29 = arith.constant 0 : i32
        %dma_start3A_30 = tpu.memref_slice %arg17[%dma_start3A_28, %dma_start3A_29] : memref<10240x16xf32, #tpu.memory_space<vmem_shared>> -> memref<10240x16xf32, #tpu.memory_space<vmem_shared>>
        tpu.enqueue_indirect_dma source(%arg16 : memref<128x16xf32, #tpu.memory_space<vmem>>) target(%dma_start3A_30 : memref<10240x16xf32, #tpu.memory_space<vmem_shared>>) offsets(%arg15 : memref<128xi32, #tpu.memory_space<vmem>>) semaphore(%run_scoped3A_27 : memref<!tpu.dma_semaphore, #tpu.memory_space<semaphore_mem>>) {add = true}
        %dma_wait3A_31 = arith.constant 0 : i32
        %dma_wait3A_32 = arith.constant 0 : i32
        %dma_wait3A_33 = tpu.memref_slice %arg17[%dma_wait3A_31, %dma_wait3A_32] : memref<10240x16xf32, #tpu.memory_space<vmem_shared>> -> memref<10240x16xf32, #tpu.memory_space<vmem_shared>>
        tpu.wait_indirect_dma semaphore(%run_scoped3A_27 : memref<!tpu.dma_semaphore, #tpu.memory_space<semaphore_mem>>) src(%arg16 : memref<128x16xf32, #tpu.memory_space<vmem>>) dst(%dma_wait3A_33 : memref<10240x16xf32, #tpu.memory_space<vmem_shared>>)
        tpu.yield
      }) : () -> ()
      %scan3A_26 = arith.constant 0 : i32
      scf.yield %scan3A_26 : i32
    }
    %scan3A_18 = arith.constant 79 : i32
    %barrier3A_19 = arith.constant 0 : index
    tpu.barrier barrier_id(%barrier3A_19)
    "tpu.region"() ({
      %run_scoped3A_20 = tpu.sem_alloc : memref<!tpu.dma_semaphore, #tpu.memory_space<semaphore_mem>>
      %dma_start3A = arith.constant 0 : i32
      %dma_start3A_21 = tpu.memref_slice %arg7[%arg0, %mul3A_2, %dma_start3A] : memref<2x10240x16xf32, #tpu.memory_space<hbm>> -> memref<1x640x16xf32, #tpu.memory_space<hbm>>
      %dma_start3A_22 = tpu.memref_squeeze %dma_start3A_21 : memref<1x640x16xf32, #tpu.memory_space<hbm>> -> memref<640x16xf32, #tpu.memory_space<hbm>>
      %dma_start3A_23 = arith.constant 0 : i32
      %dma_start3A_24 = tpu.memref_slice %arg17[%mul3A_2, %dma_start3A_23] : memref<10240x16xf32, #tpu.memory_space<vmem_shared>> -> memref<640x16xf32, #tpu.memory_space<vmem_shared>>
      tpu.enqueue_dma source(%dma_start3A_24 : memref<640x16xf32, #tpu.memory_space<vmem_shared>>) target(%dma_start3A_22 : memref<640x16xf32, #tpu.memory_space<hbm>>) target_semaphore(%run_scoped3A_20 : memref<!tpu.dma_semaphore, #tpu.memory_space<semaphore_mem>>)
      %dma_wait3A = arith.constant 0 : i32
      %dma_wait3A_25 = tpu.memref_slice %arg7[%arg0, %mul3A_2, %dma_wait3A] : memref<2x10240x16xf32, #tpu.memory_space<hbm>> -> memref<1x640x16xf32, #tpu.memory_space<hbm>>
      %dma_wait3A_26 = tpu.memref_squeeze %dma_wait3A_25 : memref<1x640x16xf32, #tpu.memory_space<hbm>> -> memref<640x16xf32, #tpu.memory_space<hbm>>
      %dma_wait3A_27 = arith.constant 0 : i32
      %dma_wait3A_28 = tpu.memref_slice %arg17[%mul3A_2, %dma_wait3A_27] : memref<10240x16xf32, #tpu.memory_space<vmem_shared>> -> memref<640x16xf32, #tpu.memory_space<vmem_shared>>
      tpu.wait_dma2 semaphore(%run_scoped3A_20 : memref<!tpu.dma_semaphore, #tpu.memory_space<semaphore_mem>>) src(%dma_wait3A_28 : memref<640x16xf32, #tpu.memory_space<vmem_shared>>) dst(%dma_wait3A_26 : memref<640x16xf32, #tpu.memory_space<hbm>>)
      tpu.yield
    }) : () -> ()
    return
  }
}

#map = affine_map<(d0, d1) -> (0, 0, 0)>
#map1 = affine_map<(d0, d1) -> (0, 0)>
module attributes {stable_mosaic.version = 14 : i64} {
  func.func @k(%arg0: i32, %arg1: i32, %arg2: memref<32x79x128xi32, #tpu.memory_space<hbm>>, %arg3: memref<2x10240xf32, #tpu.memory_space<hbm>>, %arg4: memref<128xi32, #tpu.memory_space<vmem>>, %arg5: memref<128xf32, #tpu.memory_space<vmem>>, %arg6: memref<640xf32, #tpu.memory_space<vmem>>, %arg7: memref<10240xf32, #tpu.memory_space<vmem_shared>>) attributes {dimension_semantics = [#tpu.dimension_semantics<core_parallel>, #tpu.dimension_semantics<subcore_parallel>], iteration_bounds = array<i64: 2, 16>, scalar_prefetch = 0 : i64, scratch_operands = 4 : i64, tpu.core_type = #tpu.core_type<sc_vector_subcore>, window_params = [{transform_indices = #map}, {transform_indices = #map1}]} {
    %mul3A = arith.constant 16 : i32
    %mul3A_0 = arith.muli %arg0, %mul3A : i32
    %add3A = arith.addi %mul3A_0, %arg1 : i32
    %scan3A = arith.constant 0 : i32
    %scan3A_1 = arith.constant 0 : i32
    %scan3A_2 = arith.constant 8 : i32
    %scan3A_3 = arith.addi %scan3A_1, %scan3A_2 : i32
    %scan3A_4 = arith.constant 1 : i32
    %scan3A_5 = scf.for %scan3A_28 = %scan3A_1 to %scan3A_3 step %scan3A_4 iter_args(%scan3A_29 = %scan3A) -> (i32)  : i32 {
      %broadcast_in_dim3A = arith.constant 1.000000e+00 : f32
      %broadcast_in_dim3A_30 = vector.broadcast %broadcast_in_dim3A : f32 to vector<16xf32>
      %mul3A_31 = arith.constant 16 : i32
      %mul3A_32 = arith.muli %scan3A_28, %mul3A_31 : i32
      %swap3A = arith.index_cast %mul3A_32 : i32 to index
      %swap3A_33 = tpu.vector_load %arg5[%swap3A] {strides = array<i32>} : memref<128xf32, #tpu.memory_space<vmem>>, vector<16xf32>,
      %swap3A_34 = vector.shape_cast %swap3A_33 : vector<16xf32> to vector<16xf32>
      %swap3A_35 = vector.shape_cast %broadcast_in_dim3A_30 : vector<16xf32> to vector<16xf32>
      tpu.vector_store %arg5[%swap3A], %swap3A_35 {strides = array<i32>} : memref<128xf32, #tpu.memory_space<vmem>>, vector<16xf32>,
      %scan3A_36 = arith.constant 0 : i32
      scf.yield %scan3A_36 : i32
    }
    %scan3A_6 = arith.constant 8 : i32
    %scan3A_7 = arith.constant 0 : i32
    %scan3A_8 = arith.constant 0 : i32
    %scan3A_9 = arith.constant 40 : i32
    %scan3A_10 = arith.addi %scan3A_8, %scan3A_9 : i32
    %scan3A_11 = arith.constant 1 : i32
    %scan3A_12 = scf.for %scan3A_28 = %scan3A_8 to %scan3A_10 step %scan3A_11 iter_args(%scan3A_29 = %scan3A_7) -> (i32)  : i32 {
      %broadcast_in_dim3A = arith.constant 5.000000e-01 : f32
      %broadcast_in_dim3A_30 = vector.broadcast %broadcast_in_dim3A : f32 to vector<16xf32>
      %mul3A_31 = arith.constant 16 : i32
      %mul3A_32 = arith.muli %scan3A_28, %mul3A_31 : i32
      %swap3A = arith.index_cast %mul3A_32 : i32 to index
      %swap3A_33 = tpu.vector_load %arg6[%swap3A] {strides = array<i32>} : memref<640xf32, #tpu.memory_space<vmem>>, vector<16xf32>,
      %swap3A_34 = vector.shape_cast %swap3A_33 : vector<16xf32> to vector<16xf32>
      %swap3A_35 = vector.shape_cast %broadcast_in_dim3A_30 : vector<16xf32> to vector<16xf32>
      tpu.vector_store %arg6[%swap3A], %swap3A_35 {strides = array<i32>} : memref<640xf32, #tpu.memory_space<vmem>>, vector<16xf32>,
      %scan3A_36 = arith.constant 0 : i32
      scf.yield %scan3A_36 : i32
    }
    %scan3A_13 = arith.constant 40 : i32
    %mul3A_14 = arith.constant 640 : i32
    %mul3A_15 = arith.muli %arg1, %mul3A_14 : i32
    "tpu.region"() ({
      %run_scoped3A = tpu.sem_alloc : memref<!tpu.dma_semaphore, #tpu.memory_space<semaphore_mem>>
      %dma_start3A = tpu.memref_slice %arg7[%mul3A_15] : memref<10240xf32, #tpu.memory_space<vmem_shared>> -> memref<640xf32, #tpu.memory_space<vmem_shared>>
      %dma_start3A_28 = tpu.memref_slice %arg7[%mul3A_15] : memref<10240xf32, #tpu.memory_space<vmem_shared>> -> memref<640xf32, #tpu.memory_space<vmem_shared>>
      tpu.enqueue_dma source(%arg6 : memref<640xf32, #tpu.memory_space<vmem>>) target(%dma_start3A_28 : memref<640xf32, #tpu.memory_space<vmem_shared>>) target_semaphore(%run_scoped3A : memref<!tpu.dma_semaphore, #tpu.memory_space<semaphore_mem>>)
      %dma_wait3A = tpu.memref_slice %arg7[%mul3A_15] : memref<10240xf32, #tpu.memory_space<vmem_shared>> -> memref<640xf32, #tpu.memory_space<vmem_shared>>
      %dma_wait3A_29 = tpu.memref_slice %arg7[%mul3A_15] : memref<10240xf32, #tpu.memory_space<vmem_shared>> -> memref<640xf32, #tpu.memory_space<vmem_shared>>
      tpu.wait_dma2 semaphore(%run_scoped3A : memref<!tpu.dma_semaphore, #tpu.memory_space<semaphore_mem>>) src(%arg6 : memref<640xf32, #tpu.memory_space<vmem>>) dst(%dma_wait3A_29 : memref<640xf32, #tpu.memory_space<vmem_shared>>)
      tpu.yield
    }) : () -> ()
    %barrier3A = arith.constant 0 : index
    tpu.barrier barrier_id(%barrier3A)
    %scan3A_16 = arith.constant 0 : i32
    %scan3A_17 = arith.constant 0 : i32
    %scan3A_18 = arith.constant 79 : i32
    %scan3A_19 = arith.addi %scan3A_17, %scan3A_18 : i32
    %scan3A_20 = arith.constant 1 : i32
    %scan3A_21 = scf.for %scan3A_28 = %scan3A_17 to %scan3A_19 step %scan3A_20 iter_args(%scan3A_29 = %scan3A_16) -> (i32)  : i32 {
      "tpu.region"() ({
        %run_scoped3A = tpu.sem_alloc : memref<!tpu.dma_semaphore, #tpu.memory_space<semaphore_mem>>
        %dma_start3A = arith.constant 0 : i32
        %dma_start3A_31 = tpu.memref_slice %arg2[%add3A, %scan3A_28, %dma_start3A] : memref<32x79x128xi32, #tpu.memory_space<hbm>> -> memref<1x1x128xi32, #tpu.memory_space<hbm>>
        %dma_start3A_32 = tpu.memref_squeeze %dma_start3A_31 : memref<1x1x128xi32, #tpu.memory_space<hbm>> -> memref<128xi32, #tpu.memory_space<hbm>>
        %dma_start3A_33 = arith.constant 0 : i32
        %dma_start3A_34 = tpu.memref_slice %arg2[%add3A, %scan3A_28, %dma_start3A_33] : memref<32x79x128xi32, #tpu.memory_space<hbm>> -> memref<1x1x128xi32, #tpu.memory_space<hbm>>
        %dma_start3A_35 = tpu.memref_squeeze %dma_start3A_34 : memref<1x1x128xi32, #tpu.memory_space<hbm>> -> memref<128xi32, #tpu.memory_space<hbm>>
        tpu.enqueue_dma source(%dma_start3A_35 : memref<128xi32, #tpu.memory_space<hbm>>) target(%arg4 : memref<128xi32, #tpu.memory_space<vmem>>) target_semaphore(%run_scoped3A : memref<!tpu.dma_semaphore, #tpu.memory_space<semaphore_mem>>)
        %dma_wait3A = arith.constant 0 : i32
        %dma_wait3A_36 = tpu.memref_slice %arg2[%add3A, %scan3A_28, %dma_wait3A] : memref<32x79x128xi32, #tpu.memory_space<hbm>> -> memref<1x1x128xi32, #tpu.memory_space<hbm>>
        %dma_wait3A_37 = tpu.memref_squeeze %dma_wait3A_36 : memref<1x1x128xi32, #tpu.memory_space<hbm>> -> memref<128xi32, #tpu.memory_space<hbm>>
        %dma_wait3A_38 = arith.constant 0 : i32
        %dma_wait3A_39 = tpu.memref_slice %arg2[%add3A, %scan3A_28, %dma_wait3A_38] : memref<32x79x128xi32, #tpu.memory_space<hbm>> -> memref<1x1x128xi32, #tpu.memory_space<hbm>>
        %dma_wait3A_40 = tpu.memref_squeeze %dma_wait3A_39 : memref<1x1x128xi32, #tpu.memory_space<hbm>> -> memref<128xi32, #tpu.memory_space<hbm>>
        tpu.wait_dma2 semaphore(%run_scoped3A : memref<!tpu.dma_semaphore, #tpu.memory_space<semaphore_mem>>) src(%dma_wait3A_40 : memref<128xi32, #tpu.memory_space<hbm>>) dst(%arg4 : memref<128xi32, #tpu.memory_space<vmem>>)
        tpu.yield
      }) : () -> ()
      "tpu.region"() ({
        %run_scoped3A = tpu.sem_alloc : memref<!tpu.dma_semaphore, #tpu.memory_space<semaphore_mem>>
        %dma_start3A = arith.constant 0 : i32
        %dma_start3A_31 = tpu.memref_slice %arg7[%dma_start3A] : memref<10240xf32, #tpu.memory_space<vmem_shared>> -> memref<10240xf32, #tpu.memory_space<vmem_shared>>
        tpu.enqueue_indirect_dma source(%arg5 : memref<128xf32, #tpu.memory_space<vmem>>) target(%dma_start3A_31 : memref<10240xf32, #tpu.memory_space<vmem_shared>>) offsets(%arg4 : memref<128xi32, #tpu.memory_space<vmem>>) semaphore(%run_scoped3A : memref<!tpu.dma_semaphore, #tpu.memory_space<semaphore_mem>>) {add = true}
        %dma_wait3A = arith.constant 0 : i32
        %dma_wait3A_32 = tpu.memref_slice %arg7[%dma_wait3A] : memref<10240xf32, #tpu.memory_space<vmem_shared>> -> memref<10240xf32, #tpu.memory_space<vmem_shared>>
        tpu.wait_indirect_dma semaphore(%run_scoped3A : memref<!tpu.dma_semaphore, #tpu.memory_space<semaphore_mem>>) src(%arg5 : memref<128xf32, #tpu.memory_space<vmem>>) dst(%dma_wait3A_32 : memref<10240xf32, #tpu.memory_space<vmem_shared>>)
        tpu.yield
      }) : () -> ()
      %scan3A_30 = arith.constant 0 : i32
      scf.yield %scan3A_30 : i32
    }
    %scan3A_22 = arith.constant 79 : i32
    %barrier3A_23 = arith.constant 0 : index
    tpu.barrier barrier_id(%barrier3A_23)
    %mul3A_24 = arith.constant 640 : i32
    %mul3A_25 = arith.muli %arg1, %mul3A_24 : i32
    %mul3A_26 = arith.constant 640 : i32
    %mul3A_27 = arith.muli %arg1, %mul3A_26 : i32
    "tpu.region"() ({
      %run_scoped3A = tpu.sem_alloc : memref<!tpu.dma_semaphore, #tpu.memory_space<semaphore_mem>>
      %dma_start3A = tpu.memref_slice %arg3[%arg0, %mul3A_27] : memref<2x10240xf32, #tpu.memory_space<hbm>> -> memref<1x640xf32, #tpu.memory_space<hbm>>
      %dma_start3A_28 = tpu.memref_squeeze %dma_start3A : memref<1x640xf32, #tpu.memory_space<hbm>> -> memref<640xf32, #tpu.memory_space<hbm>>
      %dma_start3A_29 = tpu.memref_slice %arg7[%mul3A_25] : memref<10240xf32, #tpu.memory_space<vmem_shared>> -> memref<640xf32, #tpu.memory_space<vmem_shared>>
      tpu.enqueue_dma source(%dma_start3A_29 : memref<640xf32, #tpu.memory_space<vmem_shared>>) target(%dma_start3A_28 : memref<640xf32, #tpu.memory_space<hbm>>) target_semaphore(%run_scoped3A : memref<!tpu.dma_semaphore, #tpu.memory_space<semaphore_mem>>)
      %dma_wait3A = tpu.memref_slice %arg3[%arg0, %mul3A_27] : memref<2x10240xf32, #tpu.memory_space<hbm>> -> memref<1x640xf32, #tpu.memory_space<hbm>>
      %dma_wait3A_30 = tpu.memref_squeeze %dma_wait3A : memref<1x640xf32, #tpu.memory_space<hbm>> -> memref<640xf32, #tpu.memory_space<hbm>>
      %dma_wait3A_31 = tpu.memref_slice %arg7[%mul3A_25] : memref<10240xf32, #tpu.memory_space<vmem_shared>> -> memref<640xf32, #tpu.memory_space<vmem_shared>>
      tpu.wait_dma2 semaphore(%run_scoped3A : memref<!tpu.dma_semaphore, #tpu.memory_space<semaphore_mem>>) src(%dma_wait3A_31 : memref<640xf32, #tpu.memory_space<vmem_shared>>) dst(%dma_wait3A_30 : memref<640xf32, #tpu.memory_space<hbm>>)
      tpu.yield
    }) : () -> ()
    return
  }
}

#map = affine_map<(d0, d1) -> (0, 0)>
#map1 = affine_map<(d0, d1) -> (0, 0, 0)>
module attributes {stable_mosaic.version = 14 : i64} {
  func.func @k(%arg0: i32, %arg1: i32, %arg2: memref<10240x16xf32, #tpu.memory_space<hbm>>, %arg3: memref<2x10240xf32, #tpu.memory_space<hbm>>, %arg4: memref<32x79x128xi32, #tpu.memory_space<hbm>>, %arg5: memref<32x79x128xi32, #tpu.memory_space<hbm>>, %arg6: memref<10240x16xf32, #tpu.memory_space<hbm>>, %arg7: memref<2x10240x16xf32, #tpu.memory_space<hbm>>, %arg8: memref<640xf32, #tpu.memory_space<vmem>>, %arg9: memref<640xf32, #tpu.memory_space<vmem>>, %arg10: memref<640x16xf32, #tpu.memory_space<vmem>>, %arg11: memref<640x16xf32, #tpu.memory_space<vmem>>, %arg12: memref<640x16xf32, #tpu.memory_space<vmem>>, %arg13: memref<640x16xf32, #tpu.memory_space<vmem>>, %arg14: memref<128xi32, #tpu.memory_space<vmem>>, %arg15: memref<128xi32, #tpu.memory_space<vmem>>, %arg16: memref<128x16xf32, #tpu.memory_space<vmem>>, %arg17: memref<10240x16xf32, #tpu.memory_space<vmem_shared>>, %arg18: memref<!tpu.dma_semaphore, #tpu.memory_space<semaphore_mem>>) attributes {dimension_semantics = [#tpu.dimension_semantics<core_parallel>, #tpu.dimension_semantics<subcore_parallel>], iteration_bounds = array<i64: 2, 16>, scalar_prefetch = 0 : i64, scratch_operands = 11 : i64, tpu.core_type = #tpu.core_type<sc_vector_subcore>, window_params = [{transform_indices = #map}, {transform_indices = #map}, {transform_indices = #map1}, {transform_indices = #map1}, {transform_indices = #map}, {transform_indices = #map1}]} {
    %mul3A = arith.constant 16 : i32
    %mul3A_0 = arith.muli %arg0, %mul3A : i32
    %add3A = arith.addi %mul3A_0, %arg1 : i32
    %mul3A_1 = arith.constant 640 : i32
    %mul3A_2 = arith.muli %arg1, %mul3A_1 : i32
    %run_scoped3A = arith.constant 0 : i32
    "tpu.region"() ({
      %run_scoped3A_18 = tpu.sem_alloc : memref<!tpu.dma_semaphore, #tpu.memory_space<semaphore_mem>>
      %dma_start3A = tpu.memref_slice %arg3[%run_scoped3A, %mul3A_2] : memref<2x10240xf32, #tpu.memory_space<hbm>> -> memref<1x640xf32, #tpu.memory_space<hbm>>
      %dma_start3A_19 = tpu.memref_squeeze %dma_start3A : memref<1x640xf32, #tpu.memory_space<hbm>> -> memref<640xf32, #tpu.memory_space<hbm>>
      %dma_start3A_20 = tpu.memref_slice %arg3[%run_scoped3A, %mul3A_2] : memref<2x10240xf32, #tpu.memory_space<hbm>> -> memref<1x640xf32, #tpu.memory_space<hbm>>
      %dma_start3A_21 = tpu.memref_squeeze %dma_start3A_20 : memref<1x640xf32, #tpu.memory_space<hbm>> -> memref<640xf32, #tpu.memory_space<hbm>>
      tpu.enqueue_dma source(%dma_start3A_21 : memref<640xf32, #tpu.memory_space<hbm>>) target(%arg8 : memref<640xf32, #tpu.memory_space<vmem>>) target_semaphore(%run_scoped3A_18 : memref<!tpu.dma_semaphore, #tpu.memory_space<semaphore_mem>>)
      %dma_wait3A = tpu.memref_slice %arg3[%run_scoped3A, %mul3A_2] : memref<2x10240xf32, #tpu.memory_space<hbm>> -> memref<1x640xf32, #tpu.memory_space<hbm>>
      %dma_wait3A_22 = tpu.memref_squeeze %dma_wait3A : memref<1x640xf32, #tpu.memory_space<hbm>> -> memref<640xf32, #tpu.memory_space<hbm>>
      %dma_wait3A_23 = tpu.memref_slice %arg3[%run_scoped3A, %mul3A_2] : memref<2x10240xf32, #tpu.memory_space<hbm>> -> memref<1x640xf32, #tpu.memory_space<hbm>>
      %dma_wait3A_24 = tpu.memref_squeeze %dma_wait3A_23 : memref<1x640xf32, #tpu.memory_space<hbm>> -> memref<640xf32, #tpu.memory_space<hbm>>
      tpu.wait_dma2 semaphore(%run_scoped3A_18 : memref<!tpu.dma_semaphore, #tpu.memory_space<semaphore_mem>>) src(%dma_wait3A_24 : memref<640xf32, #tpu.memory_space<hbm>>) dst(%arg8 : memref<640xf32, #tpu.memory_space<vmem>>)
      tpu.yield
    }) : () -> ()
    %run_scoped3A_3 = arith.constant 1 : i32
    "tpu.region"() ({
      %run_scoped3A_18 = tpu.sem_alloc : memref<!tpu.dma_semaphore, #tpu.memory_space<semaphore_mem>>
      %dma_start3A = tpu.memref_slice %arg3[%run_scoped3A_3, %mul3A_2] : memref<2x10240xf32, #tpu.memory_space<hbm>> -> memref<1x640xf32, #tpu.memory_space<hbm>>
      %dma_start3A_19 = tpu.memref_squeeze %dma_start3A : memref<1x640xf32, #tpu.memory_space<hbm>> -> memref<640xf32, #tpu.memory_space<hbm>>
      %dma_start3A_20 = tpu.memref_slice %arg3[%run_scoped3A_3, %mul3A_2] : memref<2x10240xf32, #tpu.memory_space<hbm>> -> memref<1x640xf32, #tpu.memory_space<hbm>>
      %dma_start3A_21 = tpu.memref_squeeze %dma_start3A_20 : memref<1x640xf32, #tpu.memory_space<hbm>> -> memref<640xf32, #tpu.memory_space<hbm>>
      tpu.enqueue_dma source(%dma_start3A_21 : memref<640xf32, #tpu.memory_space<hbm>>) target(%arg9 : memref<640xf32, #tpu.memory_space<vmem>>) target_semaphore(%run_scoped3A_18 : memref<!tpu.dma_semaphore, #tpu.memory_space<semaphore_mem>>)
      %dma_wait3A = tpu.memref_slice %arg3[%run_scoped3A_3, %mul3A_2] : memref<2x10240xf32, #tpu.memory_space<hbm>> -> memref<1x640xf32, #tpu.memory_space<hbm>>
      %dma_wait3A_22 = tpu.memref_squeeze %dma_wait3A : memref<1x640xf32, #tpu.memory_space<hbm>> -> memref<640xf32, #tpu.memory_space<hbm>>
      %dma_wait3A_23 = tpu.memref_slice %arg3[%run_scoped3A_3, %mul3A_2] : memref<2x10240xf32, #tpu.memory_space<hbm>> -> memref<1x640xf32, #tpu.memory_space<hbm>>
      %dma_wait3A_24 = tpu.memref_squeeze %dma_wait3A_23 : memref<1x640xf32, #tpu.memory_space<hbm>> -> memref<640xf32, #tpu.memory_space<hbm>>
      tpu.wait_dma2 semaphore(%run_scoped3A_18 : memref<!tpu.dma_semaphore, #tpu.memory_space<semaphore_mem>>) src(%dma_wait3A_24 : memref<640xf32, #tpu.memory_space<hbm>>) dst(%arg9 : memref<640xf32, #tpu.memory_space<vmem>>)
      tpu.yield
    }) : () -> ()
    "tpu.region"() ({
      %run_scoped3A_18 = tpu.sem_alloc : memref<!tpu.dma_semaphore, #tpu.memory_space<semaphore_mem>>
      %dma_start3A = arith.constant 0 : i32
      %dma_start3A_19 = tpu.memref_slice %arg2[%mul3A_2, %dma_start3A] : memref<10240x16xf32, #tpu.memory_space<hbm>> -> memref<640x16xf32, #tpu.memory_space<hbm>>
      %dma_start3A_20 = arith.constant 0 : i32
      %dma_start3A_21 = tpu.memref_slice %arg2[%mul3A_2, %dma_start3A_20] : memref<10240x16xf32, #tpu.memory_space<hbm>> -> memref<640x16xf32, #tpu.memory_space<hbm>>
      tpu.enqueue_dma source(%dma_start3A_21 : memref<640x16xf32, #tpu.memory_space<hbm>>) target(%arg10 : memref<640x16xf32, #tpu.memory_space<vmem>>) target_semaphore(%run_scoped3A_18 : memref<!tpu.dma_semaphore, #tpu.memory_space<semaphore_mem>>)
      %dma_wait3A = arith.constant 0 : i32
      %dma_wait3A_22 = tpu.memref_slice %arg2[%mul3A_2, %dma_wait3A] : memref<10240x16xf32, #tpu.memory_space<hbm>> -> memref<640x16xf32, #tpu.memory_space<hbm>>
      %dma_wait3A_23 = arith.constant 0 : i32
      %dma_wait3A_24 = tpu.memref_slice %arg2[%mul3A_2, %dma_wait3A_23] : memref<10240x16xf32, #tpu.memory_space<hbm>> -> memref<640x16xf32, #tpu.memory_space<hbm>>
      tpu.wait_dma2 semaphore(%run_scoped3A_18 : memref<!tpu.dma_semaphore, #tpu.memory_space<semaphore_mem>>) src(%dma_wait3A_24 : memref<640x16xf32, #tpu.memory_space<hbm>>) dst(%arg10 : memref<640x16xf32, #tpu.memory_space<vmem>>)
      tpu.yield
    }) : () -> ()
    %scan3A = arith.constant 0 : i32
    %scan3A_4 = arith.constant 0 : i32
    %scan3A_5 = arith.constant 40 : i32
    %scan3A_6 = arith.addi %scan3A_4, %scan3A_5 : i32
    %scan3A_7 = arith.constant 1 : i32
    %scan3A_8 = scf.for %scan3A_18 = %scan3A_4 to %scan3A_6 step %scan3A_7 iter_args(%scan3A_19 = %scan3A) -> (i32)  : i32 {
      %mul3A_20 = arith.constant 16 : i32
      %mul3A_21 = arith.muli %scan3A_18, %mul3A_20 : i32
      %get3A = arith.index_cast %mul3A_21 : i32 to index
      %get3A_22 = tpu.vector_load %arg8[%get3A] {strides = array<i32>} : memref<640xf32, #tpu.memory_space<vmem>>, vector<16xf32>,
      %get3A_23 = vector.shape_cast %get3A_22 : vector<16xf32> to vector<16xf32>
      %mul3A_24 = arith.constant 16 : i32
      %mul3A_25 = arith.muli %scan3A_18, %mul3A_24 : i32
      %get3A_26 = arith.index_cast %mul3A_25 : i32 to index
      %get3A_27 = tpu.vector_load %arg9[%get3A_26] {strides = array<i32>} : memref<640xf32, #tpu.memory_space<vmem>>, vector<16xf32>,
      %get3A_28 = vector.shape_cast %get3A_27 : vector<16xf32> to vector<16xf32>
      %add3A_29 = arith.addf %get3A_23, %get3A_28 : vector<16xf32>
      %bitcast_convert_type3A = tpu.bitcast %add3A_29 : vector<16xf32> -> vector<16xi32>
      %broadcast_in_dim3A = arith.constant 1 : i32
      %broadcast_in_dim3A_30 = vector.broadcast %broadcast_in_dim3A : i32 to vector<16xi32>
      %shift_right_logical3A = arith.shrui %bitcast_convert_type3A, %broadcast_in_dim3A_30 : vector<16xi32>
      %sub3A = arith.constant 1597463007 : i32
      %sub3A_31 = vector.broadcast %sub3A : i32 to vector<16xi32>
      %sub3A_32 = arith.subi %sub3A_31, %shift_right_logical3A : vector<16xi32>
      %bitcast_convert_type3A_33 = tpu.bitcast %sub3A_32 : vector<16xi32> -> vector<16xf32>
      %mul3A_34 = arith.constant 5.000000e-01 : f32
      %mul3A_35 = vector.broadcast %mul3A_34 : f32 to vector<16xf32>
      %mul3A_36 = arith.mulf %mul3A_35, %add3A_29 : vector<16xf32>
      %mul3A_37 = arith.mulf %mul3A_36, %bitcast_convert_type3A_33 : vector<16xf32>
      %mul3A_38 = arith.mulf %mul3A_37, %bitcast_convert_type3A_33 : vector<16xf32>
      %sub3A_39 = arith.constant 1.500000e+00 : f32
      %sub3A_40 = vector.broadcast %sub3A_39 : f32 to vector<16xf32>
      %sub3A_41 = arith.subf %sub3A_40, %mul3A_38 : vector<16xf32>
      %mul3A_42 = arith.mulf %bitcast_convert_type3A_33, %sub3A_41 : vector<16xf32>
      %mul3A_43 = arith.constant 5.000000e-01 : f32
      %mul3A_44 = vector.broadcast %mul3A_43 : f32 to vector<16xf32>
      %mul3A_45 = arith.mulf %mul3A_44, %add3A_29 : vector<16xf32>
      %mul3A_46 = arith.mulf %mul3A_45, %mul3A_42 : vector<16xf32>
      %mul3A_47 = arith.mulf %mul3A_46, %mul3A_42 : vector<16xf32>
      %sub3A_48 = arith.constant 1.500000e+00 : f32
      %sub3A_49 = vector.broadcast %sub3A_48 : f32 to vector<16xf32>
      %sub3A_50 = arith.subf %sub3A_49, %mul3A_47 : vector<16xf32>
      %mul3A_51 = arith.mulf %mul3A_42, %sub3A_50 : vector<16xf32>
      %mul3A_52 = arith.constant 5.000000e-01 : f32
      %mul3A_53 = vector.broadcast %mul3A_52 : f32 to vector<16xf32>
      %mul3A_54 = arith.mulf %mul3A_53, %add3A_29 : vector<16xf32>
      %mul3A_55 = arith.mulf %mul3A_54, %mul3A_51 : vector<16xf32>
      %mul3A_56 = arith.mulf %mul3A_55, %mul3A_51 : vector<16xf32>
      %sub3A_57 = arith.constant 1.500000e+00 : f32
      %sub3A_58 = vector.broadcast %sub3A_57 : f32 to vector<16xf32>
      %sub3A_59 = arith.subf %sub3A_58, %mul3A_56 : vector<16xf32>
      %mul3A_60 = arith.mulf %mul3A_51, %sub3A_59 : vector<16xf32>
      %mul3A_61 = arith.constant 16 : i32
      %mul3A_62 = arith.muli %scan3A_18, %mul3A_61 : i32
      %add3A_63 = arith.constant 0 : i32
      %add3A_64 = arith.addi %mul3A_62, %add3A_63 : i32
      %get3A_65 = arith.index_cast %add3A_64 : i32 to index
      %get3A_66 = arith.constant 0 : index
      %get3A_67 = tpu.vector_load %arg10[%get3A_65, %get3A_66] {strides = array<i32>} : memref<640x16xf32, #tpu.memory_space<vmem>>, vector<1x16xf32>,
      %get3A_68 = vector.shape_cast %get3A_67 : vector<1x16xf32> to vector<16xf32>
      %slice3A = vector.extract_strided_slice %mul3A_60 {offsets = [0], sizes = [1], strides = [1]} : vector<16xf32> to vector<1xf32>
      %squeeze3A = vector.extract %slice3A[0] : f32 from vector<1xf32>
      %broadcast_in_dim3A_69 = vector.broadcast %squeeze3A : f32 to vector<16xf32>
      %mul3A_70 = arith.mulf %get3A_68, %broadcast_in_dim3A_69 : vector<16xf32>
      %swap3A = arith.index_cast %add3A_64 : i32 to index
      %swap3A_71 = arith.constant 0 : index
      %swap3A_72 = tpu.vector_load %arg12[%swap3A, %swap3A_71] {strides = array<i32>} : memref<640x16xf32, #tpu.memory_space<vmem>>, vector<1x16xf32>,
      %swap3A_73 = vector.shape_cast %swap3A_72 : vector<1x16xf32> to vector<16xf32>
      %swap3A_74 = vector.shape_cast %mul3A_70 : vector<16xf32> to vector<1x16xf32>
      tpu.vector_store %arg12[%swap3A, %swap3A_71], %swap3A_74 {strides = array<i32>} : memref<640x16xf32, #tpu.memory_space<vmem>>, vector<1x16xf32>,
      %mul3A_75 = arith.constant 5.000000e-01 : f32
      %mul3A_76 = vector.broadcast %mul3A_75 : f32 to vector<16xf32>
      %mul3A_77 = arith.mulf %mul3A_70, %mul3A_76 : vector<16xf32>
      %swap3A_78 = arith.index_cast %add3A_64 : i32 to index
      %swap3A_79 = arith.constant 0 : index
      %swap3A_80 = tpu.vector_load %arg13[%swap3A_78, %swap3A_79] {strides = array<i32>} : memref<640x16xf32, #tpu.memory_space<vmem>>, vector<1x16xf32>,
      %swap3A_81 = vector.shape_cast %swap3A_80 : vector<1x16xf32> to vector<16xf32>
      %swap3A_82 = vector.shape_cast %mul3A_77 : vector<16xf32> to vector<1x16xf32>
      tpu.vector_store %arg13[%swap3A_78, %swap3A_79], %swap3A_82 {strides = array<i32>} : memref<640x16xf32, #tpu.memory_space<vmem>>, vector<1x16xf32>,
      %mul3A_83 = arith.constant 16 : i32
      %mul3A_84 = arith.muli %scan3A_18, %mul3A_83 : i32
      %add3A_85 = arith.constant 1 : i32
      %add3A_86 = arith.addi %mul3A_84, %add3A_85 : i32
      %get3A_87 = arith.index_cast %add3A_86 : i32 to index
      %get3A_88 = arith.constant 0 : index
      %get3A_89 = tpu.vector_load %arg10[%get3A_87, %get3A_88] {strides = array<i32>} : memref<640x16xf32, #tpu.memory_space<vmem>>, vector<1x16xf32>,
      %get3A_90 = vector.shape_cast %get3A_89 : vector<1x16xf32> to vector<16xf32>
      %slice3A_91 = vector.extract_strided_slice %mul3A_60 {offsets = [1], sizes = [1], strides = [1]} : vector<16xf32> to vector<1xf32>
      %squeeze3A_92 = vector.extract %slice3A_91[0] : f32 from vector<1xf32>
      %broadcast_in_dim3A_93 = vector.broadcast %squeeze3A_92 : f32 to vector<16xf32>
      %mul3A_94 = arith.mulf %get3A_90, %broadcast_in_dim3A_93 : vector<16xf32>
      %swap3A_95 = arith.index_cast %add3A_86 : i32 to index
      %swap3A_96 = arith.constant 0 : index
      %swap3A_97 = tpu.vector_load %arg12[%swap3A_95, %swap3A_96] {strides = array<i32>} : memref<640x16xf32, #tpu.memory_space<vmem>>, vector<1x16xf32>,
      %swap3A_98 = vector.shape_cast %swap3A_97 : vector<1x16xf32> to vector<16xf32>
      %swap3A_99 = vector.shape_cast %mul3A_94 : vector<16xf32> to vector<1x16xf32>
      tpu.vector_store %arg12[%swap3A_95, %swap3A_96], %swap3A_99 {strides = array<i32>} : memref<640x16xf32, #tpu.memory_space<vmem>>, vector<1x16xf32>,
      %mul3A_100 = arith.constant 5.000000e-01 : f32
      %mul3A_101 = vector.broadcast %mul3A_100 : f32 to vector<16xf32>
      %mul3A_102 = arith.mulf %mul3A_94, %mul3A_101 : vector<16xf32>
      %swap3A_103 = arith.index_cast %add3A_86 : i32 to index
      %swap3A_104 = arith.constant 0 : index
      %swap3A_105 = tpu.vector_load %arg13[%swap3A_103, %swap3A_104] {strides = array<i32>} : memref<640x16xf32, #tpu.memory_space<vmem>>, vector<1x16xf32>,
      %swap3A_106 = vector.shape_cast %swap3A_105 : vector<1x16xf32> to vector<16xf32>
      %swap3A_107 = vector.shape_cast %mul3A_102 : vector<16xf32> to vector<1x16xf32>
      tpu.vector_store %arg13[%swap3A_103, %swap3A_104], %swap3A_107 {strides = array<i32>} : memref<640x16xf32, #tpu.memory_space<vmem>>, vector<1x16xf32>,
      %mul3A_108 = arith.constant 16 : i32
      %mul3A_109 = arith.muli %scan3A_18, %mul3A_108 : i32
      %add3A_110 = arith.constant 2 : i32
      %add3A_111 = arith.addi %mul3A_109, %add3A_110 : i32
      %get3A_112 = arith.index_cast %add3A_111 : i32 to index
      %get3A_113 = arith.constant 0 : index
      %get3A_114 = tpu.vector_load %arg10[%get3A_112, %get3A_113] {strides = array<i32>} : memref<640x16xf32, #tpu.memory_space<vmem>>, vector<1x16xf32>,
      %get3A_115 = vector.shape_cast %get3A_114 : vector<1x16xf32> to vector<16xf32>
      %slice3A_116 = vector.extract_strided_slice %mul3A_60 {offsets = [2], sizes = [1], strides = [1]} : vector<16xf32> to vector<1xf32>
      %squeeze3A_117 = vector.extract %slice3A_116[0] : f32 from vector<1xf32>
      %broadcast_in_dim3A_118 = vector.broadcast %squeeze3A_117 : f32 to vector<16xf32>
      %mul3A_119 = arith.mulf %get3A_115, %broadcast_in_dim3A_118 : vector<16xf32>
      %swap3A_120 = arith.index_cast %add3A_111 : i32 to index
      %swap3A_121 = arith.constant 0 : index
      %swap3A_122 = tpu.vector_load %arg12[%swap3A_120, %swap3A_121] {strides = array<i32>} : memref<640x16xf32, #tpu.memory_space<vmem>>, vector<1x16xf32>,
      %swap3A_123 = vector.shape_cast %swap3A_122 : vector<1x16xf32> to vector<16xf32>
      %swap3A_124 = vector.shape_cast %mul3A_119 : vector<16xf32> to vector<1x16xf32>
      tpu.vector_store %arg12[%swap3A_120, %swap3A_121], %swap3A_124 {strides = array<i32>} : memref<640x16xf32, #tpu.memory_space<vmem>>, vector<1x16xf32>,
      %mul3A_125 = arith.constant 5.000000e-01 : f32
      %mul3A_126 = vector.broadcast %mul3A_125 : f32 to vector<16xf32>
      %mul3A_127 = arith.mulf %mul3A_119, %mul3A_126 : vector<16xf32>
      %swap3A_128 = arith.index_cast %add3A_111 : i32 to index
      %swap3A_129 = arith.constant 0 : index
      %swap3A_130 = tpu.vector_load %arg13[%swap3A_128, %swap3A_129] {strides = array<i32>} : memref<640x16xf32, #tpu.memory_space<vmem>>, vector<1x16xf32>,
      %swap3A_131 = vector.shape_cast %swap3A_130 : vector<1x16xf32> to vector<16xf32>
      %swap3A_132 = vector.shape_cast %mul3A_127 : vector<16xf32> to vector<1x16xf32>
      tpu.vector_store %arg13[%swap3A_128, %swap3A_129], %swap3A_132 {strides = array<i32>} : memref<640x16xf32, #tpu.memory_space<vmem>>, vector<1x16xf32>,
      %mul3A_133 = arith.constant 16 : i32
      %mul3A_134 = arith.muli %scan3A_18, %mul3A_133 : i32
      %add3A_135 = arith.constant 3 : i32
      %add3A_136 = arith.addi %mul3A_134, %add3A_135 : i32
      %get3A_137 = arith.index_cast %add3A_136 : i32 to index
      %get3A_138 = arith.constant 0 : index
      %get3A_139 = tpu.vector_load %arg10[%get3A_137, %get3A_138] {strides = array<i32>} : memref<640x16xf32, #tpu.memory_space<vmem>>, vector<1x16xf32>,
      %get3A_140 = vector.shape_cast %get3A_139 : vector<1x16xf32> to vector<16xf32>
      %slice3A_141 = vector.extract_strided_slice %mul3A_60 {offsets = [3], sizes = [1], strides = [1]} : vector<16xf32> to vector<1xf32>
      %squeeze3A_142 = vector.extract %slice3A_141[0] : f32 from vector<1xf32>
      %broadcast_in_dim3A_143 = vector.broadcast %squeeze3A_142 : f32 to vector<16xf32>
      %mul3A_144 = arith.mulf %get3A_140, %broadcast_in_dim3A_143 : vector<16xf32>
      %swap3A_145 = arith.index_cast %add3A_136 : i32 to index
      %swap3A_146 = arith.constant 0 : index
      %swap3A_147 = tpu.vector_load %arg12[%swap3A_145, %swap3A_146] {strides = array<i32>} : memref<640x16xf32, #tpu.memory_space<vmem>>, vector<1x16xf32>,
      %swap3A_148 = vector.shape_cast %swap3A_147 : vector<1x16xf32> to vector<16xf32>
      %swap3A_149 = vector.shape_cast %mul3A_144 : vector<16xf32> to vector<1x16xf32>
      tpu.vector_store %arg12[%swap3A_145, %swap3A_146], %swap3A_149 {strides = array<i32>} : memref<640x16xf32, #tpu.memory_space<vmem>>, vector<1x16xf32>,
      %mul3A_150 = arith.constant 5.000000e-01 : f32
      %mul3A_151 = vector.broadcast %mul3A_150 : f32 to vector<16xf32>
      %mul3A_152 = arith.mulf %mul3A_144, %mul3A_151 : vector<16xf32>
      %swap3A_153 = arith.index_cast %add3A_136 : i32 to index
      %swap3A_154 = arith.constant 0 : index
      %swap3A_155 = tpu.vector_load %arg13[%swap3A_153, %swap3A_154] {strides = array<i32>} : memref<640x16xf32, #tpu.memory_space<vmem>>, vector<1x16xf32>,
      %swap3A_156 = vector.shape_cast %swap3A_155 : vector<1x16xf32> to vector<16xf32>
      %swap3A_157 = vector.shape_cast %mul3A_152 : vector<16xf32> to vector<1x16xf32>
      tpu.vector_store %arg13[%swap3A_153, %swap3A_154], %swap3A_157 {strides = array<i32>} : memref<640x16xf32, #tpu.memory_space<vmem>>, vector<1x16xf32>,
      %mul3A_158 = arith.constant 16 : i32
      %mul3A_159 = arith.muli %scan3A_18, %mul3A_158 : i32
      %add3A_160 = arith.constant 4 : i32
      %add3A_161 = arith.addi %mul3A_159, %add3A_160 : i32
      %get3A_162 = arith.index_cast %add3A_161 : i32 to index
      %get3A_163 = arith.constant 0 : index
      %get3A_164 = tpu.vector_load %arg10[%get3A_162, %get3A_163] {strides = array<i32>} : memref<640x16xf32, #tpu.memory_space<vmem>>, vector<1x16xf32>,
      %get3A_165 = vector.shape_cast %get3A_164 : vector<1x16xf32> to vector<16xf32>
      %slice3A_166 = vector.extract_strided_slice %mul3A_60 {offsets = [4], sizes = [1], strides = [1]} : vector<16xf32> to vector<1xf32>
      %squeeze3A_167 = vector.extract %slice3A_166[0] : f32 from vector<1xf32>
      %broadcast_in_dim3A_168 = vector.broadcast %squeeze3A_167 : f32 to vector<16xf32>
      %mul3A_169 = arith.mulf %get3A_165, %broadcast_in_dim3A_168 : vector<16xf32>
      %swap3A_170 = arith.index_cast %add3A_161 : i32 to index
      %swap3A_171 = arith.constant 0 : index
      %swap3A_172 = tpu.vector_load %arg12[%swap3A_170, %swap3A_171] {strides = array<i32>} : memref<640x16xf32, #tpu.memory_space<vmem>>, vector<1x16xf32>,
      %swap3A_173 = vector.shape_cast %swap3A_172 : vector<1x16xf32> to vector<16xf32>
      %swap3A_174 = vector.shape_cast %mul3A_169 : vector<16xf32> to vector<1x16xf32>
      tpu.vector_store %arg12[%swap3A_170, %swap3A_171], %swap3A_174 {strides = array<i32>} : memref<640x16xf32, #tpu.memory_space<vmem>>, vector<1x16xf32>,
      %mul3A_175 = arith.constant 5.000000e-01 : f32
      %mul3A_176 = vector.broadcast %mul3A_175 : f32 to vector<16xf32>
      %mul3A_177 = arith.mulf %mul3A_169, %mul3A_176 : vector<16xf32>
      %swap3A_178 = arith.index_cast %add3A_161 : i32 to index
      %swap3A_179 = arith.constant 0 : index
      %swap3A_180 = tpu.vector_load %arg13[%swap3A_178, %swap3A_179] {strides = array<i32>} : memref<640x16xf32, #tpu.memory_space<vmem>>, vector<1x16xf32>,
      %swap3A_181 = vector.shape_cast %swap3A_180 : vector<1x16xf32> to vector<16xf32>
      %swap3A_182 = vector.shape_cast %mul3A_177 : vector<16xf32> to vector<1x16xf32>
      tpu.vector_store %arg13[%swap3A_178, %swap3A_179], %swap3A_182 {strides = array<i32>} : memref<640x16xf32, #tpu.memory_space<vmem>>, vector<1x16xf32>,
      %mul3A_183 = arith.constant 16 : i32
      %mul3A_184 = arith.muli %scan3A_18, %mul3A_183 : i32
      %add3A_185 = arith.constant 5 : i32
      %add3A_186 = arith.addi %mul3A_184, %add3A_185 : i32
      %get3A_187 = arith.index_cast %add3A_186 : i32 to index
      %get3A_188 = arith.constant 0 : index
      %get3A_189 = tpu.vector_load %arg10[%get3A_187, %get3A_188] {strides = array<i32>} : memref<640x16xf32, #tpu.memory_space<vmem>>, vector<1x16xf32>,
      %get3A_190 = vector.shape_cast %get3A_189 : vector<1x16xf32> to vector<16xf32>
      %slice3A_191 = vector.extract_strided_slice %mul3A_60 {offsets = [5], sizes = [1], strides = [1]} : vector<16xf32> to vector<1xf32>
      %squeeze3A_192 = vector.extract %slice3A_191[0] : f32 from vector<1xf32>
      %broadcast_in_dim3A_193 = vector.broadcast %squeeze3A_192 : f32 to vector<16xf32>
      %mul3A_194 = arith.mulf %get3A_190, %broadcast_in_dim3A_193 : vector<16xf32>
      %swap3A_195 = arith.index_cast %add3A_186 : i32 to index
      %swap3A_196 = arith.constant 0 : index
      %swap3A_197 = tpu.vector_load %arg12[%swap3A_195, %swap3A_196] {strides = array<i32>} : memref<640x16xf32, #tpu.memory_space<vmem>>, vector<1x16xf32>,
      %swap3A_198 = vector.shape_cast %swap3A_197 : vector<1x16xf32> to vector<16xf32>
      %swap3A_199 = vector.shape_cast %mul3A_194 : vector<16xf32> to vector<1x16xf32>
      tpu.vector_store %arg12[%swap3A_195, %swap3A_196], %swap3A_199 {strides = array<i32>} : memref<640x16xf32, #tpu.memory_space<vmem>>, vector<1x16xf32>,
      %mul3A_200 = arith.constant 5.000000e-01 : f32
      %mul3A_201 = vector.broadcast %mul3A_200 : f32 to vector<16xf32>
      %mul3A_202 = arith.mulf %mul3A_194, %mul3A_201 : vector<16xf32>
      %swap3A_203 = arith.index_cast %add3A_186 : i32 to index
      %swap3A_204 = arith.constant 0 : index
      %swap3A_205 = tpu.vector_load %arg13[%swap3A_203, %swap3A_204] {strides = array<i32>} : memref<640x16xf32, #tpu.memory_space<vmem>>, vector<1x16xf32>,
      %swap3A_206 = vector.shape_cast %swap3A_205 : vector<1x16xf32> to vector<16xf32>
      %swap3A_207 = vector.shape_cast %mul3A_202 : vector<16xf32> to vector<1x16xf32>
      tpu.vector_store %arg13[%swap3A_203, %swap3A_204], %swap3A_207 {strides = array<i32>} : memref<640x16xf32, #tpu.memory_space<vmem>>, vector<1x16xf32>,
      %mul3A_208 = arith.constant 16 : i32
      %mul3A_209 = arith.muli %scan3A_18, %mul3A_208 : i32
      %add3A_210 = arith.constant 6 : i32
      %add3A_211 = arith.addi %mul3A_209, %add3A_210 : i32
      %get3A_212 = arith.index_cast %add3A_211 : i32 to index
      %get3A_213 = arith.constant 0 : index
      %get3A_214 = tpu.vector_load %arg10[%get3A_212, %get3A_213] {strides = array<i32>} : memref<640x16xf32, #tpu.memory_space<vmem>>, vector<1x16xf32>,
      %get3A_215 = vector.shape_cast %get3A_214 : vector<1x16xf32> to vector<16xf32>
      %slice3A_216 = vector.extract_strided_slice %mul3A_60 {offsets = [6], sizes = [1], strides = [1]} : vector<16xf32> to vector<1xf32>
      %squeeze3A_217 = vector.extract %slice3A_216[0] : f32 from vector<1xf32>
      %broadcast_in_dim3A_218 = vector.broadcast %squeeze3A_217 : f32 to vector<16xf32>
      %mul3A_219 = arith.mulf %get3A_215, %broadcast_in_dim3A_218 : vector<16xf32>
      %swap3A_220 = arith.index_cast %add3A_211 : i32 to index
      %swap3A_221 = arith.constant 0 : index
      %swap3A_222 = tpu.vector_load %arg12[%swap3A_220, %swap3A_221] {strides = array<i32>} : memref<640x16xf32, #tpu.memory_space<vmem>>, vector<1x16xf32>,
      %swap3A_223 = vector.shape_cast %swap3A_222 : vector<1x16xf32> to vector<16xf32>
      %swap3A_224 = vector.shape_cast %mul3A_219 : vector<16xf32> to vector<1x16xf32>
      tpu.vector_store %arg12[%swap3A_220, %swap3A_221], %swap3A_224 {strides = array<i32>} : memref<640x16xf32, #tpu.memory_space<vmem>>, vector<1x16xf32>,
      %mul3A_225 = arith.constant 5.000000e-01 : f32
      %mul3A_226 = vector.broadcast %mul3A_225 : f32 to vector<16xf32>
      %mul3A_227 = arith.mulf %mul3A_219, %mul3A_226 : vector<16xf32>
      %swap3A_228 = arith.index_cast %add3A_211 : i32 to index
      %swap3A_229 = arith.constant 0 : index
      %swap3A_230 = tpu.vector_load %arg13[%swap3A_228, %swap3A_229] {strides = array<i32>} : memref<640x16xf32, #tpu.memory_space<vmem>>, vector<1x16xf32>,
      %swap3A_231 = vector.shape_cast %swap3A_230 : vector<1x16xf32> to vector<16xf32>
      %swap3A_232 = vector.shape_cast %mul3A_227 : vector<16xf32> to vector<1x16xf32>
      tpu.vector_store %arg13[%swap3A_228, %swap3A_229], %swap3A_232 {strides = array<i32>} : memref<640x16xf32, #tpu.memory_space<vmem>>, vector<1x16xf32>,
      %mul3A_233 = arith.constant 16 : i32
      %mul3A_234 = arith.muli %scan3A_18, %mul3A_233 : i32
      %add3A_235 = arith.constant 7 : i32
      %add3A_236 = arith.addi %mul3A_234, %add3A_235 : i32
      %get3A_237 = arith.index_cast %add3A_236 : i32 to index
      %get3A_238 = arith.constant 0 : index
      %get3A_239 = tpu.vector_load %arg10[%get3A_237, %get3A_238] {strides = array<i32>} : memref<640x16xf32, #tpu.memory_space<vmem>>, vector<1x16xf32>,
      %get3A_240 = vector.shape_cast %get3A_239 : vector<1x16xf32> to vector<16xf32>
      %slice3A_241 = vector.extract_strided_slice %mul3A_60 {offsets = [7], sizes = [1], strides = [1]} : vector<16xf32> to vector<1xf32>
      %squeeze3A_242 = vector.extract %slice3A_241[0] : f32 from vector<1xf32>
      %broadcast_in_dim3A_243 = vector.broadcast %squeeze3A_242 : f32 to vector<16xf32>
      %mul3A_244 = arith.mulf %get3A_240, %broadcast_in_dim3A_243 : vector<16xf32>
      %swap3A_245 = arith.index_cast %add3A_236 : i32 to index
      %swap3A_246 = arith.constant 0 : index
      %swap3A_247 = tpu.vector_load %arg12[%swap3A_245, %swap3A_246] {strides = array<i32>} : memref<640x16xf32, #tpu.memory_space<vmem>>, vector<1x16xf32>,
      %swap3A_248 = vector.shape_cast %swap3A_247 : vector<1x16xf32> to vector<16xf32>
      %swap3A_249 = vector.shape_cast %mul3A_244 : vector<16xf32> to vector<1x16xf32>
      tpu.vector_store %arg12[%swap3A_245, %swap3A_246], %swap3A_249 {strides = array<i32>} : memref<640x16xf32, #tpu.memory_space<vmem>>, vector<1x16xf32>,
      %mul3A_250 = arith.constant 5.000000e-01 : f32
      %mul3A_251 = vector.broadcast %mul3A_250 : f32 to vector<16xf32>
      %mul3A_252 = arith.mulf %mul3A_244, %mul3A_251 : vector<16xf32>
      %swap3A_253 = arith.index_cast %add3A_236 : i32 to index
      %swap3A_254 = arith.constant 0 : index
      %swap3A_255 = tpu.vector_load %arg13[%swap3A_253, %swap3A_254] {strides = array<i32>} : memref<640x16xf32, #tpu.memory_space<vmem>>, vector<1x16xf32>,
      %swap3A_256 = vector.shape_cast %swap3A_255 : vector<1x16xf32> to vector<16xf32>
      %swap3A_257 = vector.shape_cast %mul3A_252 : vector<16xf32> to vector<1x16xf32>
      tpu.vector_store %arg13[%swap3A_253, %swap3A_254], %swap3A_257 {strides = array<i32>} : memref<640x16xf32, #tpu.memory_space<vmem>>, vector<1x16xf32>,
      %mul3A_258 = arith.constant 16 : i32
      %mul3A_259 = arith.muli %scan3A_18, %mul3A_258 : i32
      %add3A_260 = arith.constant 8 : i32
      %add3A_261 = arith.addi %mul3A_259, %add3A_260 : i32
      %get3A_262 = arith.index_cast %add3A_261 : i32 to index
      %get3A_263 = arith.constant 0 : index
      %get3A_264 = tpu.vector_load %arg10[%get3A_262, %get3A_263] {strides = array<i32>} : memref<640x16xf32, #tpu.memory_space<vmem>>, vector<1x16xf32>,
      %get3A_265 = vector.shape_cast %get3A_264 : vector<1x16xf32> to vector<16xf32>
      %slice3A_266 = vector.extract_strided_slice %mul3A_60 {offsets = [8], sizes = [1], strides = [1]} : vector<16xf32> to vector<1xf32>
      %squeeze3A_267 = vector.extract %slice3A_266[0] : f32 from vector<1xf32>
      %broadcast_in_dim3A_268 = vector.broadcast %squeeze3A_267 : f32 to vector<16xf32>
      %mul3A_269 = arith.mulf %get3A_265, %broadcast_in_dim3A_268 : vector<16xf32>
      %swap3A_270 = arith.index_cast %add3A_261 : i32 to index
      %swap3A_271 = arith.constant 0 : index
      %swap3A_272 = tpu.vector_load %arg12[%swap3A_270, %swap3A_271] {strides = array<i32>} : memref<640x16xf32, #tpu.memory_space<vmem>>, vector<1x16xf32>,
      %swap3A_273 = vector.shape_cast %swap3A_272 : vector<1x16xf32> to vector<16xf32>
      %swap3A_274 = vector.shape_cast %mul3A_269 : vector<16xf32> to vector<1x16xf32>
      tpu.vector_store %arg12[%swap3A_270, %swap3A_271], %swap3A_274 {strides = array<i32>} : memref<640x16xf32, #tpu.memory_space<vmem>>, vector<1x16xf32>,
      %mul3A_275 = arith.constant 5.000000e-01 : f32
      %mul3A_276 = vector.broadcast %mul3A_275 : f32 to vector<16xf32>
      %mul3A_277 = arith.mulf %mul3A_269, %mul3A_276 : vector<16xf32>
      %swap3A_278 = arith.index_cast %add3A_261 : i32 to index
      %swap3A_279 = arith.constant 0 : index
      %swap3A_280 = tpu.vector_load %arg13[%swap3A_278, %swap3A_279] {strides = array<i32>} : memref<640x16xf32, #tpu.memory_space<vmem>>, vector<1x16xf32>,
      %swap3A_281 = vector.shape_cast %swap3A_280 : vector<1x16xf32> to vector<16xf32>
      %swap3A_282 = vector.shape_cast %mul3A_277 : vector<16xf32> to vector<1x16xf32>
      tpu.vector_store %arg13[%swap3A_278, %swap3A_279], %swap3A_282 {strides = array<i32>} : memref<640x16xf32, #tpu.memory_space<vmem>>, vector<1x16xf32>,
      %mul3A_283 = arith.constant 16 : i32
      %mul3A_284 = arith.muli %scan3A_18, %mul3A_283 : i32
      %add3A_285 = arith.constant 9 : i32
      %add3A_286 = arith.addi %mul3A_284, %add3A_285 : i32
      %get3A_287 = arith.index_cast %add3A_286 : i32 to index
      %get3A_288 = arith.constant 0 : index
      %get3A_289 = tpu.vector_load %arg10[%get3A_287, %get3A_288] {strides = array<i32>} : memref<640x16xf32, #tpu.memory_space<vmem>>, vector<1x16xf32>,
      %get3A_290 = vector.shape_cast %get3A_289 : vector<1x16xf32> to vector<16xf32>
      %slice3A_291 = vector.extract_strided_slice %mul3A_60 {offsets = [9], sizes = [1], strides = [1]} : vector<16xf32> to vector<1xf32>
      %squeeze3A_292 = vector.extract %slice3A_291[0] : f32 from vector<1xf32>
      %broadcast_in_dim3A_293 = vector.broadcast %squeeze3A_292 : f32 to vector<16xf32>
      %mul3A_294 = arith.mulf %get3A_290, %broadcast_in_dim3A_293 : vector<16xf32>
      %swap3A_295 = arith.index_cast %add3A_286 : i32 to index
      %swap3A_296 = arith.constant 0 : index
      %swap3A_297 = tpu.vector_load %arg12[%swap3A_295, %swap3A_296] {strides = array<i32>} : memref<640x16xf32, #tpu.memory_space<vmem>>, vector<1x16xf32>,
      %swap3A_298 = vector.shape_cast %swap3A_297 : vector<1x16xf32> to vector<16xf32>
      %swap3A_299 = vector.shape_cast %mul3A_294 : vector<16xf32> to vector<1x16xf32>
      tpu.vector_store %arg12[%swap3A_295, %swap3A_296], %swap3A_299 {strides = array<i32>} : memref<640x16xf32, #tpu.memory_space<vmem>>, vector<1x16xf32>,
      %mul3A_300 = arith.constant 5.000000e-01 : f32
      %mul3A_301 = vector.broadcast %mul3A_300 : f32 to vector<16xf32>
      %mul3A_302 = arith.mulf %mul3A_294, %mul3A_301 : vector<16xf32>
      %swap3A_303 = arith.index_cast %add3A_286 : i32 to index
      %swap3A_304 = arith.constant 0 : index
      %swap3A_305 = tpu.vector_load %arg13[%swap3A_303, %swap3A_304] {strides = array<i32>} : memref<640x16xf32, #tpu.memory_space<vmem>>, vector<1x16xf32>,
      %swap3A_306 = vector.shape_cast %swap3A_305 : vector<1x16xf32> to vector<16xf32>
      %swap3A_307 = vector.shape_cast %mul3A_302 : vector<16xf32> to vector<1x16xf32>
      tpu.vector_store %arg13[%swap3A_303, %swap3A_304], %swap3A_307 {strides = array<i32>} : memref<640x16xf32, #tpu.memory_space<vmem>>, vector<1x16xf32>,
      %mul3A_308 = arith.constant 16 : i32
      %mul3A_309 = arith.muli %scan3A_18, %mul3A_308 : i32
      %add3A_310 = arith.constant 10 : i32
      %add3A_311 = arith.addi %mul3A_309, %add3A_310 : i32
      %get3A_312 = arith.index_cast %add3A_311 : i32 to index
      %get3A_313 = arith.constant 0 : index
      %get3A_314 = tpu.vector_load %arg10[%get3A_312, %get3A_313] {strides = array<i32>} : memref<640x16xf32, #tpu.memory_space<vmem>>, vector<1x16xf32>,
      %get3A_315 = vector.shape_cast %get3A_314 : vector<1x16xf32> to vector<16xf32>
      %slice3A_316 = vector.extract_strided_slice %mul3A_60 {offsets = [10], sizes = [1], strides = [1]} : vector<16xf32> to vector<1xf32>
      %squeeze3A_317 = vector.extract %slice3A_316[0] : f32 from vector<1xf32>
      %broadcast_in_dim3A_318 = vector.broadcast %squeeze3A_317 : f32 to vector<16xf32>
      %mul3A_319 = arith.mulf %get3A_315, %broadcast_in_dim3A_318 : vector<16xf32>
      %swap3A_320 = arith.index_cast %add3A_311 : i32 to index
      %swap3A_321 = arith.constant 0 : index
      %swap3A_322 = tpu.vector_load %arg12[%swap3A_320, %swap3A_321] {strides = array<i32>} : memref<640x16xf32, #tpu.memory_space<vmem>>, vector<1x16xf32>,
      %swap3A_323 = vector.shape_cast %swap3A_322 : vector<1x16xf32> to vector<16xf32>
      %swap3A_324 = vector.shape_cast %mul3A_319 : vector<16xf32> to vector<1x16xf32>
      tpu.vector_store %arg12[%swap3A_320, %swap3A_321], %swap3A_324 {strides = array<i32>} : memref<640x16xf32, #tpu.memory_space<vmem>>, vector<1x16xf32>,
      %mul3A_325 = arith.constant 5.000000e-01 : f32
      %mul3A_326 = vector.broadcast %mul3A_325 : f32 to vector<16xf32>
      %mul3A_327 = arith.mulf %mul3A_319, %mul3A_326 : vector<16xf32>
      %swap3A_328 = arith.index_cast %add3A_311 : i32 to index
      %swap3A_329 = arith.constant 0 : index
      %swap3A_330 = tpu.vector_load %arg13[%swap3A_328, %swap3A_329] {strides = array<i32>} : memref<640x16xf32, #tpu.memory_space<vmem>>, vector<1x16xf32>,
      %swap3A_331 = vector.shape_cast %swap3A_330 : vector<1x16xf32> to vector<16xf32>
      %swap3A_332 = vector.shape_cast %mul3A_327 : vector<16xf32> to vector<1x16xf32>
      tpu.vector_store %arg13[%swap3A_328, %swap3A_329], %swap3A_332 {strides = array<i32>} : memref<640x16xf32, #tpu.memory_space<vmem>>, vector<1x16xf32>,
      %mul3A_333 = arith.constant 16 : i32
      %mul3A_334 = arith.muli %scan3A_18, %mul3A_333 : i32
      %add3A_335 = arith.constant 11 : i32
      %add3A_336 = arith.addi %mul3A_334, %add3A_335 : i32
      %get3A_337 = arith.index_cast %add3A_336 : i32 to index
      %get3A_338 = arith.constant 0 : index
      %get3A_339 = tpu.vector_load %arg10[%get3A_337, %get3A_338] {strides = array<i32>} : memref<640x16xf32, #tpu.memory_space<vmem>>, vector<1x16xf32>,
      %get3A_340 = vector.shape_cast %get3A_339 : vector<1x16xf32> to vector<16xf32>
      %slice3A_341 = vector.extract_strided_slice %mul3A_60 {offsets = [11], sizes = [1], strides = [1]} : vector<16xf32> to vector<1xf32>
      %squeeze3A_342 = vector.extract %slice3A_341[0] : f32 from vector<1xf32>
      %broadcast_in_dim3A_343 = vector.broadcast %squeeze3A_342 : f32 to vector<16xf32>
      %mul3A_344 = arith.mulf %get3A_340, %broadcast_in_dim3A_343 : vector<16xf32>
      %swap3A_345 = arith.index_cast %add3A_336 : i32 to index
      %swap3A_346 = arith.constant 0 : index
      %swap3A_347 = tpu.vector_load %arg12[%swap3A_345, %swap3A_346] {strides = array<i32>} : memref<640x16xf32, #tpu.memory_space<vmem>>, vector<1x16xf32>,
      %swap3A_348 = vector.shape_cast %swap3A_347 : vector<1x16xf32> to vector<16xf32>
      %swap3A_349 = vector.shape_cast %mul3A_344 : vector<16xf32> to vector<1x16xf32>
      tpu.vector_store %arg12[%swap3A_345, %swap3A_346], %swap3A_349 {strides = array<i32>} : memref<640x16xf32, #tpu.memory_space<vmem>>, vector<1x16xf32>,
      %mul3A_350 = arith.constant 5.000000e-01 : f32
      %mul3A_351 = vector.broadcast %mul3A_350 : f32 to vector<16xf32>
      %mul3A_352 = arith.mulf %mul3A_344, %mul3A_351 : vector<16xf32>
      %swap3A_353 = arith.index_cast %add3A_336 : i32 to index
      %swap3A_354 = arith.constant 0 : index
      %swap3A_355 = tpu.vector_load %arg13[%swap3A_353, %swap3A_354] {strides = array<i32>} : memref<640x16xf32, #tpu.memory_space<vmem>>, vector<1x16xf32>,
      %swap3A_356 = vector.shape_cast %swap3A_355 : vector<1x16xf32> to vector<16xf32>
      %swap3A_357 = vector.shape_cast %mul3A_352 : vector<16xf32> to vector<1x16xf32>
      tpu.vector_store %arg13[%swap3A_353, %swap3A_354], %swap3A_357 {strides = array<i32>} : memref<640x16xf32, #tpu.memory_space<vmem>>, vector<1x16xf32>,
      %mul3A_358 = arith.constant 16 : i32
      %mul3A_359 = arith.muli %scan3A_18, %mul3A_358 : i32
      %add3A_360 = arith.constant 12 : i32
      %add3A_361 = arith.addi %mul3A_359, %add3A_360 : i32
      %get3A_362 = arith.index_cast %add3A_361 : i32 to index
      %get3A_363 = arith.constant 0 : index
      %get3A_364 = tpu.vector_load %arg10[%get3A_362, %get3A_363] {strides = array<i32>} : memref<640x16xf32, #tpu.memory_space<vmem>>, vector<1x16xf32>,
      %get3A_365 = vector.shape_cast %get3A_364 : vector<1x16xf32> to vector<16xf32>
      %slice3A_366 = vector.extract_strided_slice %mul3A_60 {offsets = [12], sizes = [1], strides = [1]} : vector<16xf32> to vector<1xf32>
      %squeeze3A_367 = vector.extract %slice3A_366[0] : f32 from vector<1xf32>
      %broadcast_in_dim3A_368 = vector.broadcast %squeeze3A_367 : f32 to vector<16xf32>
      %mul3A_369 = arith.mulf %get3A_365, %broadcast_in_dim3A_368 : vector<16xf32>
      %swap3A_370 = arith.index_cast %add3A_361 : i32 to index
      %swap3A_371 = arith.constant 0 : index
      %swap3A_372 = tpu.vector_load %arg12[%swap3A_370, %swap3A_371] {strides = array<i32>} : memref<640x16xf32, #tpu.memory_space<vmem>>, vector<1x16xf32>,
      %swap3A_373 = vector.shape_cast %swap3A_372 : vector<1x16xf32> to vector<16xf32>
      %swap3A_374 = vector.shape_cast %mul3A_369 : vector<16xf32> to vector<1x16xf32>
      tpu.vector_store %arg12[%swap3A_370, %swap3A_371], %swap3A_374 {strides = array<i32>} : memref<640x16xf32, #tpu.memory_space<vmem>>, vector<1x16xf32>,
      %mul3A_375 = arith.constant 5.000000e-01 : f32
      %mul3A_376 = vector.broadcast %mul3A_375 : f32 to vector<16xf32>
      %mul3A_377 = arith.mulf %mul3A_369, %mul3A_376 : vector<16xf32>
      %swap3A_378 = arith.index_cast %add3A_361 : i32 to index
      %swap3A_379 = arith.constant 0 : index
      %swap3A_380 = tpu.vector_load %arg13[%swap3A_378, %swap3A_379] {strides = array<i32>} : memref<640x16xf32, #tpu.memory_space<vmem>>, vector<1x16xf32>,
      %swap3A_381 = vector.shape_cast %swap3A_380 : vector<1x16xf32> to vector<16xf32>
      %swap3A_382 = vector.shape_cast %mul3A_377 : vector<16xf32> to vector<1x16xf32>
      tpu.vector_store %arg13[%swap3A_378, %swap3A_379], %swap3A_382 {strides = array<i32>} : memref<640x16xf32, #tpu.memory_space<vmem>>, vector<1x16xf32>,
      %mul3A_383 = arith.constant 16 : i32
      %mul3A_384 = arith.muli %scan3A_18, %mul3A_383 : i32
      %add3A_385 = arith.constant 13 : i32
      %add3A_386 = arith.addi %mul3A_384, %add3A_385 : i32
      %get3A_387 = arith.index_cast %add3A_386 : i32 to index
      %get3A_388 = arith.constant 0 : index
      %get3A_389 = tpu.vector_load %arg10[%get3A_387, %get3A_388] {strides = array<i32>} : memref<640x16xf32, #tpu.memory_space<vmem>>, vector<1x16xf32>,
      %get3A_390 = vector.shape_cast %get3A_389 : vector<1x16xf32> to vector<16xf32>
      %slice3A_391 = vector.extract_strided_slice %mul3A_60 {offsets = [13], sizes = [1], strides = [1]} : vector<16xf32> to vector<1xf32>
      %squeeze3A_392 = vector.extract %slice3A_391[0] : f32 from vector<1xf32>
      %broadcast_in_dim3A_393 = vector.broadcast %squeeze3A_392 : f32 to vector<16xf32>
      %mul3A_394 = arith.mulf %get3A_390, %broadcast_in_dim3A_393 : vector<16xf32>
      %swap3A_395 = arith.index_cast %add3A_386 : i32 to index
      %swap3A_396 = arith.constant 0 : index
      %swap3A_397 = tpu.vector_load %arg12[%swap3A_395, %swap3A_396] {strides = array<i32>} : memref<640x16xf32, #tpu.memory_space<vmem>>, vector<1x16xf32>,
      %swap3A_398 = vector.shape_cast %swap3A_397 : vector<1x16xf32> to vector<16xf32>
      %swap3A_399 = vector.shape_cast %mul3A_394 : vector<16xf32> to vector<1x16xf32>
      tpu.vector_store %arg12[%swap3A_395, %swap3A_396], %swap3A_399 {strides = array<i32>} : memref<640x16xf32, #tpu.memory_space<vmem>>, vector<1x16xf32>,
      %mul3A_400 = arith.constant 5.000000e-01 : f32
      %mul3A_401 = vector.broadcast %mul3A_400 : f32 to vector<16xf32>
      %mul3A_402 = arith.mulf %mul3A_394, %mul3A_401 : vector<16xf32>
      %swap3A_403 = arith.index_cast %add3A_386 : i32 to index
      %swap3A_404 = arith.constant 0 : index
      %swap3A_405 = tpu.vector_load %arg13[%swap3A_403, %swap3A_404] {strides = array<i32>} : memref<640x16xf32, #tpu.memory_space<vmem>>, vector<1x16xf32>,
      %swap3A_406 = vector.shape_cast %swap3A_405 : vector<1x16xf32> to vector<16xf32>
      %swap3A_407 = vector.shape_cast %mul3A_402 : vector<16xf32> to vector<1x16xf32>
      tpu.vector_store %arg13[%swap3A_403, %swap3A_404], %swap3A_407 {strides = array<i32>} : memref<640x16xf32, #tpu.memory_space<vmem>>, vector<1x16xf32>,
      %mul3A_408 = arith.constant 16 : i32
      %mul3A_409 = arith.muli %scan3A_18, %mul3A_408 : i32
      %add3A_410 = arith.constant 14 : i32
      %add3A_411 = arith.addi %mul3A_409, %add3A_410 : i32
      %get3A_412 = arith.index_cast %add3A_411 : i32 to index
      %get3A_413 = arith.constant 0 : index
      %get3A_414 = tpu.vector_load %arg10[%get3A_412, %get3A_413] {strides = array<i32>} : memref<640x16xf32, #tpu.memory_space<vmem>>, vector<1x16xf32>,
      %get3A_415 = vector.shape_cast %get3A_414 : vector<1x16xf32> to vector<16xf32>
      %slice3A_416 = vector.extract_strided_slice %mul3A_60 {offsets = [14], sizes = [1], strides = [1]} : vector<16xf32> to vector<1xf32>
      %squeeze3A_417 = vector.extract %slice3A_416[0] : f32 from vector<1xf32>
      %broadcast_in_dim3A_418 = vector.broadcast %squeeze3A_417 : f32 to vector<16xf32>
      %mul3A_419 = arith.mulf %get3A_415, %broadcast_in_dim3A_418 : vector<16xf32>
      %swap3A_420 = arith.index_cast %add3A_411 : i32 to index
      %swap3A_421 = arith.constant 0 : index
      %swap3A_422 = tpu.vector_load %arg12[%swap3A_420, %swap3A_421] {strides = array<i32>} : memref<640x16xf32, #tpu.memory_space<vmem>>, vector<1x16xf32>,
      %swap3A_423 = vector.shape_cast %swap3A_422 : vector<1x16xf32> to vector<16xf32>
      %swap3A_424 = vector.shape_cast %mul3A_419 : vector<16xf32> to vector<1x16xf32>
      tpu.vector_store %arg12[%swap3A_420, %swap3A_421], %swap3A_424 {strides = array<i32>} : memref<640x16xf32, #tpu.memory_space<vmem>>, vector<1x16xf32>,
      %mul3A_425 = arith.constant 5.000000e-01 : f32
      %mul3A_426 = vector.broadcast %mul3A_425 : f32 to vector<16xf32>
      %mul3A_427 = arith.mulf %mul3A_419, %mul3A_426 : vector<16xf32>
      %swap3A_428 = arith.index_cast %add3A_411 : i32 to index
      %swap3A_429 = arith.constant 0 : index
      %swap3A_430 = tpu.vector_load %arg13[%swap3A_428, %swap3A_429] {strides = array<i32>} : memref<640x16xf32, #tpu.memory_space<vmem>>, vector<1x16xf32>,
      %swap3A_431 = vector.shape_cast %swap3A_430 : vector<1x16xf32> to vector<16xf32>
      %swap3A_432 = vector.shape_cast %mul3A_427 : vector<16xf32> to vector<1x16xf32>
      tpu.vector_store %arg13[%swap3A_428, %swap3A_429], %swap3A_432 {strides = array<i32>} : memref<640x16xf32, #tpu.memory_space<vmem>>, vector<1x16xf32>,
      %mul3A_433 = arith.constant 16 : i32
      %mul3A_434 = arith.muli %scan3A_18, %mul3A_433 : i32
      %add3A_435 = arith.constant 15 : i32
      %add3A_436 = arith.addi %mul3A_434, %add3A_435 : i32
      %get3A_437 = arith.index_cast %add3A_436 : i32 to index
      %get3A_438 = arith.constant 0 : index
      %get3A_439 = tpu.vector_load %arg10[%get3A_437, %get3A_438] {strides = array<i32>} : memref<640x16xf32, #tpu.memory_space<vmem>>, vector<1x16xf32>,
      %get3A_440 = vector.shape_cast %get3A_439 : vector<1x16xf32> to vector<16xf32>
      %slice3A_441 = vector.extract_strided_slice %mul3A_60 {offsets = [15], sizes = [1], strides = [1]} : vector<16xf32> to vector<1xf32>
      %squeeze3A_442 = vector.extract %slice3A_441[0] : f32 from vector<1xf32>
      %broadcast_in_dim3A_443 = vector.broadcast %squeeze3A_442 : f32 to vector<16xf32>
      %mul3A_444 = arith.mulf %get3A_440, %broadcast_in_dim3A_443 : vector<16xf32>
      %swap3A_445 = arith.index_cast %add3A_436 : i32 to index
      %swap3A_446 = arith.constant 0 : index
      %swap3A_447 = tpu.vector_load %arg12[%swap3A_445, %swap3A_446] {strides = array<i32>} : memref<640x16xf32, #tpu.memory_space<vmem>>, vector<1x16xf32>,
      %swap3A_448 = vector.shape_cast %swap3A_447 : vector<1x16xf32> to vector<16xf32>
      %swap3A_449 = vector.shape_cast %mul3A_444 : vector<16xf32> to vector<1x16xf32>
      tpu.vector_store %arg12[%swap3A_445, %swap3A_446], %swap3A_449 {strides = array<i32>} : memref<640x16xf32, #tpu.memory_space<vmem>>, vector<1x16xf32>,
      %mul3A_450 = arith.constant 5.000000e-01 : f32
      %mul3A_451 = vector.broadcast %mul3A_450 : f32 to vector<16xf32>
      %mul3A_452 = arith.mulf %mul3A_444, %mul3A_451 : vector<16xf32>
      %swap3A_453 = arith.index_cast %add3A_436 : i32 to index
      %swap3A_454 = arith.constant 0 : index
      %swap3A_455 = tpu.vector_load %arg13[%swap3A_453, %swap3A_454] {strides = array<i32>} : memref<640x16xf32, #tpu.memory_space<vmem>>, vector<1x16xf32>,
      %swap3A_456 = vector.shape_cast %swap3A_455 : vector<1x16xf32> to vector<16xf32>
      %swap3A_457 = vector.shape_cast %mul3A_452 : vector<16xf32> to vector<1x16xf32>
      tpu.vector_store %arg13[%swap3A_453, %swap3A_454], %swap3A_457 {strides = array<i32>} : memref<640x16xf32, #tpu.memory_space<vmem>>, vector<1x16xf32>,
      %scan3A_458 = arith.constant 0 : i32
      scf.yield %scan3A_458 : i32
    }
    %scan3A_9 = arith.constant 40 : i32
    "tpu.region"() ({
      %run_scoped3A_18 = tpu.sem_alloc : memref<!tpu.dma_semaphore, #tpu.memory_space<semaphore_mem>>
      %dma_start3A = arith.constant 0 : i32
      %dma_start3A_19 = tpu.memref_slice %arg6[%mul3A_2, %dma_start3A] : memref<10240x16xf32, #tpu.memory_space<hbm>> -> memref<640x16xf32, #tpu.memory_space<hbm>>
      %dma_start3A_20 = arith.constant 0 : i32
      %dma_start3A_21 = tpu.memref_slice %arg6[%mul3A_2, %dma_start3A_20] : memref<10240x16xf32, #tpu.memory_space<hbm>> -> memref<640x16xf32, #tpu.memory_space<hbm>>
      tpu.enqueue_dma source(%arg12 : memref<640x16xf32, #tpu.memory_space<vmem>>) target(%dma_start3A_21 : memref<640x16xf32, #tpu.memory_space<hbm>>) target_semaphore(%run_scoped3A_18 : memref<!tpu.dma_semaphore, #tpu.memory_space<semaphore_mem>>)
      %dma_wait3A = arith.constant 0 : i32
      %dma_wait3A_22 = tpu.memref_slice %arg6[%mul3A_2, %dma_wait3A] : memref<10240x16xf32, #tpu.memory_space<hbm>> -> memref<640x16xf32, #tpu.memory_space<hbm>>
      %dma_wait3A_23 = arith.constant 0 : i32
      %dma_wait3A_24 = tpu.memref_slice %arg6[%mul3A_2, %dma_wait3A_23] : memref<10240x16xf32, #tpu.memory_space<hbm>> -> memref<640x16xf32, #tpu.memory_space<hbm>>
      tpu.wait_dma2 semaphore(%run_scoped3A_18 : memref<!tpu.dma_semaphore, #tpu.memory_space<semaphore_mem>>) src(%arg12 : memref<640x16xf32, #tpu.memory_space<vmem>>) dst(%dma_wait3A_24 : memref<640x16xf32, #tpu.memory_space<hbm>>)
      tpu.yield
    }) : () -> ()
    "tpu.region"() ({
      %run_scoped3A_18 = tpu.sem_alloc : memref<!tpu.dma_semaphore, #tpu.memory_space<semaphore_mem>>
      %dma_start3A = arith.constant 0 : i32
      %dma_start3A_19 = tpu.memref_slice %arg17[%mul3A_2, %dma_start3A] : memref<10240x16xf32, #tpu.memory_space<vmem_shared>> -> memref<640x16xf32, #tpu.memory_space<vmem_shared>>
      %dma_start3A_20 = arith.constant 0 : i32
      %dma_start3A_21 = tpu.memref_slice %arg17[%mul3A_2, %dma_start3A_20] : memref<10240x16xf32, #tpu.memory_space<vmem_shared>> -> memref<640x16xf32, #tpu.memory_space<vmem_shared>>
      tpu.enqueue_dma source(%arg13 : memref<640x16xf32, #tpu.memory_space<vmem>>) target(%dma_start3A_21 : memref<640x16xf32, #tpu.memory_space<vmem_shared>>) target_semaphore(%run_scoped3A_18 : memref<!tpu.dma_semaphore, #tpu.memory_space<semaphore_mem>>)
      %dma_wait3A = arith.constant 0 : i32
      %dma_wait3A_22 = tpu.memref_slice %arg17[%mul3A_2, %dma_wait3A] : memref<10240x16xf32, #tpu.memory_space<vmem_shared>> -> memref<640x16xf32, #tpu.memory_space<vmem_shared>>
      %dma_wait3A_23 = arith.constant 0 : i32
      %dma_wait3A_24 = tpu.memref_slice %arg17[%mul3A_2, %dma_wait3A_23] : memref<10240x16xf32, #tpu.memory_space<vmem_shared>> -> memref<640x16xf32, #tpu.memory_space<vmem_shared>>
      tpu.wait_dma2 semaphore(%run_scoped3A_18 : memref<!tpu.dma_semaphore, #tpu.memory_space<semaphore_mem>>) src(%arg13 : memref<640x16xf32, #tpu.memory_space<vmem>>) dst(%dma_wait3A_24 : memref<640x16xf32, #tpu.memory_space<vmem_shared>>)
      tpu.yield
    }) : () -> ()
    %barrier3A = arith.constant 0 : index
    tpu.barrier barrier_id(%barrier3A)
    %scan3A_10 = arith.constant 0 : i32
    %scan3A_11 = arith.constant 0 : i32
    %scan3A_12 = arith.constant 79 : i32
    %scan3A_13 = arith.addi %scan3A_11, %scan3A_12 : i32
    %scan3A_14 = arith.constant 1 : i32
    %scan3A_15 = scf.for %scan3A_18 = %scan3A_11 to %scan3A_13 step %scan3A_14 iter_args(%scan3A_19 = %scan3A_10) -> (i32)  : i32 {
      "tpu.region"() ({
        %run_scoped3A_25 = tpu.sem_alloc : memref<!tpu.dma_semaphore, #tpu.memory_space<semaphore_mem>>
        %dma_start3A_26 = arith.constant 0 : i32
        %dma_start3A_27 = tpu.memref_slice %arg4[%add3A, %scan3A_18, %dma_start3A_26] : memref<32x79x128xi32, #tpu.memory_space<hbm>> -> memref<1x1x128xi32, #tpu.memory_space<hbm>>
        %dma_start3A_28 = tpu.memref_squeeze %dma_start3A_27 : memref<1x1x128xi32, #tpu.memory_space<hbm>> -> memref<128xi32, #tpu.memory_space<hbm>>
        %dma_start3A_29 = arith.constant 0 : i32
        %dma_start3A_30 = tpu.memref_slice %arg4[%add3A, %scan3A_18, %dma_start3A_29] : memref<32x79x128xi32, #tpu.memory_space<hbm>> -> memref<1x1x128xi32, #tpu.memory_space<hbm>>
        %dma_start3A_31 = tpu.memref_squeeze %dma_start3A_30 : memref<1x1x128xi32, #tpu.memory_space<hbm>> -> memref<128xi32, #tpu.memory_space<hbm>>
        tpu.enqueue_dma source(%dma_start3A_31 : memref<128xi32, #tpu.memory_space<hbm>>) target(%arg14 : memref<128xi32, #tpu.memory_space<vmem>>) target_semaphore(%run_scoped3A_25 : memref<!tpu.dma_semaphore, #tpu.memory_space<semaphore_mem>>)
        %dma_wait3A_32 = arith.constant 0 : i32
        %dma_wait3A_33 = tpu.memref_slice %arg4[%add3A, %scan3A_18, %dma_wait3A_32] : memref<32x79x128xi32, #tpu.memory_space<hbm>> -> memref<1x1x128xi32, #tpu.memory_space<hbm>>
        %dma_wait3A_34 = tpu.memref_squeeze %dma_wait3A_33 : memref<1x1x128xi32, #tpu.memory_space<hbm>> -> memref<128xi32, #tpu.memory_space<hbm>>
        %dma_wait3A_35 = arith.constant 0 : i32
        %dma_wait3A_36 = tpu.memref_slice %arg4[%add3A, %scan3A_18, %dma_wait3A_35] : memref<32x79x128xi32, #tpu.memory_space<hbm>> -> memref<1x1x128xi32, #tpu.memory_space<hbm>>
        %dma_wait3A_37 = tpu.memref_squeeze %dma_wait3A_36 : memref<1x1x128xi32, #tpu.memory_space<hbm>> -> memref<128xi32, #tpu.memory_space<hbm>>
        tpu.wait_dma2 semaphore(%run_scoped3A_25 : memref<!tpu.dma_semaphore, #tpu.memory_space<semaphore_mem>>) src(%dma_wait3A_37 : memref<128xi32, #tpu.memory_space<hbm>>) dst(%arg14 : memref<128xi32, #tpu.memory_space<vmem>>)
        tpu.yield
      }) : () -> ()
      %dma_start3A = arith.constant 0 : i32
      %dma_start3A_20 = arith.constant 0 : i32
      %dma_start3A_21 = tpu.memref_slice %arg6[%dma_start3A, %dma_start3A_20] : memref<10240x16xf32, #tpu.memory_space<hbm>> -> memref<10240x16xf32, #tpu.memory_space<hbm>>
      tpu.enqueue_indirect_dma source(%dma_start3A_21 : memref<10240x16xf32, #tpu.memory_space<hbm>>) target(%arg16 : memref<128x16xf32, #tpu.memory_space<vmem>>) offsets(%arg14 : memref<128xi32, #tpu.memory_space<vmem>>) semaphore(%arg18 : memref<!tpu.dma_semaphore, #tpu.memory_space<semaphore_mem>>)
      %dma_wait3A = arith.constant 0 : i32
      %dma_wait3A_22 = arith.constant 0 : i32
      %dma_wait3A_23 = tpu.memref_slice %arg6[%dma_wait3A, %dma_wait3A_22] : memref<10240x16xf32, #tpu.memory_space<hbm>> -> memref<10240x16xf32, #tpu.memory_space<hbm>>
      tpu.wait_indirect_dma semaphore(%arg18 : memref<!tpu.dma_semaphore, #tpu.memory_space<semaphore_mem>>) src(%dma_wait3A_23 : memref<10240x16xf32, #tpu.memory_space<hbm>>) dst(%arg16 : memref<128x16xf32, #tpu.memory_space<vmem>>)
      "tpu.region"() ({
        %run_scoped3A_25 = tpu.sem_alloc : memref<!tpu.dma_semaphore, #tpu.memory_space<semaphore_mem>>
        %dma_start3A_26 = arith.constant 0 : i32
        %dma_start3A_27 = tpu.memref_slice %arg5[%add3A, %scan3A_18, %dma_start3A_26] : memref<32x79x128xi32, #tpu.memory_space<hbm>> -> memref<1x1x128xi32, #tpu.memory_space<hbm>>
        %dma_start3A_28 = tpu.memref_squeeze %dma_start3A_27 : memref<1x1x128xi32, #tpu.memory_space<hbm>> -> memref<128xi32, #tpu.memory_space<hbm>>
        %dma_start3A_29 = arith.constant 0 : i32
        %dma_start3A_30 = tpu.memref_slice %arg5[%add3A, %scan3A_18, %dma_start3A_29] : memref<32x79x128xi32, #tpu.memory_space<hbm>> -> memref<1x1x128xi32, #tpu.memory_space<hbm>>
        %dma_start3A_31 = tpu.memref_squeeze %dma_start3A_30 : memref<1x1x128xi32, #tpu.memory_space<hbm>> -> memref<128xi32, #tpu.memory_space<hbm>>
        tpu.enqueue_dma source(%dma_start3A_31 : memref<128xi32, #tpu.memory_space<hbm>>) target(%arg15 : memref<128xi32, #tpu.memory_space<vmem>>) target_semaphore(%run_scoped3A_25 : memref<!tpu.dma_semaphore, #tpu.memory_space<semaphore_mem>>)
        %dma_wait3A_32 = arith.constant 0 : i32
        %dma_wait3A_33 = tpu.memref_slice %arg5[%add3A, %scan3A_18, %dma_wait3A_32] : memref<32x79x128xi32, #tpu.memory_space<hbm>> -> memref<1x1x128xi32, #tpu.memory_space<hbm>>
        %dma_wait3A_34 = tpu.memref_squeeze %dma_wait3A_33 : memref<1x1x128xi32, #tpu.memory_space<hbm>> -> memref<128xi32, #tpu.memory_space<hbm>>
        %dma_wait3A_35 = arith.constant 0 : i32
        %dma_wait3A_36 = tpu.memref_slice %arg5[%add3A, %scan3A_18, %dma_wait3A_35] : memref<32x79x128xi32, #tpu.memory_space<hbm>> -> memref<1x1x128xi32, #tpu.memory_space<hbm>>
        %dma_wait3A_37 = tpu.memref_squeeze %dma_wait3A_36 : memref<1x1x128xi32, #tpu.memory_space<hbm>> -> memref<128xi32, #tpu.memory_space<hbm>>
        tpu.wait_dma2 semaphore(%run_scoped3A_25 : memref<!tpu.dma_semaphore, #tpu.memory_space<semaphore_mem>>) src(%dma_wait3A_37 : memref<128xi32, #tpu.memory_space<hbm>>) dst(%arg15 : memref<128xi32, #tpu.memory_space<vmem>>)
        tpu.yield
      }) : () -> ()
      "tpu.region"() ({
        %run_scoped3A_25 = tpu.sem_alloc : memref<!tpu.dma_semaphore, #tpu.memory_space<semaphore_mem>>
        %dma_start3A_26 = arith.constant 0 : i32
        %dma_start3A_27 = arith.constant 0 : i32
        %dma_start3A_28 = tpu.memref_slice %arg17[%dma_start3A_26, %dma_start3A_27] : memref<10240x16xf32, #tpu.memory_space<vmem_shared>> -> memref<10240x16xf32, #tpu.memory_space<vmem_shared>>
        tpu.enqueue_indirect_dma source(%arg16 : memref<128x16xf32, #tpu.memory_space<vmem>>) target(%dma_start3A_28 : memref<10240x16xf32, #tpu.memory_space<vmem_shared>>) offsets(%arg15 : memref<128xi32, #tpu.memory_space<vmem>>) semaphore(%run_scoped3A_25 : memref<!tpu.dma_semaphore, #tpu.memory_space<semaphore_mem>>) {add = true}
        %dma_wait3A_29 = arith.constant 0 : i32
        %dma_wait3A_30 = arith.constant 0 : i32
        %dma_wait3A_31 = tpu.memref_slice %arg17[%dma_wait3A_29, %dma_wait3A_30] : memref<10240x16xf32, #tpu.memory_space<vmem_shared>> -> memref<10240x16xf32, #tpu.memory_space<vmem_shared>>
        tpu.wait_indirect_dma semaphore(%run_scoped3A_25 : memref<!tpu.dma_semaphore, #tpu.memory_space<semaphore_mem>>) src(%arg16 : memref<128x16xf32, #tpu.memory_space<vmem>>) dst(%dma_wait3A_31 : memref<10240x16xf32, #tpu.memory_space<vmem_shared>>)
        tpu.yield
      }) : () -> ()
      %scan3A_24 = arith.constant 0 : i32
      scf.yield %scan3A_24 : i32
    }
    %scan3A_16 = arith.constant 79 : i32
    %barrier3A_17 = arith.constant 0 : index
    tpu.barrier barrier_id(%barrier3A_17)
    "tpu.region"() ({
      %run_scoped3A_18 = tpu.sem_alloc : memref<!tpu.dma_semaphore, #tpu.memory_space<semaphore_mem>>
      %dma_start3A = arith.constant 0 : i32
      %dma_start3A_19 = tpu.memref_slice %arg7[%arg0, %mul3A_2, %dma_start3A] : memref<2x10240x16xf32, #tpu.memory_space<hbm>> -> memref<1x640x16xf32, #tpu.memory_space<hbm>>
      %dma_start3A_20 = tpu.memref_squeeze %dma_start3A_19 : memref<1x640x16xf32, #tpu.memory_space<hbm>> -> memref<640x16xf32, #tpu.memory_space<hbm>>
      %dma_start3A_21 = arith.constant 0 : i32
      %dma_start3A_22 = tpu.memref_slice %arg17[%mul3A_2, %dma_start3A_21] : memref<10240x16xf32, #tpu.memory_space<vmem_shared>> -> memref<640x16xf32, #tpu.memory_space<vmem_shared>>
      tpu.enqueue_dma source(%dma_start3A_22 : memref<640x16xf32, #tpu.memory_space<vmem_shared>>) target(%dma_start3A_20 : memref<640x16xf32, #tpu.memory_space<hbm>>) target_semaphore(%run_scoped3A_18 : memref<!tpu.dma_semaphore, #tpu.memory_space<semaphore_mem>>)
      %dma_wait3A = arith.constant 0 : i32
      %dma_wait3A_23 = tpu.memref_slice %arg7[%arg0, %mul3A_2, %dma_wait3A] : memref<2x10240x16xf32, #tpu.memory_space<hbm>> -> memref<1x640x16xf32, #tpu.memory_space<hbm>>
      %dma_wait3A_24 = tpu.memref_squeeze %dma_wait3A_23 : memref<1x640x16xf32, #tpu.memory_space<hbm>> -> memref<640x16xf32, #tpu.memory_space<hbm>>
      %dma_wait3A_25 = arith.constant 0 : i32
      %dma_wait3A_26 = tpu.memref_slice %arg17[%mul3A_2, %dma_wait3A_25] : memref<10240x16xf32, #tpu.memory_space<vmem_shared>> -> memref<640x16xf32, #tpu.memory_space<vmem_shared>>
      tpu.wait_dma2 semaphore(%run_scoped3A_18 : memref<!tpu.dma_semaphore, #tpu.memory_space<semaphore_mem>>) src(%dma_wait3A_26 : memref<640x16xf32, #tpu.memory_space<vmem_shared>>) dst(%dma_wait3A_24 : memref<640x16xf32, #tpu.memory_space<hbm>>)
      tpu.yield
    }) : () -> ()
    return
  }
}

module attributes {stable_mosaic.version = 14 : i64} {
  func.func @body(%arg0: i32, %arg1: memref<512x128xf32, #tpu.memory_space<vmem>>, %arg2: memref<128x16xf32, #tpu.memory_space<vmem>>, %arg3: memref<512x16xf32, #tpu.memory_space<vmem>>) attributes {dimension_semantics = [#tpu.dimension_semantics<arbitrary>], iteration_bounds = array<i64: 20>, scalar_prefetch = 0 : i64, scratch_operands = 0 : i64, tpu.core_type = #tpu.core_type<tc>, window_params = [{transform_indices = @transform_0, window_bounds = array<i64: 512, 128>}, {pipeline_mode = #tpu.pipeline_mode<synchronous>, transform_indices = @transform_1, window_bounds = array<i64: 128, 16>}, {transform_indices = @transform_2, window_bounds = array<i64: 512, 16>}]} {
    %get3A = arith.constant 0 : index
    %get3A_0 = arith.constant 0 : index
    %get3A_1 = vector.load %arg1[%get3A, %get3A_0] : memref<512x128xf32, #tpu.memory_space<vmem>>, vector<512x128xf32>
    %get3A_2 = arith.constant 0 : index
    %get3A_3 = arith.constant 0 : index
    %get3A_4 = vector.load %arg2[%get3A_2, %get3A_3] : memref<128x16xf32, #tpu.memory_space<vmem>>, vector<128x16xf32>
    %dot_general3A = arith.constant dense<0.000000e+00> : vector<512x16xf32>
    %dot_general3A_5 = tpu.matmul %get3A_1, %get3A_4, %dot_general3A {dimension_numbers = #tpu.dot_dimension_numbers<[1], [0], [0], [1], [0, 0, 1, 1], [], []>, transpose_lhs_hint = false} : vector<512x128xf32>, vector<128x16xf32>, vector<512x16xf32> -> vector<512x16xf32>
    %swap3A = arith.constant 0 : index
    %swap3A_6 = arith.constant 0 : index
    %swap3A_7 = vector.load %arg3[%swap3A, %swap3A_6] : memref<512x16xf32, #tpu.memory_space<vmem>>, vector<512x16xf32>
    tpu.vector_store %arg3[%swap3A, %swap3A_6], %dot_general3A_5 {strides = array<i32>} : memref<512x16xf32, #tpu.memory_space<vmem>>, vector<512x16xf32>,
    return
  }
  func.func @transform_0(%arg0: i32) -> (i32, i32) {
    %c0_i32 = arith.constant 0 : i32
    %c0_i32_0 = arith.constant 0 : i32
    return %arg0, %c0_i32 : i32, i32
  }
  func.func @transform_1(%arg0: i32) -> (i32, i32) {
    %c0_i32 = arith.constant 0 : i32
    %c0_i32_0 = arith.constant 0 : i32
    %c0_i32_1 = arith.constant 0 : i32
    return %c0_i32, %c0_i32_0 : i32, i32
  }
  func.func @transform_2(%arg0: i32) -> (i32, i32) {
    %c0_i32 = arith.constant 0 : i32
    %c0_i32_0 = arith.constant 0 : i32
    return %arg0, %c0_i32 : i32, i32
  }
}

module attributes {stable_mosaic.version = 14 : i64} {
  func.func @body(%arg0: i32, %arg1: memref<512x16xf32, #tpu.memory_space<vmem>>, %arg2: memref<512x16xf32, #tpu.memory_space<vmem>>, %arg3: memref<512x1xf32, #tpu.memory_space<vmem>>, %arg4: memref<512x1xf32, #tpu.memory_space<vmem>>, %arg5: memref<1x16xf32, #tpu.memory_space<vmem>>, %arg6: memref<512x16xf32, #tpu.memory_space<vmem>>) attributes {dimension_semantics = [#tpu.dimension_semantics<arbitrary>], iteration_bounds = array<i64: 20>, scalar_prefetch = 0 : i64, scratch_operands = 0 : i64, tpu.core_type = #tpu.core_type<tc>, window_params = [{transform_indices = @transform_0, window_bounds = array<i64: 512, 16>}, {transform_indices = @transform_1, window_bounds = array<i64: 512, 16>}, {transform_indices = @transform_2, window_bounds = array<i64: 512, 1>}, {transform_indices = @transform_3, window_bounds = array<i64: 512, 1>}, {pipeline_mode = #tpu.pipeline_mode<synchronous>, transform_indices = @transform_4, window_bounds = array<i64: 1, 16>}, {transform_indices = @transform_5, window_bounds = array<i64: 512, 16>}]} {
    %get3A = arith.constant 0 : index
    %get3A_0 = arith.constant 0 : index
    %get3A_1 = vector.load %arg3[%get3A, %get3A_0] : memref<512x1xf32, #tpu.memory_space<vmem>>, vector<512x1xf32>
    %get3A_2 = arith.constant 0 : index
    %get3A_3 = arith.constant 0 : index
    %get3A_4 = vector.load %arg4[%get3A_2, %get3A_3] : memref<512x1xf32, #tpu.memory_space<vmem>>, vector<512x1xf32>
    %add3A = arith.addf %get3A_1, %get3A_4 : vector<512x1xf32>
    %rsqrt3A = math.rsqrt %add3A : vector<512x1xf32>
    %get3A_5 = arith.constant 0 : index
    %get3A_6 = arith.constant 0 : index
    %get3A_7 = vector.load %arg1[%get3A_5, %get3A_6] : memref<512x16xf32, #tpu.memory_space<vmem>>, vector<512x16xf32>
    %get3A_8 = arith.constant 0 : index
    %get3A_9 = arith.constant 0 : index
    %get3A_10 = vector.load %arg2[%get3A_8, %get3A_9] : memref<512x16xf32, #tpu.memory_space<vmem>>, vector<512x16xf32>
    %add3A_11 = arith.addf %get3A_7, %get3A_10 : vector<512x16xf32>
    %mul3A = vector.broadcast %rsqrt3A : vector<512x1xf32> to vector<512x16xf32>
    %mul3A_12 = arith.mulf %mul3A, %add3A_11 : vector<512x16xf32>
    %get3A_13 = arith.constant 0 : index
    %get3A_14 = arith.constant 0 : index
    %get3A_15 = vector.load %arg5[%get3A_13, %get3A_14] : memref<1x16xf32, #tpu.memory_space<vmem>>, vector<1x16xf32>
    %add3A_16 = vector.broadcast %get3A_15 : vector<1x16xf32> to vector<512x16xf32>
    %add3A_17 = arith.addf %mul3A_12, %add3A_16 : vector<512x16xf32>
    %reduce_max3A = arith.constant dense<0xFF800000> : vector<512xf32>
    %reduce_max3A_18 = vector.multi_reduction <maximumf>, %add3A_17, %reduce_max3A [1] : vector<512x16xf32> to vector<512xf32>
    %broadcast_in_dim3A = vector.shape_cast %reduce_max3A_18 : vector<512xf32> to vector<512x1xf32>
    %sub3A = vector.broadcast %broadcast_in_dim3A : vector<512x1xf32> to vector<512x16xf32>
    %sub3A_19 = arith.subf %add3A_17, %sub3A : vector<512x16xf32>
    %exp3A = math.exp %sub3A_19 : vector<512x16xf32>
    %sub3A_20 = vector.broadcast %broadcast_in_dim3A : vector<512x1xf32> to vector<512x16xf32>
    %sub3A_21 = arith.subf %add3A_17, %sub3A_20 : vector<512x16xf32>
    %reduce_sum3A = arith.constant dense<0.000000e+00> : vector<512xf32>
    %reduce_sum3A_22 = vector.multi_reduction <add>, %exp3A, %reduce_sum3A [1] : vector<512x16xf32> to vector<512xf32>
    %broadcast_in_dim3A_23 = vector.shape_cast %reduce_sum3A_22 : vector<512xf32> to vector<512x1xf32>
    %log3A = math.log %broadcast_in_dim3A_23 : vector<512x1xf32>
    %sub3A_24 = vector.broadcast %log3A : vector<512x1xf32> to vector<512x16xf32>
    %sub3A_25 = arith.subf %sub3A_21, %sub3A_24 : vector<512x16xf32>
    %swap3A = arith.constant 0 : index
    %swap3A_26 = arith.constant 0 : index
    %swap3A_27 = vector.load %arg6[%swap3A, %swap3A_26] : memref<512x16xf32, #tpu.memory_space<vmem>>, vector<512x16xf32>
    tpu.vector_store %arg6[%swap3A, %swap3A_26], %sub3A_25 {strides = array<i32>} : memref<512x16xf32, #tpu.memory_space<vmem>>, vector<512x16xf32>,
    return
  }
  func.func @transform_0(%arg0: i32) -> (i32, i32) {
    %c0_i32 = arith.constant 0 : i32
    %c0_i32_0 = arith.constant 0 : i32
    return %arg0, %c0_i32 : i32, i32
  }
  func.func @transform_1(%arg0: i32) -> (i32, i32) {
    %c0_i32 = arith.constant 0 : i32
    %c0_i32_0 = arith.constant 0 : i32
    return %arg0, %c0_i32 : i32, i32
  }
  func.func @transform_2(%arg0: i32) -> (i32, i32) {
    %c0_i32 = arith.constant 0 : i32
    %c0_i32_0 = arith.constant 0 : i32
    return %arg0, %c0_i32 : i32, i32
  }
  func.func @transform_3(%arg0: i32) -> (i32, i32) {
    %c0_i32 = arith.constant 0 : i32
    %c0_i32_0 = arith.constant 0 : i32
    return %arg0, %c0_i32 : i32, i32
  }
  func.func @transform_4(%arg0: i32) -> (i32, i32) {
    %c0_i32 = arith.constant 0 : i32
    %c0_i32_0 = arith.constant 0 : i32
    %c0_i32_1 = arith.constant 0 : i32
    return %c0_i32, %c0_i32_0 : i32, i32
  }
  func.func @transform_5(%arg0: i32) -> (i32, i32) {
    %c0_i32 = arith.constant 0 : i32
    %c0_i32_0 = arith.constant 0 : i32
    return %arg0, %c0_i32 : i32, i32
  }
}

</mosaic_0001>

<sc_bundles>
// kernel: kernel.10.cloned.1.call-start
scs
__scs_entry_jumppad:
0x0: {  	(pc) =	sbr.rel $0x88, $3  }
0x1: {  	(tag) =	ssettag $0x0;
	lr =	simm.s32 $0x1  }
0x2: {  	[smem:$0x3F9D] =	sst lr;
	_ =	strace $0xD0000000  }
0x3: {  	_ = 	snop  }
0x4: {  	_ = 	snop  }
0x5: {  	_ = 	snop  }
0x6: {  	_ = 	snop  }
0x7: {  	_ = 	snop  }
__scs_overlays_trampoline_lowered:
0x8: {  	[smem:$0x3FAC] =	sst s0  }
0x9: {  	[smem:$0x3FAD] =	sst s1  }
0xa: {  	[smem:$0x3FAE] =	sst s2  }
0xb: {  	[smem:$0x3FAF] =	sst s3  }
0xc: {  	[smem:$0x3FB0] =	sst s4  }
0xd: {  	[smem:$0x3FB1] =	sst s5  }
0xe: {  	[smem:$0x3FB2] =	sst s6  }
0xf: {  	[smem:$0x3FB3] =	sst s7  }
0x10: {  	[smem:$0x3FB4] =	sst s8  }
0x11: {  	[smem:$0x3FB5] =	sst s9;
	s0 =	simm.s32 @!p0 $0x0  }
0x12: {  	s1 =	sld [smem:$0x3F9B];
	s0 =	simm.s32 @p0 $0x1  }
0x13: {  	[smem:$0x3FB6] =	sst s0;
	s0 =	simm.s32 @!p1 $0x0  }
0x14: {  	s2 =	sld [smem:$0x3F9A];
	s0 =	simm.s32 @p1 $0x1  }
0x15: {  	[smem:$0x3FB7] =	sst s0;
	s0 =	simm.s32 @!p2 $0x0  }
0x16: {  	s3 =	sld [smem:$0x3FDB];
	s0 =	simm.s32 @p2 $0x1  }
0x17: {  	s4 =	simm.s32 $0x1BF5;
	[smem:$0x3FB9] =	sst s0  }
0x18: {  	s0 =	sld [smem:$0x3F9C];
	_ =	swait.ge [sflag:s4], $0x0  }
0x19: {  	s7 =	sld [smem:$0x3F9D]  }
0x1a: {  	s8 =	sadd.s32 $0xFFFFE003, lr  }
0x1b: {  	s9 =	sadd.s32 $0xFFFFFEF7, lr;
	s5 =	simm.s32 $0xFFFFFFFF;
	p2 =	slt.u32 s8, $0xFFFFF086  }
0x1c: {  	p1 =	slt.u32 s9, $0xF7A;
	s5 =	simm.s32 @!p2 $0x0  }
0x1d: {  	s5 =	simm.s32 @p1 $0x1;
	p0 =	seq.s32 s7, s2  }
0x1e: {  	s7 =	smul.u32 @!p0 $0xF7A, s2;
	p2 =	seq.s32 @!p0 s5, $0x0  }
0x1f: {  	s9 =	smul.u32 $0xF7A, s1;
	s8 =	simm.s32 @!p0 $0x1BF5;
	p2 =	por !p2, p0  }
0x20: {  	[sflag:s8] =	ssyncset.s32 @!p0 $0xFFFFF086;
	s6 =	sadd.s32 @!p0 s3, s7;
	s7 =	simm.s32 @!p0 $0x108  }
0x21: {  	s3 =	sadd.s32 s3, s9;
	s6 =	sadd.s32 @!p0 $0x88, s6;
	s7 =	simm.s32 @p2 $0x1082  }
0x22: {  	[simem:s7], [sflag:s8] =	dma.local @!p0 [hbm:s6], $0xF7A  }
0x23: {  	s9 =	sor.u32 $0xD0000000, s2;
	s6 =	simm.s32 $0x108;
	_ =	swait.ge @!p0 [sflag:s8], $0x0  }
0x24: {  	s3 =	sadd.s32 $0x88, s3;
	s6 =	simm.s32 @!p1 $0x1082;
	[sflag:s4] =	ssyncset.s32 $0xFFFFF086  }
0x25: {  	[simem:s6], [sflag:s4] =	dma.local [hbm:s3], $0xF7A  }
0x26: {  	[smem:$0x3F9D] =	sst s1;
	(tag) =	ssettag s2;
	_ =	strace s9  }
0x27: {  	s1 =	sld [smem:$0x3FAD]  }
0x28: {  	s2 =	sld [smem:$0x3FAE]  }
0x29: {  	s4 =	sld [smem:$0x3FB0]  }
0x2a: {  	p0 =	seq.s32 s5, $0x0;
	s5 =	sld [smem:$0x3FB1]  }
0x2b: {  	s6 =	sld [smem:$0x3FB2]  }
0x2c: {  	s7 =	sld [smem:$0x3FB3]  }
0x2d: {  	s3 =	simm.s32 $0x108;
	s8 =	sld [smem:$0x3FB4]  }
0x2e: {  	s3 =	simm.s32 @!p0 $0x1082;
	s9 =	sld [smem:$0x3FB5]  }
0x2f: {  	lr =	sadd.s32 s0, s3;
	s0 =	sld [smem:$0x3FAC]  }
0x30: {  	s3 =	sld [smem:$0x3FAF]  }
0x31: {  	[smem:$0x3FB8] =	sst s10  }
0x32: {  	s10 =	sld [smem:$0x3FB6];
	_ =	sdelay $0x3  }
0x33: {  	p0 =	seq.s32 s10, $0x1;
	s10 =	sld [smem:$0x3FB8];
	_ =	sdelay $0x3  }
0x34: {  	[smem:$0x3FB8] =	sst s10  }
0x35: {  	s10 =	sld [smem:$0x3FB7];
	_ =	sdelay $0x3  }
0x36: {  	p1 =	seq.s32 s10, $0x1;
	s10 =	sld [smem:$0x3FB8];
	_ =	sdelay $0x3  }
0x37: {  	[smem:$0x3FB8] =	sst s10  }
0x38: {  	s10 =	sld [smem:$0x3FB9]  }
0x39: {  	_ = 	snop;
	(pc) =	sbr.ind lr, $3  }
0x3a: {  	_ = 	snop  }
0x3b: {  	_ = 	snop  }
0x3c: {  	p2 =	seq.s32 s10, $0x1;
	s10 =	sld [smem:$0x3FB8]  }
0x3d: {  	_ =	shalt  }
0x3e: {  	_ =	shalt  }
0x3f: {  	_ =	shalt  }
0x40: {  	_ =	shalt  }
0x41: {  	_ =	shalt  }
0x42: {  	_ =	shalt  }
0x43: {  	_ =	shalt  }
0x44: {  	_ =	shalt  }
0x45: {  	_ =	shalt  }
0x46: {  	_ =	shalt  }
0x47: {  	_ =	shalt  }
0x48: {  	_ =	shalt  }
0x49: {  	_ =	shalt  }
0x4a: {  	_ =	shalt  }
0x4b: {  	_ =	shalt  }
0x4c: {  	_ =	shalt  }
0x4d: {  	_ =	shalt  }
0x4e: {  	_ =	shalt  }
0x4f: {  	_ =	shalt  }
0x50: {  	_ =	shalt  }
0x51: {  	_ =	shalt  }
0x52: {  	_ =	shalt  }
0x53: {  	_ =	shalt  }
0x54: {  	_ =	shalt  }
0x55: {  	_ =	shalt  }
0x56: {  	_ =	shalt  }
0x57: {  	_ =	shalt  }
0x58: {  	_ =	shalt  }
0x59: {  	_ =	shalt  }
0x5a: {  	_ =	shalt  }
0x5b: {  	_ =	shalt  }
0x5c: {  	_ =	shalt  }
0x5d: {  	_ =	shalt  }
0x5e: {  	_ =	shalt  }
0x5f: {  	_ =	shalt  }
0x60: {  	_ =	shalt  }
0x61: {  	_ =	shalt  }
0x62: {  	_ =	shalt  }
0x63: {  	_ =	shalt  }
0x64: {  	_ =	shalt  }
0x65: {  	_ =	shalt  }
0x66: {  	_ =	shalt  }
0x67: {  	_ =	shalt  }
0x68: {  	_ =	shalt  }
0x69: {  	_ =	shalt  }
0x6a: {  	_ =	shalt  }
0x6b: {  	_ =	shalt  }
0x6c: {  	_ =	shalt  }
0x6d: {  	_ =	shalt  }
0x6e: {  	_ =	shalt  }
0x6f: {  	_ =	shalt  }
0x70: {  	_ =	shalt  }
0x71: {  	_ =	shalt  }
0x72: {  	_ =	shalt  }
0x73: {  	_ =	shalt  }
0x74: {  	_ =	shalt  }
0x75: {  	_ =	shalt  }
0x76: {  	_ =	shalt  }
0x77: {  	_ =	shalt  }
0x78: {  	_ =	shalt  }
0x79: {  	_ =	shalt  }
0x7a: {  	_ =	shalt  }
0x7b: {  	_ =	shalt  }
0x7c: {  	_ =	shalt  }
0x7d: {  	_ =	shalt  }
0x7e: {  	_ =	shalt  }
0x7f: {  	_ =	shalt  }
0x80: {  	_ =	shalt  }
0x81: {  	_ =	shalt  }
0x82: {  	_ =	shalt  }
0x83: {  	_ =	shalt  }
0x84: {  	_ =	shalt  }
0x85: {  	_ =	shalt  }
0x86: {  	_ =	shalt  }
0x87: {  	_ =	shalt  }
.Lfunc_end0:
.L_simem_size_0:
called_computation.1_lowered:
.L_overlay_start_0:
0x88: {  	s2 =	sld [smem:$0x3FD9]  }
0x89: {  	s3 =	sld [smem:$0x3FFE];
	_ =	sdelay $0x1  }
0x8a: {  	s1 =	srdreg.scid  }
0x8b: {  	s0 =	sand.u32 $0x1, s1  }
0x8c: {  	s17 =	sshll.u32 s0, $0xA;
	s2 =	sadd.s32 s3, s2  }
0x8d: {  	s2 =	sadd.s32 s2, s17  }
0x8e: {  	[smem:$0x3FC4] =	sst s2  }
0x8f: {  	_ = 	snop  }
0x90: {  	s2 =	sld [smem:$0x3FD0];
	(tm) =	ssettm $0x1  }
0x91: {  	s18 =	sld [smem:$0x3FFB];
	_ =	sdelay $0x3  }
0x92: {  	_ =	strace s18  }
0x93: {  	s3 =	sld [smem:$0x3FFC];
	_ =	sdelay $0x3  }
0x94: {  	_ =	strace s3  }
0x95: {  	s3 =	sld [smem:$0x3FFD];
	_ =	sdelay $0x3  }
0x96: {  	_ =	strace s3  }
0x97: {  	_ =	strace $0x8FFFFFFF  }
0x98: {  	s19 =	sld [smem:$0x3FDB];
	_ =	sdelay $0x1  }
0x99: {  	s4 =	simm.s32 $_scs_section_size  }
0x9a: {  	s5 =	simm.s32 $_size__tile_overlayer_lowered;
	s6 =	simm.s32 $_tile_overlayer_lowered  }
0x9b: {  	s22 =	simm.s32 $0x1BFF;
	s21 =	sshll.u32 s6, $0x1;
	s3 =	sadd.s32 s4, s19  }
0x9c: {  	s7 =	simm.s32 $0x0;
	s20 =	sshll.u32 s5, $0x1;
	s5 =	sadd.s32 s21, s3  }
0x9d: {  	[timem:s7], [sflag:s22] =	dma.local [hbm:s5], s20  }
0x9e: {  	_ =	swait.ge [sflag:s22], s20  }
0x9f: {  	s4 =	ssub.s32 $0x0, s20;
	[sflag:s22] =	ssyncset.done $0x0  }
0xa0: {  	[sflag:s22] =	ssyncadd.s32 s4;
	_ =	sdelay $0x1  }
0xa1: {  	s23 =	simm.s32 $0x1B8B  }
0xa2: {  	_ =	swait.ge [sflag:s23], $0x1  }
0xa3: {  	[sflag:s23] =	ssyncset.done $0x0  }
0xa4: {  	s25 =	simm.s32 $0x1B8E;
	s24 =	sld [smem:$0x3FFE];
	[sflag:s23] =	ssyncadd.s32 $0xFFFFFFFF  }
0xa5: {  	s26 =	simm.s32 $execute0_lowered;
	[smem:$0x3FD2] =	sst s25  }
0xa6: {  	s5 =	sshll.u32 s26, $0x1;
	_ =	strace $0x80000049;
	[dreg:$0x1] =	wrdreg $0xFFFFFFFF  }
0xa7: {  	s28 =	simm.s32 $_size_execute0_lowered;
	s3 =	sadd.s32 s3, s5;
	[dreg:$0x0] =	wrdreg $0x0  }
0xa8: {  	s5 =	sshll.u32 s28, $0x1;
	[dreg:$0x2] =	wrdreg s3  }
0xa9: {  	[dreg:$0x3] =	wrdreg s5  }
0xaa: {  	[dreg:$0x4] =	wrdreg $0xC0  }
0xab: {  	_ =	task [dreg:s7], $0x5FFFF  }
0xac: {  	[dreg:$0x1] =	wrdreg $0xFFFFFFFF  }
0xad: {  	[dreg:$0x0] =	wrdreg $0x60  }
0xae: {  	[dreg:$0x2] =	wrdreg s24  }
0xaf: {  	[dreg:$0x3] =	wrdreg s2  }
0xb0: {  	[dreg:$0x4] =	wrdreg $0x86000  }
0xb1: {  	[dreg:$0x5] =	wrdreg $0x9  }
0xb2: {  	_ =	task.clear_ibuf [dreg:s7], $0x6FFFF;
	_ =	strace $0x90000049  }
0xb3: {  	s29 =	simm.s32 $0x9;
	_ =	strace $0x8000004B  }
0xb4: {  	_ =	swait.ge [sflag:s29], $0x1  }
0xb5: {  	[sflag:s29] =	ssyncadd.s32 $0xFFFFFFFF  }
0xb6: {  	_ =	strace $0x9000004B  }
0xb7: {  	_ =	sfence  }
0xb8: {  	s30 =	sld [smem:$0x0];
	_ =	sdelay $0x2  }
0xb9: {  	s31 =	sshll.u32 s1, $0xD;
	s1 =	sshrl.u32 s1, $0x2  }
0xba: {  	s3 =	sand.u32 $0x4000, s31;
	s1 =	sadd.s32 s1, s30  }
0xbb: {  	s0 =	sor.u32 s3, s0;
	s1 =	sshll.u32 s1, $0x11  }
0xbc: {  	s0 =	sor.u32 s1, s0  }
0xbd: {  	s0 =	sadd.s32 $0x8F2B, s0  }
0xbe: {  	[sflag:s0] =	ssyncadd.remote.s32 $0x1  }
0xbf: {  	_ =	sfence.sel $0xFFFF  }
0xc0: {  	[dreg:$0x0] =	wrdreg $0xFFFFFFFF;
	(pc) =	sbr.abs _section_cstart, $3  }
0xc1: {  	[dreg:$0x1] =	wrdreg $0xFFFFFFFF  }
0xc2: {  	_ =	task.clear_ibuf [dreg:s7], $0x2FFFF;
	_ =	strace $0x9FFFFFFF  }
0xc3: {  	(tm) =	ssettm $0x7FFFFFFF  }
tec
execute0_lowered:
.L_overlay_start_1:
0x0: {  	(tag) =	ssettag $0x1  }
0x1: {  	s5 =	rddreg [dreg:$0x0]  }
0x2: {  	s6 =	rddreg [dreg:$0x1];
	s0 =	srdreg.scid  }
0x3: {  	s2 =	rddreg [dreg:$0x2];
	s1 =	stileid.u32  }
0x4: {  	s3 =	simm.s32 $0x0;
	s15 =	simm.s32 $0x500;
	s16 =	simm.s32 $0x2D00  }
0x5: {  	s17 =	simm.s32 $0x5500;
	s18 =	simm.s32 $0x7D00;
	s19 =	simm.s32 $0x80  }
0x6: {  	s20 =	simm.s32 $0x7E00;
	s21 =	simm.s32 $0x1;
	s8 =	smul.u32 $0x2780, s1  }
0x7: {  	s22 =	simm.s32 $0x7D80;
	s23 =	simm.s32 $0x0;
	s9 =	smul.u32 $0x2800, s1  }
0x8: {  	s7 =	sand.u32 $0x1, s0;
	[smem:$0x7FF] =	sst s3;
	s12 =	smul.u32 $0x280, s1  }
0x9: {  	s0 =	rddreg [dreg:$0x3];
	s4 =	smul.u32 $0x27800, s7;
	_ =	strace $0x8000004A  }
0xa: {  	s10 =	smul.u32 $0x28000, s7;
	s7 =	ssub.s32 $0x2, s7;
	s31 =	sshrl.u32 s9, $0x3  }
0xb: {  	s14 =	sshrl.u32 s7, $0x1;
	s12 =	sshrl.u32 s12, $0x3;
	s4 =	sadd.s32 s8, s4  }
0xc: {  	s11 =	sadd.s32 s31, s5;
	s10 =	sadd.s32 s9, s10;
	s14 =	ssub.s32 s7, s14  }
0xd: {  	s9 =	sadd.s32 s9, s2;
	s4 =	sshrl.u32 s4, $0x3;
	s10 =	sshrl.u32 s10, $0x3  }
0xe: {  	s7 =	sadd.s32 $0x15A00, s11;
	s11 =	smax.u32 s14, $0x1;
	s13 =	sadd.s32 s4, s5  }
0xf: {  	s4 =	sadd.s32 $0x1AA00, s5;
	s10 =	sadd.s32 s10, s5;
	s5 =	sadd.s32 s6, s12  }
0x10: {  	s14 =	simm.s32 $0x2;
	s6 =	sadd.s32 $0x500, s5;
	s8 =	sadd.s32 s4, s31  }
0x11: {  	s10 =	sadd.s32 $0x1FA00, s10;
	s12 =	sadd.s32 $0x1E00, s13;
	s13 =	sadd.s32 $0xBC00, s13  }
.LBB2_1:
0x12: {  	[tilespmem:s3], [sflag:$0x2] =	stream.linear.gather [hbm4b:s5+s3], $0x280, $0x38;
	[tilespmem:$0xAE00] =	vst v63  }
0x13: {  	_ =	swait.ge [sflag:s14], $0x280  }
0x14: {  	[sflag:s14] =	ssyncset.done $0x0  }
0x15: {  	s24 =	simm.s32 $0x280;
	[sflag:s14] =	ssyncadd.s32 $0xFFFFFD80  }
0x16: {  	[tilespmem:s24], [sflag:$0x2] =	stream.linear.gather [hbm4b:s6+s3], $0x280, $0x38;
	[tilespmem:$0xAE00] =	vst v63  }
0x17: {  	_ =	swait.ge [sflag:s14], $0x280  }
0x18: {  	[sflag:s14] =	ssyncset.done $0x0  }
0x19: {  	[sflag:s14] =	ssyncadd.s32 $0xFFFFFD80  }
0x1a: {  	[tilespmem:s15], [sflag:$0x2] =	stream.linear.gather [hbm4b:s7+s3], $0x2800, $0x38;
	[tilespmem:$0xAE00] =	vst v63  }
0x1b: {  	_ =	swait.ge [sflag:s14], $0x2800  }
0x1c: {  	[sflag:s14] =	ssyncset.done $0x0  }
0x1d: {  	[sflag:s14] =	ssyncadd.s32 $0xFFFFD800  }
0x1e: {  	v0 =	vld [tilespmem:s24+$0x0]  }
0x1f: {  	v1 =	vld [tilespmem:s3+$0x0];
	_ =	sdelay $0x4  }
0x20: {  	v0 =	vadd.f32 v0, v1;
	_ =	sdelay $0x1  }
0x21: {  	v1 =	vshrl.u32 v0, $0x1;
	v2 =	vmul.f32 $5.000000000e-01, v0  }
0x22: {  	v0 =	vsub.s32 $0x5F3759DF, v1  }
0x23: {  	v1 =	vmul.f32 v0, v2;
	_ =	sdelay $0x1  }
0x24: {  	v1 =	vmul.f32 v0, v1;
	_ =	sdelay $0x1  }
0x25: {  	v1 =	vsub.f32 $1.500000000e+00, v1;
	_ =	sdelay $0x1  }
0x26: {  	v0 =	vmul.f32 v0, v1;
	_ =	sdelay $0x1  }
0x27: {  	v1 =	vmul.f32 v0, v2;
	_ =	sdelay $0x1  }
0x28: {  	v1 =	vmul.f32 v1, v0;
	_ =	sdelay $0x1  }
0x29: {  	v1 =	vsub.f32 $1.500000000e+00, v1;
	_ =	sdelay $0x1  }
0x2a: {  	v0 =	vmul.f32 v1, v0;
	_ =	sdelay $0x1  }
0x2b: {  	s25 =	simm.s32 $0x400;
	s28 =	simm.s32 $0x0;
	s26 =	simm.s32 $0x0;
	v1 =	vmul.f32 v0, v2  }
.LBB2_2:
0x2c: {  	_ = 	snop  }
0x2d: {  	p0 =	sne.s32 s25, $0x9C00;
	s24 =	sadd.s32 $0x10, s24;
	s28 =	sadd.s32 $0x10, s28;
	v1 =	vmul.f32 v1, v0  }
0x2e: {  	s30 =	smov.u32 s25;
	s25 =	sadd.s32 $0x400, s25  }
0x2f: {  	s29 =	sshra.s32 s26, $0x2;
	s26 =	smov.u32 s30;
	v1 =	vsub.f32 $1.500000000e+00, v1  }
0x30: {  	v2 =	vld [tilespmem:s29+$0x520]  }
0x31: {  	v0 =	vmul.f32 v1, v0;
	v1 =	vld [tilespmem:s29+$0x510];
	_ =	sdelay $0x1  }
0x32: {  	v3 =	vbroadcast v0, $0x2;
	v4 =	vld [tilespmem:s29+$0x570];
	v5 =	vbroadcast v0, $0x8  }
0x33: {  	v6 =	vbroadcast v0, $0x1;
	v7 =	vbroadcast v0, $0x3;
	v8 =	vld [tilespmem:s29+$0x550]  }
0x34: {  	v2 =	vmul.f32 v3, v2;
	v3 =	vbroadcast v0, $0x4;
	v9 =	vld [tilespmem:s29+$0x560]  }
0x35: {  	v1 =	vmul.f32 v6, v1;
	v6 =	vbroadcast v0, $0x5;
	v10 =	vld [tilespmem:s29+$0x580]  }
0x36: {  	v11 =	vbroadcast v0, $0x7;
	[tilespmem:s29+$0x2D20] =	vst v2;
	v2 =	vmul.f32 $5.000000000e-01, v2;
	v12 =	vld [tilespmem:s29+$0x590]  }
0x37: {  	v13 =	vbroadcast v0, $0x6;
	[tilespmem:s29+$0x2D10] =	vst v1;
	v1 =	vmul.f32 $5.000000000e-01, v1;
	v14 =	vld [tilespmem:s29+$0x5A0]  }
0x38: {  	v4 =	vmul.f32 v4, v11;
	[tilespmem:s29+$0x5520] =	vst v2;
	v2 =	vmul.f32 v6, v8  }
0x39: {  	v8 =	vbroadcast v0, $0x9;
	[tilespmem:s29+$0x5510] =	vst v1;
	v1 =	vld [tilespmem:s29+$0x540];
	v6 =	vmul.f32 v9, v13  }
0x3a: {  	v9 =	vld [tilespmem:s29+$0x530];
	[tilespmem:s29+$0x2D50] =	vst v2;
	v5 =	vmul.f32 v10, v5;
	v10 =	vbroadcast v0, $0xA  }
0x3b: {  	v2 =	vmul.f32 $5.000000000e-01, v2;
	[tilespmem:s29+$0x2D70] =	vst v4;
	v8 =	vmul.f32 v12, v8  }
0x3c: {  	[tilespmem:s29+$0x2D60] =	vst v6;
	v11 =	vmul.f32 $5.000000000e-01, v5;
	v10 =	vmul.f32 v14, v10  }
0x3d: {  	v6 =	vmul.f32 $5.000000000e-01, v6;
	v12 =	vld [tilespmem:s29+$0x500];
	[tilespmem:s29+$0x2D80] =	vst v5;
	v5 =	vmul.f32 $5.000000000e-01, v8  }
0x3e: {  	v4 =	vmul.f32 $5.000000000e-01, v4;
	[tilespmem:s29+$0x5580] =	vst v11;
	v11 =	vmul.f32 $5.000000000e-01, v10;
	v13 =	vld [tilespmem:s29+$0x5B0]  }
0x3f: {  	v1 =	vmul.f32 v3, v1;
	v7 =	vmul.f32 v7, v9;
	[tilespmem:s29+$0x5590] =	vst v5;
	v3 =	vld [tilespmem:s29+$0x5C0]  }
0x40: {  	v5 =	vbroadcast v0, $0x0;
	v9 =	vbroadcast v0, $0xB;
	[tilespmem:s29+$0x55A0] =	vst v11;
	v11 =	vld [tilespmem:s29+$0x5D0]  }
0x41: {  	v15 =	vmul.f32 $5.000000000e-01, v1;
	v14 =	vmul.f32 $5.000000000e-01, v7;
	[tilespmem:s29+$0x2DA0] =	vst v10;
	v10 =	vld [tilespmem:s29+$0x5E0]  }
0x42: {  	v5 =	vmul.f32 v5, v12;
	[tilespmem:s29+$0x5550] =	vst v2;
	v2 =	vbroadcast v0, $0xC  }
0x43: {  	[tilespmem:s29+$0x5560] =	vst v6;
	v6 =	vmul.f32 v13, v9;
	v9 =	vbroadcast v0, $0xD;
	v12 =	vld [tilespmem:s29+$0x5F0]  }
0x44: {  	[tilespmem:s29+$0x2D90] =	vst v8;
	v2 =	vmul.f32 v3, v2;
	v3 =	vbroadcast v0, $0xE  }
0x45: {  	v8 =	vmul.f32 $5.000000000e-01, v5;
	[tilespmem:s29+$0x5570] =	vst v4;
	v4 =	vmul.f32 v11, v9  }
0x46: {  	v0 =	vbroadcast v0, $0xF;
	[tilespmem:s29+$0x5540] =	vst v15;
	v3 =	vmul.f32 v10, v3  }
0x47: {  	v9 =	vmul.f32 $5.000000000e-01, v2;
	[tilespmem:s29+$0x5530] =	vst v14;
	v10 =	vmul.f32 $5.000000000e-01, v4  }
0x48: {  	[tilespmem:s29+$0x2D40] =	vst v1;
	v1 =	vmul.f32 $5.000000000e-01, v3;
	v0 =	vmul.f32 v12, v0  }
0x49: {  	v11 =	vmul.f32 $5.000000000e-01, v6;
	[tilespmem:s29+$0x55C0] =	vst v9  }
0x4a: {  	[tilespmem:s29+$0x2D00] =	vst v5;
	v5 =	vmul.f32 $5.000000000e-01, v0  }
0x4b: {  	[tilespmem:s29+$0x2DC0] =	vst v2  }
0x4c: {  	[tilespmem:s29+$0x55D0] =	vst v10  }
0x4d: {  	[tilespmem:s29+$0x2DD0] =	vst v4  }
0x4e: {  	[tilespmem:s29+$0x2DB0] =	vst v6  }
0x4f: {  	[tilespmem:s29+$0x55F0] =	vst v5  }
0x50: {  	[tilespmem:s29+$0x2DE0] =	vst v3  }
0x51: {  	[tilespmem:s29+$0x5500] =	vst v8  }
0x52: {  	[tilespmem:s29+$0x2D30] =	vst v7  }
0x53: {  	[tilespmem:s29+$0x55E0] =	vst v1  }
0x54: {  	[tilespmem:s29+$0x55B0] =	vst v11  }
0x55: {  	[tilespmem:s29+$0x2DF0] =	vst v0  }
0x56: {  	v0 =	vld [tilespmem:s24+$0x0]  }
0x57: {  	v1 =	vld [tilespmem:s28+$0x0];
	_ =	sdelay $0x4  }
0x58: {  	v0 =	vadd.f32 v0, v1;
	_ =	sdelay $0x1  }
0x59: {  	v1 =	vshrl.u32 v0, $0x1;
	v2 =	vmul.f32 $5.000000000e-01, v0  }
0x5a: {  	v0 =	vsub.s32 $0x5F3759DF, v1  }
0x5b: {  	v1 =	vmul.f32 v0, v2;
	_ =	sdelay $0x1  }
0x5c: {  	v1 =	vmul.f32 v0, v1;
	_ =	sdelay $0x1  }
0x5d: {  	v1 =	vsub.f32 $1.500000000e+00, v1;
	_ =	sdelay $0x1  }
0x5e: {  	v0 =	vmul.f32 v0, v1;
	_ =	sdelay $0x1  }
0x5f: {  	v1 =	vmul.f32 v0, v2;
	_ =	sdelay $0x1  }
0x60: {  	v1 =	vmul.f32 v1, v0;
	_ =	sdelay $0x1  }
.Ltmp0:
0x61: {  	v1 =	vsub.f32 $1.500000000e+00, v1;
	(pc) =	sbr.rel @p0 .LBB2_2-.Ltmp0, $3  }
0x62: {  	_ = 	snop  }
0x63: {  	v0 =	vmul.f32 v1, v0;
	_ =	sdelay $0x1  }
0x64: {  	v1 =	vmul.f32 v0, v2  }
0x65: {  	_ = 	snop  }
0x66: {  	v1 =	vmul.f32 v1, v0;
	_ =	sdelay $0x1  }
0x67: {  	s24 =	sshra.s32 s26, $0x2;
	v1 =	vsub.f32 $1.500000000e+00, v1  }
0x68: {  	v2 =	vld [tilespmem:s24+$0x520]  }
0x69: {  	v33 =	vld [tilespmem:s24+$0x510];
	v32 =	vmul.f32 v1, v0  }
0x6a: {  	v6 =	vld [tilespmem:s24+$0x550]  }
0x6b: {  	v4 =	vld [tilespmem:s24+$0x570];
	v3 =	vbroadcast v32, $0x2  }
0x6c: {  	v34 =	vld [tilespmem:s24+$0x560];
	v5 =	vbroadcast v32, $0x1  }
0x6d: {  	v8 =	vld [tilespmem:s24+$0x580];
	v35 =	vbroadcast v32, $0x5;
	v2 =	vmul.f32 v3, v2  }
0x6e: {  	v12 =	vld [tilespmem:s24+$0x5A0];
	v9 =	vbroadcast v32, $0x7;
	v1 =	vmul.f32 v5, v33  }
0x6f: {  	v10 =	vld [tilespmem:s24+$0x590];
	v11 =	vbroadcast v32, $0x6;
	v36 =	vmul.f32 v35, v6;
	[tilespmem:s24+$0x2D20] =	vst v2  }
0x70: {  	v41 =	vld [tilespmem:s24+$0x540];
	v7 =	vbroadcast v32, $0x8;
	v4 =	vmul.f32 v4, v9;
	[tilespmem:s24+$0x2D10] =	vst v1  }
0x71: {  	v46 =	vld [tilespmem:s24+$0x5C0];
	v40 =	vbroadcast v32, $0xA;
	v37 =	vmul.f32 v34, v11;
	[tilespmem:s24+$0x2D50] =	vst v36  }
0x72: {  	v50 =	vld [tilespmem:s24+$0x5D0];
	v38 =	vbroadcast v32, $0x9;
	v39 =	vmul.f32 v8, v7;
	[tilespmem:s24+$0x2D70] =	vst v4  }
0x73: {  	v60 =	vld [tilespmem:s24+$0x5E0];
	v45 =	vbroadcast v32, $0x4;
	v6 =	vmul.f32 v12, v40;
	[tilespmem:s24+$0x2D60] =	vst v37  }
0x74: {  	v43 =	vld [tilespmem:s24+$0x530];
	v51 =	vbroadcast v32, $0xC;
	v3 =	vmul.f32 v10, v38;
	[tilespmem:s24+$0x2D80] =	vst v39  }
0x75: {  	v55 =	vbroadcast v32, $0xD;
	v5 =	vmul.f32 v45, v41;
	[tilespmem:s24+$0x2DA0] =	vst v6  }
0x76: {  	v0 =	vbroadcast v32, $0xE;
	v8 =	vmul.f32 v46, v51;
	[tilespmem:s24+$0x2D90] =	vst v3  }
0x77: {  	v47 =	vbroadcast v32, $0x3;
	v59 =	vmul.f32 v50, v55;
	[tilespmem:s24+$0x2D40] =	vst v5  }
0x78: {  	v0 =	vmul.f32 v60, v0;
	[tilespmem:s24+$0x2DC0] =	vst v8  }
0x79: {  	v49 =	vmul.f32 v47, v43;
	[tilespmem:s24+$0x2DD0] =	vst v59  }
0x7a: {  	v2 =	vmul.f32 $5.000000000e-01, v2;
	[tilespmem:s24+$0x2DE0] =	vst v0  }
0x7b: {  	v1 =	vmul.f32 $5.000000000e-01, v1;
	[tilespmem:s24+$0x2D30] =	vst v49  }
0x7c: {  	v7 =	vmul.f32 $5.000000000e-01, v39;
	[tilespmem:s24+$0x5520] =	vst v2  }
0x7d: {  	v42 =	vmul.f32 $5.000000000e-01, v3;
	[tilespmem:s24+$0x5510] =	vst v1  }
0x7e: {  	v44 =	vmul.f32 $5.000000000e-01, v6;
	[tilespmem:s24+$0x5580] =	vst v7  }
0x7f: {  	v4 =	vmul.f32 $5.000000000e-01, v4;
	[tilespmem:s24+$0x5590] =	vst v42  }
0x80: {  	v52 =	vmul.f32 $5.000000000e-01, v5;
	[tilespmem:s24+$0x55A0] =	vst v44  }
0x81: {  	v53 =	vmul.f32 $5.000000000e-01, v49;
	[tilespmem:s24+$0x5570] =	vst v4  }
0x82: {  	v48 =	vld [tilespmem:s24+$0x500];
	v58 =	vmul.f32 $5.000000000e-01, v8;
	[tilespmem:s24+$0x5540] =	vst v52  }
0x83: {  	v56 =	vld [tilespmem:s24+$0x5F0];
	v9 =	vmul.f32 $5.000000000e-01, v59;
	[tilespmem:s24+$0x5530] =	vst v53  }
0x84: {  	v57 =	vld [tilespmem:s24+$0x5B0];
	v0 =	vmul.f32 $5.000000000e-01, v0;
	[tilespmem:s24+$0x55C0] =	vst v58  }
0x85: {  	v54 =	vbroadcast v32, $0x0;
	v2 =	vmul.f32 $5.000000000e-01, v36;
	[tilespmem:s24+$0x55D0] =	vst v9  }
0x86: {  	v61 =	vbroadcast v32, $0xF;
	v1 =	vmul.f32 $5.000000000e-01, v37;
	[tilespmem:s24+$0x55E0] =	vst v0  }
0x87: {  	v62 =	vbroadcast v32, $0xB;
	v4 =	vmul.f32 v54, v48;
	[tilespmem:s24+$0x5550] =	vst v2  }
0x88: {  	v7 =	vmul.f32 v56, v61;
	[tilespmem:s24+$0x5560] =	vst v1  }
0x89: {  	[tilespmem:s24+$0x2D00] =	vst v4;
	v1 =	vmul.f32 v57, v62  }
0x8a: {  	v63 =	vmul.f32 $5.000000000e-01, v7;
	[tilespmem:s24+$0x2DF0] =	vst v7  }
0x8b: {  	v4 =	vmul.f32 $5.000000000e-01, v4;
	[tilespmem:s24+$0x2DB0] =	vst v1  }
0x8c: {  	[tilespmem:s24+$0x55F0] =	vst v63;
	v1 =	vmul.f32 $5.000000000e-01, v1  }
0x8d: {  	[tilespmem:s24+$0x5500] =	vst v4  }
0x8e: {  	s29 =	simm.s32 $0x0;
	[tilespmem:s24+$0x55B0] =	vst v1  }
0x8f: {  	[hbm4b:s8+s29] =	stream.linear.scatter [tilespmem:s16], [sflag:$0x2], $0x2800, $0x38;
	[tilespmem:$0xAE00] =	vst v63  }
0x90: {  	_ =	swait.ge [sflag:s14], $0x2800  }
0x91: {  	[sflag:s14] =	ssyncset.done $0x0  }
0x92: {  	[sflag:s14] =	ssyncadd.s32 $0xFFFFD800  }
0x93: {  	[spmem:s9] =	stream.linear.scatter [tilespmem:s17], [sflag:$0x2], $0x2800, $0x38;
	[tilespmem:$0xAE00] =	vst v63  }
0x94: {  	_ =	swait.ge [sflag:s14], $0x2800  }
0x95: {  	[sflag:s14] =	ssyncset.done $0x0  }
0x96: {  	[sflag:s14] =	ssyncadd.s32 $0xFFFFD800  }
0x97: {  	s30 =	sadd.s32 $0x0, s13;
	[bflag:$0x0] =	sbarrier.arrive $0xFFFF  }
0x98: {  	[tilespmem:s18], [sflag:$0x2] =	stream.linear.gather [hbm4b:s30+s3], $0x80, $0x38;
	[tilespmem:$0xAE00] =	vst v63  }
0x99: {  	_ =	swait.ge [sflag:s14], $0x80  }
0x9a: {  	[sflag:s14] =	ssyncset.done $0x0  }
0x9b: {  	[sflag:s14] =	ssyncadd.s32 $0xFFFFFF80  }
0x9c: {  	[tilespmem:s20], [sflag:$0x1] =	stream.indirect.gather [hbm4b:s4+s19], $0x10, s18, s19, $0xb8;
	[tilespmem:$0xAE00] =	vst v63  }
0x9d: {  	_ =	swait.ge [sflag:s21], $0x800  }
0x9e: {  	[sflag:s21] =	ssyncset.done $0x0  }
0x9f: {  	s31 =	sadd.s32 $0x0, s12;
	[sflag:s21] =	ssyncadd.s32 $0xFFFFF800  }
0xa0: {  	[tilespmem:s22], [sflag:$0x2] =	stream.linear.gather [hbm4b:s31+s3], $0x80, $0x38;
	[tilespmem:$0xAE00] =	vst v63  }
0xa1: {  	_ =	swait.ge [sflag:s14], $0x80  }
0xa2: {  	[sflag:s14] =	ssyncset.done $0x0  }
0xa3: {  	[sflag:s14] =	ssyncadd.s32 $0xFFFFFF80  }
0xa4: {  	[spmem:s2] =	stream.indirect.scatter.add.f32 [tilespmem:s20], [sflag:$0x2], $0x10, s22, s19, $0xb8;
	[tilespmem:$0xAE00] =	vst v63  }
0xa5: {  	_ =	swait.ge [sflag:s14], $0x800  }
0xa6: {  	s25 =	simm.s32 $0x20;
	s24 =	simm.s32 $0x10;
	[sflag:s14] =	ssyncset.done $0x0  }
.LBB2_4:
0xa7: {  	s26 =	sadd.s32 s24, s13  }
0xa8: {  	[sflag:s14] =	ssyncadd.s32 $0xFFFFF800;
	s28 =	smov.u32 s25;
	s29 =	sadd.s32 $0x10, s25  }
0xa9: {  	[tilespmem:s18], [sflag:$0x2] =	stream.linear.gather [hbm4b:s26+s3], $0x80, $0x38;
	[tilespmem:$0xAE00] =	vst v63  }
0xaa: {  	p0 =	sne.s32 s25, $0x4E0;
	_ =	swait.ge [sflag:s14], $0x80  }
0xab: {  	[sflag:s14] =	ssyncset.done $0x0  }
0xac: {  	[sflag:s14] =	ssyncadd.s32 $0xFFFFFF80  }
0xad: {  	[tilespmem:s20], [sflag:$0x1] =	stream.indirect.gather [hbm4b:s4+s19], $0x10, s18, s19, $0xb8;
	[tilespmem:$0xAE00] =	vst v63  }
0xae: {  	_ =	swait.ge [sflag:s21], $0x800  }
0xaf: {  	[sflag:s21] =	ssyncset.done $0x0  }
0xb0: {  	s25 =	sadd.s32 s24, s12;
	s24 =	smov.u32 s28;
	[sflag:s21] =	ssyncadd.s32 $0xFFFFF800  }
0xb1: {  	[tilespmem:s22], [sflag:$0x2] =	stream.linear.gather [hbm4b:s25+s3], $0x80, $0x38;
	[tilespmem:$0xAE00] =	vst v63  }
0xb2: {  	_ =	swait.ge [sflag:s14], $0x80  }
.Ltmp1:
0xb3: {  	[sflag:s14] =	ssyncset.done $0x0;
	(pc) =	sbr.rel @p0 .LBB2_4-.Ltmp1, $4  }
0xb4: {  	[sflag:s14] =	ssyncadd.s32 $0xFFFFFF80  }
0xb5: {  	[spmem:s2] =	stream.indirect.scatter.add.f32 [tilespmem:s20], [sflag:$0x2], $0x10, s22, s19, $0xb8;
	[tilespmem:$0xAE00] =	vst v63  }
0xb6: {  	_ =	swait.ge [sflag:s14], $0x800  }
0xb7: {  	s25 =	smov.u32 s29;
	[sflag:s14] =	ssyncset.done $0x0  }
0xb8: {  	s25 =	sadd.s32 s24, s13;
	[sflag:s14] =	ssyncadd.s32 $0xFFFFF800  }
0xb9: {  	[tilespmem:s18], [sflag:$0x2] =	stream.linear.gather [hbm4b:s25+s3], $0x80, $0x38;
	[tilespmem:$0xAE00] =	vst v63  }
0xba: {  	_ =	swait.ge [sflag:s14], $0x80  }
0xbb: {  	[sflag:s14] =	ssyncset.done $0x0  }
0xbc: {  	[sflag:s14] =	ssyncadd.s32 $0xFFFFFF80  }
0xbd: {  	[tilespmem:s20], [sflag:$0x1] =	stream.indirect.gather [hbm4b:s4+s19], $0x10, s18, s19, $0xb8;
	[tilespmem:$0xAE00] =	vst v63  }
0xbe: {  	_ =	swait.ge [sflag:s21], $0x800  }
0xbf: {  	[sflag:s21] =	ssyncset.done $0x0  }
0xc0: {  	s29 =	sadd.s32 s24, s12;
	[sflag:s21] =	ssyncadd.s32 $0xFFFFF800  }
0xc1: {  	[tilespmem:s22], [sflag:$0x2] =	stream.linear.gather [hbm4b:s29+s3], $0x80, $0x38;
	[tilespmem:$0xAE00] =	vst v63  }
0xc2: {  	_ =	swait.ge [sflag:s14], $0x80  }
0xc3: {  	[sflag:s14] =	ssyncset.done $0x0  }
0xc4: {  	[sflag:s14] =	ssyncadd.s32 $0xFFFFFF80  }
0xc5: {  	[spmem:s2] =	stream.indirect.scatter.add.f32 [tilespmem:s20], [sflag:$0x2], $0x10, s22, s19, $0xb8;
	[tilespmem:$0xAE00] =	vst v63  }
0xc6: {  	_ =	swait.ge [sflag:s14], $0x800  }
0xc7: {  	s30 =	sshll.u32 s1, $0x6;
	s23 =	sadd.s32 $0x1, s23;
	[sflag:s14] =	ssyncset.done $0x0  }
0xc8: {  	s31 =	sshrl.u32 s9, $0x3;
	p0 =	sne.s32 s23, s11;
	[sflag:s14] =	ssyncadd.s32 $0xFFFFF800  }
.Ltmp2:
0xc9: {  	s24 =	sor.u32 $0x1C02, s30;
	[bflag:$0x0] =	sbarrier.arrive $0xFFFF;
	(pc) =	sbr.rel @p0 .LBB2_1-.Ltmp2, $4  }
0xca: {  	[hbm:s10], [sflag:s24] =	dma.local [spmem:s31], $0x500  }
0xcb: {  	_ =	swait.ge [sflag:s14], $0x500  }
0xcc: {  	[sflag:s14] =	ssyncset.done $0x0  }
0xcd: {  	[sflag:s14] =	ssyncadd.s32 $0xFFFFFB00  }
0xce: {  	_ =	sfence.sel $0x180000  }
0xcf: {  	[bflag:$0x0] =	sbarrier.arrive $0xFFFF  }
0xd0: {  	p0 =	sne.s32 s1, $0x0;
	_ =	strace $0x9000004A  }
0xd1: {  	s0 =	sadd.s32 @!p0 $0x100000, s0;
	[bflag:$0x2] =	sbarrier.arrive $0xFFFF  }
0xd2: {  	[sflag:s0] =	ssyncadd.tile.s32 @!p0 $0x1;
	_ =	shalt  }
.Lfunc_end2:
_tile_overlayer_lowered:
.L_overlay_start_2:
0xd3: {  	(tag) =	ssettag $0x2  }
0xd4: {  	s0 =	rddreg [dreg:$0x0];
	s2 =	stileid.u32  }
0xd5: {  	s1 =	rddreg [dreg:$0x1];
	p0 =	sne.s32 s2, $0x0  }
0xd6: {  	s3 =	rddreg [dreg:$0x2];
	[bflag:$0x3] =	sbarrier.arrive $0xFFFF;
	s2 =	simm.s32 @!p0 $0x1C02  }
0xd7: {  	[timem:s3], [sflag:s2] =	dma.local @!p0 [hbm:s0], s1  }
0xd8: {  	s0 =	simm.s32 @!p0 $0x2  }
0xd9: {  	_ =	swait.ge @!p0 [sflag:s0], s1  }
0xda: {  	s1 =	ssub.s32 @!p0 $0x0, s1;
	[sflag:s0] =	ssyncset.done @!p0 $0x0  }
0xdb: {  	[sflag:s0] =	ssyncadd.s32 @!p0 s1  }
0xdc: {  	[bflag:$0x3] =	sbarrier.arrive $0xFFFF  }
0xdd: {  	_ =	shalt  }

// kernel: kernel.13.cloned.1.call-start
scs
__scs_entry_jumppad:
0x0: {  	(pc) =	sbr.rel $0x88, $3  }
0x1: {  	(tag) =	ssettag $0x0;
	lr =	simm.s32 $0x1  }
0x2: {  	[smem:$0x3F9D] =	sst lr;
	_ =	strace $0xD0000000  }
0x3: {  	_ = 	snop  }
0x4: {  	_ = 	snop  }
0x5: {  	_ = 	snop  }
0x6: {  	_ = 	snop  }
0x7: {  	_ = 	snop  }
__scs_overlays_trampoline_lowered:
0x8: {  	[smem:$0x3FAC] =	sst s0  }
0x9: {  	[smem:$0x3FAD] =	sst s1  }
0xa: {  	[smem:$0x3FAE] =	sst s2  }
0xb: {  	[smem:$0x3FAF] =	sst s3  }
0xc: {  	[smem:$0x3FB0] =	sst s4  }
0xd: {  	[smem:$0x3FB1] =	sst s5  }
0xe: {  	[smem:$0x3FB2] =	sst s6  }
0xf: {  	[smem:$0x3FB3] =	sst s7  }
0x10: {  	[smem:$0x3FB4] =	sst s8  }
0x11: {  	[smem:$0x3FB5] =	sst s9;
	s0 =	simm.s32 @!p0 $0x0  }
0x12: {  	s1 =	sld [smem:$0x3F9B];
	s0 =	simm.s32 @p0 $0x1  }
0x13: {  	[smem:$0x3FB6] =	sst s0;
	s0 =	simm.s32 @!p1 $0x0  }
0x14: {  	s2 =	sld [smem:$0x3F9A];
	s0 =	simm.s32 @p1 $0x1  }
0x15: {  	[smem:$0x3FB7] =	sst s0;
	s0 =	simm.s32 @!p2 $0x0  }
0x16: {  	s3 =	sld [smem:$0x3FDB];
	s0 =	simm.s32 @p2 $0x1  }
0x17: {  	s4 =	simm.s32 $0x1BF5;
	[smem:$0x3FB9] =	sst s0  }
0x18: {  	s0 =	sld [smem:$0x3F9C];
	_ =	swait.ge [sflag:s4], $0x0  }
0x19: {  	s7 =	sld [smem:$0x3F9D]  }
0x1a: {  	s8 =	sadd.s32 $0xFFFFE003, lr  }
0x1b: {  	s9 =	sadd.s32 $0xFFFFFEF7, lr;
	s5 =	simm.s32 $0xFFFFFFFF;
	p2 =	slt.u32 s8, $0xFFFFF086  }
0x1c: {  	p1 =	slt.u32 s9, $0xF7A;
	s5 =	simm.s32 @!p2 $0x0  }
0x1d: {  	s5 =	simm.s32 @p1 $0x1;
	p0 =	seq.s32 s7, s2  }
0x1e: {  	s7 =	smul.u32 @!p0 $0xF7A, s2;
	p2 =	seq.s32 @!p0 s5, $0x0  }
0x1f: {  	s9 =	smul.u32 $0xF7A, s1;
	s8 =	simm.s32 @!p0 $0x1BF5;
	p2 =	por !p2, p0  }
0x20: {  	[sflag:s8] =	ssyncset.s32 @!p0 $0xFFFFF086;
	s6 =	sadd.s32 @!p0 s3, s7;
	s7 =	simm.s32 @!p0 $0x108  }
0x21: {  	s3 =	sadd.s32 s3, s9;
	s6 =	sadd.s32 @!p0 $0x88, s6;
	s7 =	simm.s32 @p2 $0x1082  }
0x22: {  	[simem:s7], [sflag:s8] =	dma.local @!p0 [hbm:s6], $0xF7A  }
0x23: {  	s9 =	sor.u32 $0xD0000000, s2;
	s6 =	simm.s32 $0x108;
	_ =	swait.ge @!p0 [sflag:s8], $0x0  }
0x24: {  	s3 =	sadd.s32 $0x88, s3;
	s6 =	simm.s32 @!p1 $0x1082;
	[sflag:s4] =	ssyncset.s32 $0xFFFFF086  }
0x25: {  	[simem:s6], [sflag:s4] =	dma.local [hbm:s3], $0xF7A  }
0x26: {  	[smem:$0x3F9D] =	sst s1;
	(tag) =	ssettag s2;
	_ =	strace s9  }
0x27: {  	s1 =	sld [smem:$0x3FAD]  }
0x28: {  	s2 =	sld [smem:$0x3FAE]  }
0x29: {  	s4 =	sld [smem:$0x3FB0]  }
0x2a: {  	p0 =	seq.s32 s5, $0x0;
	s5 =	sld [smem:$0x3FB1]  }
0x2b: {  	s6 =	sld [smem:$0x3FB2]  }
0x2c: {  	s7 =	sld [smem:$0x3FB3]  }
0x2d: {  	s3 =	simm.s32 $0x108;
	s8 =	sld [smem:$0x3FB4]  }
0x2e: {  	s3 =	simm.s32 @!p0 $0x1082;
	s9 =	sld [smem:$0x3FB5]  }
0x2f: {  	lr =	sadd.s32 s0, s3;
	s0 =	sld [smem:$0x3FAC]  }
0x30: {  	s3 =	sld [smem:$0x3FAF]  }
0x31: {  	[smem:$0x3FB8] =	sst s10  }
0x32: {  	s10 =	sld [smem:$0x3FB6];
	_ =	sdelay $0x3  }
0x33: {  	p0 =	seq.s32 s10, $0x1;
	s10 =	sld [smem:$0x3FB8];
	_ =	sdelay $0x3  }
0x34: {  	[smem:$0x3FB8] =	sst s10  }
0x35: {  	s10 =	sld [smem:$0x3FB7];
	_ =	sdelay $0x3  }
0x36: {  	p1 =	seq.s32 s10, $0x1;
	s10 =	sld [smem:$0x3FB8];
	_ =	sdelay $0x3  }
0x37: {  	[smem:$0x3FB8] =	sst s10  }
0x38: {  	s10 =	sld [smem:$0x3FB9]  }
0x39: {  	_ = 	snop;
	(pc) =	sbr.ind lr, $3  }
0x3a: {  	_ = 	snop  }
0x3b: {  	_ = 	snop  }
0x3c: {  	p2 =	seq.s32 s10, $0x1;
	s10 =	sld [smem:$0x3FB8]  }
0x3d: {  	_ =	shalt  }
0x3e: {  	_ =	shalt  }
0x3f: {  	_ =	shalt  }
0x40: {  	_ =	shalt  }
0x41: {  	_ =	shalt  }
0x42: {  	_ =	shalt  }
0x43: {  	_ =	shalt  }
0x44: {  	_ =	shalt  }
0x45: {  	_ =	shalt  }
0x46: {  	_ =	shalt  }
0x47: {  	_ =	shalt  }
0x48: {  	_ =	shalt  }
0x49: {  	_ =	shalt  }
0x4a: {  	_ =	shalt  }
0x4b: {  	_ =	shalt  }
0x4c: {  	_ =	shalt  }
0x4d: {  	_ =	shalt  }
0x4e: {  	_ =	shalt  }
0x4f: {  	_ =	shalt  }
0x50: {  	_ =	shalt  }
0x51: {  	_ =	shalt  }
0x52: {  	_ =	shalt  }
0x53: {  	_ =	shalt  }
0x54: {  	_ =	shalt  }
0x55: {  	_ =	shalt  }
0x56: {  	_ =	shalt  }
0x57: {  	_ =	shalt  }
0x58: {  	_ =	shalt  }
0x59: {  	_ =	shalt  }
0x5a: {  	_ =	shalt  }
0x5b: {  	_ =	shalt  }
0x5c: {  	_ =	shalt  }
0x5d: {  	_ =	shalt  }
0x5e: {  	_ =	shalt  }
0x5f: {  	_ =	shalt  }
0x60: {  	_ =	shalt  }
0x61: {  	_ =	shalt  }
0x62: {  	_ =	shalt  }
0x63: {  	_ =	shalt  }
0x64: {  	_ =	shalt  }
0x65: {  	_ =	shalt  }
0x66: {  	_ =	shalt  }
0x67: {  	_ =	shalt  }
0x68: {  	_ =	shalt  }
0x69: {  	_ =	shalt  }
0x6a: {  	_ =	shalt  }
0x6b: {  	_ =	shalt  }
0x6c: {  	_ =	shalt  }
0x6d: {  	_ =	shalt  }
0x6e: {  	_ =	shalt  }
0x6f: {  	_ =	shalt  }
0x70: {  	_ =	shalt  }
0x71: {  	_ =	shalt  }
0x72: {  	_ =	shalt  }
0x73: {  	_ =	shalt  }
0x74: {  	_ =	shalt  }
0x75: {  	_ =	shalt  }
0x76: {  	_ =	shalt  }
0x77: {  	_ =	shalt  }
0x78: {  	_ =	shalt  }
0x79: {  	_ =	shalt  }
0x7a: {  	_ =	shalt  }
0x7b: {  	_ =	shalt  }
0x7c: {  	_ =	shalt  }
0x7d: {  	_ =	shalt  }
0x7e: {  	_ =	shalt  }
0x7f: {  	_ =	shalt  }
0x80: {  	_ =	shalt  }
0x81: {  	_ =	shalt  }
0x82: {  	_ =	shalt  }
0x83: {  	_ =	shalt  }
0x84: {  	_ =	shalt  }
0x85: {  	_ =	shalt  }
0x86: {  	_ =	shalt  }
0x87: {  	_ =	shalt  }
.Lfunc_end0:
.L_simem_size_0:
called_computation.2_lowered:
.L_overlay_start_0:
0x88: {  	s2 =	sld [smem:$0x3FD9]  }
0x89: {  	s3 =	sld [smem:$0x3FFE];
	_ =	sdelay $0x1  }
0x8a: {  	s1 =	srdreg.scid  }
0x8b: {  	s0 =	sand.u32 $0x1, s1  }
0x8c: {  	s17 =	sshll.u32 s0, $0xA;
	s2 =	sadd.s32 s3, s2  }
0x8d: {  	s2 =	sadd.s32 s2, s17  }
0x8e: {  	[smem:$0x3FC4] =	sst s2  }
0x8f: {  	_ = 	snop  }
0x90: {  	s2 =	sld [smem:$0x3FD0];
	(tm) =	ssettm $0x1  }
0x91: {  	s18 =	sld [smem:$0x3FFB];
	_ =	sdelay $0x3  }
0x92: {  	_ =	strace s18  }
0x93: {  	s3 =	sld [smem:$0x3FFC];
	_ =	sdelay $0x3  }
0x94: {  	_ =	strace s3  }
0x95: {  	s3 =	sld [smem:$0x3FFD];
	_ =	sdelay $0x3  }
0x96: {  	_ =	strace s3  }
0x97: {  	_ =	strace $0x8FFFFFFF  }
0x98: {  	s19 =	sld [smem:$0x3FDB];
	_ =	sdelay $0x1  }
0x99: {  	s4 =	simm.s32 $_scs_section_size  }
0x9a: {  	s5 =	simm.s32 $_size__tile_overlayer_lowered;
	s6 =	simm.s32 $_tile_overlayer_lowered  }
0x9b: {  	s22 =	simm.s32 $0x1BFF;
	s21 =	sshll.u32 s6, $0x1;
	s3 =	sadd.s32 s4, s19  }
0x9c: {  	s7 =	simm.s32 $0x0;
	s20 =	sshll.u32 s5, $0x1;
	s5 =	sadd.s32 s21, s3  }
0x9d: {  	[timem:s7], [sflag:s22] =	dma.local [hbm:s5], s20  }
0x9e: {  	_ =	swait.ge [sflag:s22], s20  }
0x9f: {  	s4 =	ssub.s32 $0x0, s20;
	[sflag:s22] =	ssyncset.done $0x0  }
0xa0: {  	[sflag:s22] =	ssyncadd.s32 s4;
	_ =	sdelay $0x1  }
0xa1: {  	s23 =	simm.s32 $0x1B8B  }
0xa2: {  	_ =	swait.ge [sflag:s23], $0x1  }
0xa3: {  	[sflag:s23] =	ssyncset.done $0x0  }
0xa4: {  	s25 =	simm.s32 $0x1B8E;
	s24 =	sld [smem:$0x3FFE];
	[sflag:s23] =	ssyncadd.s32 $0xFFFFFFFF  }
0xa5: {  	s26 =	simm.s32 $execute0_lowered;
	[smem:$0x3FD2] =	sst s25  }
0xa6: {  	s5 =	sshll.u32 s26, $0x1;
	_ =	strace $0x8000004C;
	[dreg:$0x1] =	wrdreg $0xFFFFFFFF  }
0xa7: {  	s28 =	simm.s32 $_size_execute0_lowered;
	s3 =	sadd.s32 s3, s5;
	[dreg:$0x0] =	wrdreg $0x0  }
0xa8: {  	s5 =	sshll.u32 s28, $0x1;
	[dreg:$0x2] =	wrdreg s3  }
0xa9: {  	[dreg:$0x3] =	wrdreg s5  }
0xaa: {  	[dreg:$0x4] =	wrdreg $0xC0  }
0xab: {  	_ =	task [dreg:s7], $0x5FFFF  }
0xac: {  	[dreg:$0x1] =	wrdreg $0xFFFFFFFF  }
0xad: {  	[dreg:$0x0] =	wrdreg $0x60  }
0xae: {  	[dreg:$0x2] =	wrdreg s24  }
0xaf: {  	[dreg:$0x3] =	wrdreg s2  }
0xb0: {  	[dreg:$0x4] =	wrdreg $0xAE000  }
0xb1: {  	[dreg:$0x5] =	wrdreg $0x9  }
0xb2: {  	_ =	task.clear_ibuf [dreg:s7], $0x6FFFF;
	_ =	strace $0x9000004C  }
0xb3: {  	s29 =	simm.s32 $0x9;
	_ =	strace $0x8000004E  }
0xb4: {  	_ =	swait.ge [sflag:s29], $0x1  }
0xb5: {  	[sflag:s29] =	ssyncadd.s32 $0xFFFFFFFF  }
0xb6: {  	_ =	strace $0x9000004E  }
0xb7: {  	_ =	sfence  }
0xb8: {  	s30 =	sld [smem:$0x0];
	_ =	sdelay $0x2  }
0xb9: {  	s31 =	sshll.u32 s1, $0xD;
	s1 =	sshrl.u32 s1, $0x2  }
0xba: {  	s3 =	sand.u32 $0x4000, s31;
	s1 =	sadd.s32 s1, s30  }
0xbb: {  	s0 =	sor.u32 s3, s0;
	s1 =	sshll.u32 s1, $0x11  }
0xbc: {  	s0 =	sor.u32 s1, s0  }
0xbd: {  	s0 =	sadd.s32 $0x8F2B, s0  }
0xbe: {  	[sflag:s0] =	ssyncadd.remote.s32 $0x1  }
0xbf: {  	_ =	sfence.sel $0xFFFF  }
0xc0: {  	[dreg:$0x0] =	wrdreg $0xFFFFFFFF;
	(pc) =	sbr.abs _section_cstart, $3  }
0xc1: {  	[dreg:$0x1] =	wrdreg $0xFFFFFFFF  }
0xc2: {  	_ =	task.clear_ibuf [dreg:s7], $0x2FFFF;
	_ =	strace $0x9FFFFFFF  }
0xc3: {  	(tm) =	ssettm $0x7FFFFFFF  }
tec
execute0_lowered:
.L_overlay_start_1:
0x0: {  	(tag) =	ssettag $0x1  }
0x1: {  	s5 =	rddreg [dreg:$0x0]  }
0x2: {  	s6 =	rddreg [dreg:$0x1]  }
0x3: {  	s0 =	stileid.u32;
	s1 =	srdreg.scid  }
0x4: {  	s2 =	rddreg [dreg:$0x2];
	s3 =	simm.s32 $0x0;
	s15 =	simm.s32 $0x2  }
0x5: {  	s16 =	simm.s32 $0x500;
	s17 =	simm.s32 $0x2D00;
	s18 =	simm.s32 $0x5500  }
0x6: {  	s19 =	simm.s32 $0x7D00;
	s20 =	simm.s32 $0xA500;
	s21 =	simm.s32 $0x80  }
0x7: {  	s22 =	simm.s32 $0xA600;
	s23 =	simm.s32 $0x1;
	s10 =	smul.u32 $0x2800, s0  }
0x8: {  	s24 =	simm.s32 $0xA580;
	s25 =	simm.s32 $0x0;
	s8 =	smul.u32 $0x2780, s0  }
0x9: {  	s7 =	sand.u32 $0x1, s1;
	[smem:$0x7FF] =	sst s3;
	s12 =	smul.u32 $0x280, s0  }
0xa: {  	s1 =	rddreg [dreg:$0x3];
	s4 =	smul.u32 $0x27800, s7;
	_ =	strace $0x8000004D  }
0xb: {  	s29 =	smul.u32 $0x28000, s7;
	s7 =	ssub.s32 $0x2, s7;
	s9 =	sshrl.u32 s10, $0x3  }
0xc: {  	s12 =	sshrl.u32 s12, $0x3;
	s30 =	sshrl.u32 s7, $0x1;
	s4 =	sadd.s32 s8, s4  }
0xd: {  	s11 =	sadd.s32 s9, s5;
	s8 =	sadd.s32 s10, s29;
	s31 =	ssub.s32 s7, s30  }
0xe: {  	s10 =	sadd.s32 s10, s2;
	s4 =	sshrl.u32 s4, $0x3;
	s8 =	sshrl.u32 s8, $0x3  }
0xf: {  	s7 =	sadd.s32 $0x1FA00, s11;
	s14 =	sadd.s32 s4, s5;
	s4 =	sadd.s32 $0x15A00, s5  }
0x10: {  	s13 =	sadd.s32 s8, s5;
	s5 =	sadd.s32 s6, s12;
	s8 =	sadd.s32 $0x24A00, s11  }
0x11: {  	s12 =	smax.u32 s31, $0x1;
	s6 =	sadd.s32 $0x500, s5;
	s9 =	sadd.s32 s4, s9  }
0x12: {  	s11 =	sadd.s32 $0x29A00, s13;
	s13 =	sadd.s32 $0x1E00, s14;
	s14 =	sadd.s32 $0xBC00, s14  }
.LBB2_1:
0x13: {  	[tilespmem:s3], [sflag:$0x2] =	stream.linear.gather [hbm4b:s5+s3], $0x280, $0x38;
	[tilespmem:$0xD600] =	vst v63  }
0x14: {  	_ =	swait.ge [sflag:s15], $0x280  }
0x15: {  	[sflag:s15] =	ssyncset.done $0x0  }
0x16: {  	s28 =	simm.s32 $0x280;
	[sflag:s15] =	ssyncadd.s32 $0xFFFFFD80  }
0x17: {  	[tilespmem:s28], [sflag:$0x2] =	stream.linear.gather [hbm4b:s6+s3], $0x280, $0x38;
	[tilespmem:$0xD600] =	vst v63  }
0x18: {  	_ =	swait.ge [sflag:s15], $0x280  }
0x19: {  	[sflag:s15] =	ssyncset.done $0x0  }
0x1a: {  	[sflag:s15] =	ssyncadd.s32 $0xFFFFFD80  }
0x1b: {  	[tilespmem:s16], [sflag:$0x2] =	stream.linear.gather [hbm4b:s7+s3], $0x2800, $0x38;
	[tilespmem:$0xD600] =	vst v63  }
0x1c: {  	_ =	swait.ge [sflag:s15], $0x2800  }
0x1d: {  	[sflag:s15] =	ssyncset.done $0x0  }
0x1e: {  	[sflag:s15] =	ssyncadd.s32 $0xFFFFD800  }
0x1f: {  	[tilespmem:s17], [sflag:$0x2] =	stream.linear.gather [hbm4b:s8+s3], $0x2800, $0x38;
	[tilespmem:$0xD600] =	vst v63  }
0x20: {  	_ =	swait.ge [sflag:s15], $0x2800  }
0x21: {  	[sflag:s15] =	ssyncset.done $0x0  }
0x22: {  	s26 =	simm.s32 $0x0;
	[sflag:s15] =	ssyncadd.s32 $0xFFFFD800  }
0x23: {  	v0 =	vld [tilespmem:s26+$0x500]  }
0x24: {  	v1 =	vld [tilespmem:s28+$0x0]  }
0x25: {  	s29 =	simm.s32 $0x400;
	s30 =	simm.s32 $0x0;
	v2 =	vld [tilespmem:s3+$0x0]  }
.LBB2_2:
0x26: {  	p0 =	sne.s32 s29, $0x9C00;
	v3 =	vld [tilespmem:s26+$0x2D00]  }
0x27: {  	v4 =	vld [tilespmem:s26+$0x510]  }
0x28: {  	v5 =	vld [tilespmem:s26+$0x2D10]  }
0x29: {  	v6 =	vld [tilespmem:s26+$0x520]  }
0x2a: {  	v1 =	vadd.f32 v1, v2;
	v2 =	vld [tilespmem:s26+$0x2D20]  }
0x2b: {  	v7 =	vld [tilespmem:s26+$0x530]  }
0x2c: {  	v8 =	vld [tilespmem:s26+$0x2D30];
	(erf) = vrcp.f32 v1  }
0x2d: {  	v1 =	vld [tilespmem:s26+$0x540]  }
0x2e: {  	v9 =	vld [tilespmem:s26+$0x2D40]  }
0x2f: {  	v10 =	vld [tilespmem:s26+$0x550]  }
0x30: {  	v11 =	vld [tilespmem:s26+$0x2D50]  }
0x31: {  	v12 =	vld [tilespmem:s26+$0x560]  }
0x32: {  	v13 =	vld [tilespmem:s26+$0x2D60]  }
0x33: {  	v14 =	vld [tilespmem:s26+$0x570]  }
0x34: {  	v15 =	vld [tilespmem:s26+$0x2D70]  }
0x35: {  	v0 =	vadd.f32 v3, v0;
	v3 =	vadd.f32 v5, v4;
	v4 =	vld [tilespmem:s26+$0x580];
	v5 =	vpop (erf)  }
0x36: {  	v2 =	vadd.f32 v2, v6;
	v16 =	vbroadcast v5, $0x0;
	v17 =	vbroadcast v5, $0x1;
	v6 =	vld [tilespmem:s26+$0x2D80]  }
0x37: {  	v7 =	vadd.f32 v8, v7;
	v18 =	vbroadcast v5, $0x2;
	v8 =	vbroadcast v5, $0x3;
	v19 =	vld [tilespmem:s26+$0x590]  }
0x38: {  	v0 =	vmul.f32 v16, v0;
	v3 =	vmul.f32 v3, v17;
	v16 =	vld [tilespmem:s26+$0x2D90]  }
0x39: {  	v2 =	vmul.f32 v2, v18;
	v7 =	vmul.f32 v7, v8;
	v8 =	vld [tilespmem:s26+$0x5A0]  }
0x3a: {  	v1 =	vadd.f32 v9, v1;
	[tilespmem:s26+$0x5500] =	vst v0;
	v0 =	vmul.f32 $5.000000000e-01, v0;
	v17 =	vmul.f32 $5.000000000e-01, v3;
	v9 =	vld [tilespmem:s26+$0x2DA0]  }
0x3b: {  	v10 =	vadd.f32 v11, v10;
	v18 =	vmul.f32 $5.000000000e-01, v7;
	[tilespmem:s26+$0x5510] =	vst v3;
	v3 =	vmul.f32 $5.000000000e-01, v2;
	v11 =	vld [tilespmem:s26+$0x5B0]  }
0x3c: {  	v20 =	vbroadcast v5, $0x5;
	v12 =	vadd.f32 v13, v12;
	[tilespmem:s26+$0x7D00] =	vst v0;
	v0 =	vbroadcast v5, $0x4;
	v13 =	vld [tilespmem:s26+$0x2DB0]  }
0x3d: {  	v14 =	vadd.f32 v15, v14;
	v15 =	vbroadcast v5, $0x7;
	[tilespmem:s26+$0x7D10] =	vst v17;
	v17 =	vbroadcast v5, $0x6;
	v21 =	vld [tilespmem:s26+$0x5C0]  }
0x3e: {  	[tilespmem:s26+$0x7D20] =	vst v3;
	v0 =	vmul.f32 v1, v0;
	v1 =	vmul.f32 v10, v20;
	v3 =	vld [tilespmem:s26+$0x2DC0]  }
0x3f: {  	[tilespmem:s26+$0x7D30] =	vst v18;
	v10 =	vmul.f32 v12, v17;
	v12 =	vmul.f32 v14, v15;
	v14 =	vld [tilespmem:s26+$0x5D0]  }
0x40: {  	v4 =	vadd.f32 v6, v4;
	[tilespmem:s26+$0x5520] =	vst v2;
	v2 =	vmul.f32 $5.000000000e-01, v0;
	v15 =	vmul.f32 $5.000000000e-01, v1;
	v6 =	vld [tilespmem:s26+$0x2DD0]  }
0x41: {  	v16 =	vadd.f32 v16, v19;
	[tilespmem:s26+$0x5530] =	vst v7;
	v7 =	vmul.f32 $5.000000000e-01, v10;
	v17 =	vmul.f32 $5.000000000e-01, v12;
	v18 =	vld [tilespmem:s26+$0x5E0]  }
0x42: {  	v19 =	vbroadcast v5, $0x9;
	v8 =	vadd.f32 v9, v8;
	[tilespmem:s26+$0x7D40] =	vst v2;
	v2 =	vbroadcast v5, $0x8;
	v9 =	vld [tilespmem:s26+$0x2DE0]  }
0x43: {  	v11 =	vadd.f32 v13, v11;
	v13 =	vbroadcast v5, $0xB;
	[tilespmem:s26+$0x7D50] =	vst v15;
	v15 =	vbroadcast v5, $0xA;
	v20 =	vld [tilespmem:s26+$0x5F0]  }
0x44: {  	[tilespmem:s26+$0x7D60] =	vst v7;
	v2 =	vmul.f32 v4, v2;
	v4 =	vmul.f32 v16, v19;
	v7 =	vld [tilespmem:s26+$0x2DF0]  }
0x45: {  	v11 =	vmul.f32 v11, v13;
	[tilespmem:s26+$0x7D70] =	vst v17;
	v8 =	vmul.f32 v8, v15  }
0x46: {  	v3 =	vadd.f32 v3, v21;
	[tilespmem:s26+$0x5540] =	vst v0;
	v0 =	vmul.f32 $5.000000000e-01, v2;
	v13 =	vmul.f32 $5.000000000e-01, v4  }
0x47: {  	v15 =	vmul.f32 $5.000000000e-01, v11;
	v6 =	vadd.f32 v6, v14;
	[tilespmem:s26+$0x5550] =	vst v1;
	v1 =	vmul.f32 $5.000000000e-01, v8  }
0x48: {  	v14 =	vbroadcast v5, $0xD;
	v9 =	vadd.f32 v9, v18;
	[tilespmem:s26+$0x7D80] =	vst v0;
	v0 =	vbroadcast v5, $0xC  }
0x49: {  	[tilespmem:s26+$0x7D90] =	vst v13;
	v13 =	vbroadcast v5, $0xE;
	v7 =	vadd.f32 v7, v20;
	v5 =	vbroadcast v5, $0xF  }
0x4a: {  	[tilespmem:s26+$0x7DA0] =	vst v1;
	v0 =	vmul.f32 v3, v0;
	v1 =	vmul.f32 v6, v14  }
0x4b: {  	[tilespmem:s26+$0x7DB0] =	vst v15;
	v3 =	vmul.f32 v9, v13;
	v5 =	vmul.f32 v7, v5  }
0x4c: {  	[tilespmem:s26+$0x5560] =	vst v10;
	v6 =	vmul.f32 $5.000000000e-01, v0;
	v7 =	vmul.f32 $5.000000000e-01, v1  }
0x4d: {  	[tilespmem:s26+$0x5570] =	vst v12;
	v9 =	vmul.f32 $5.000000000e-01, v3;
	v10 =	vmul.f32 $5.000000000e-01, v5  }
0x4e: {  	[tilespmem:s26+$0x7DC0] =	vst v6  }
0x4f: {  	[tilespmem:s26+$0x7DD0] =	vst v7  }
0x50: {  	[tilespmem:s26+$0x7DE0] =	vst v9  }
0x51: {  	[tilespmem:s26+$0x7DF0] =	vst v10  }
0x52: {  	[tilespmem:s26+$0x5580] =	vst v2  }
0x53: {  	[tilespmem:s26+$0x5590] =	vst v4  }
0x54: {  	[tilespmem:s26+$0x55A0] =	vst v8  }
0x55: {  	[tilespmem:s26+$0x55B0] =	vst v11  }
0x56: {  	[tilespmem:s26+$0x55C0] =	vst v0  }
.Ltmp0:
0x57: {  	[tilespmem:s26+$0x55D0] =	vst v1;
	(pc) =	sbr.rel @p0 .LBB2_2-.Ltmp0, $4  }
0x58: {  	s31 =	sshra.s32 s29, $0x2;
	[tilespmem:s26+$0x55E0] =	vst v3  }
0x59: {  	s28 =	sadd.s32 $0x10, s28;
	v0 =	vld [tilespmem:s31+$0x500];
	[tilespmem:s26+$0x55F0] =	vst v5;
	s26 =	smov.u32 s31  }
0x5a: {  	s30 =	sadd.s32 $0x10, s30;
	v1 =	vld [tilespmem:s28+$0x0]  }
0x5b: {  	s29 =	sadd.s32 $0x400, s29;
	v2 =	vld [tilespmem:s30+$0x0]  }
0x5c: {  	_ = 	snop  }
0x5d: {  	v3 =	vld [tilespmem:s26+$0x2D00]  }
0x5e: {  	v4 =	vld [tilespmem:s26+$0x510]  }
0x5f: {  	v5 =	vld [tilespmem:s26+$0x2D10]  }
0x60: {  	v6 =	vld [tilespmem:s26+$0x520];
	v1 =	vadd.f32 v1, v2  }
0x61: {  	v58 =	vld [tilespmem:s26+$0x2D20]  }
0x62: {  	v7 =	vld [tilespmem:s26+$0x530];
	(erf) = vrcp.f32 v1  }
0x63: {  	v8 =	vld [tilespmem:s26+$0x2D30]  }
0x64: {  	v59 =	vld [tilespmem:s26+$0x540]  }
0x65: {  	v9 =	vld [tilespmem:s26+$0x2D40]  }
0x66: {  	v10 =	vld [tilespmem:s26+$0x550]  }
0x67: {  	v11 =	vld [tilespmem:s26+$0x2D50]  }
0x68: {  	v14 =	vld [tilespmem:s26+$0x570]  }
0x69: {  	v15 =	vld [tilespmem:s26+$0x2D70]  }
0x6a: {  	v19 =	vld [tilespmem:s26+$0x590]  }
0x6b: {  	v62 =	vld [tilespmem:s26+$0x2D90];
	v17 =	vpop (erf)  }
0x6c: {  	v20 =	vld [tilespmem:s26+$0x5A0];
	v0 =	vadd.f32 v3, v0;
	v60 =	vbroadcast v17, $0x0  }
0x6d: {  	v63 =	vld [tilespmem:s26+$0x2DA0];
	v4 =	vadd.f32 v5, v4;
	v61 =	vbroadcast v17, $0x1  }
0x6e: {  	v32 =	vld [tilespmem:s26+$0x5D0];
	v2 =	vadd.f32 v58, v6;
	v24 =	vbroadcast v17, $0x2;
	v0 =	vmul.f32 v60, v0  }
0x6f: {  	v35 =	vld [tilespmem:s26+$0x2DD0];
	v7 =	vadd.f32 v8, v7;
	v21 =	vbroadcast v17, $0x3;
	v4 =	vmul.f32 v4, v61  }
0x70: {  	v38 =	vld [tilespmem:s26+$0x5E0];
	v1 =	vadd.f32 v9, v59;
	v31 =	vbroadcast v17, $0x4;
	v2 =	vmul.f32 v2, v24;
	[tilespmem:s26+$0x5500] =	vst v0  }
0x71: {  	v40 =	vld [tilespmem:s26+$0x2DE0];
	v10 =	vadd.f32 v11, v10;
	v33 =	vbroadcast v17, $0x5;
	v26 =	vmul.f32 v7, v21;
	[tilespmem:s26+$0x5510] =	vst v4  }
0x72: {  	v14 =	vadd.f32 v15, v14;
	v37 =	vbroadcast v17, $0x7;
	v1 =	vmul.f32 v1, v31;
	[tilespmem:s26+$0x5520] =	vst v2  }
0x73: {  	v3 =	vadd.f32 v62, v19;
	v46 =	vbroadcast v17, $0x9;
	v10 =	vmul.f32 v10, v33;
	[tilespmem:s26+$0x5530] =	vst v26  }
0x74: {  	v5 =	vadd.f32 v63, v20;
	v47 =	vbroadcast v17, $0xA;
	v6 =	vmul.f32 v14, v37;
	[tilespmem:s26+$0x5540] =	vst v1  }
0x75: {  	v8 =	vadd.f32 v35, v32;
	v55 =	vbroadcast v17, $0xD;
	v3 =	vmul.f32 v3, v46;
	[tilespmem:s26+$0x5550] =	vst v10  }
0x76: {  	v11 =	vadd.f32 v40, v38;
	v56 =	vbroadcast v17, $0xE;
	v5 =	vmul.f32 v5, v47;
	[tilespmem:s26+$0x5570] =	vst v6  }
0x77: {  	v8 =	vmul.f32 v8, v55;
	[tilespmem:s26+$0x5590] =	vst v3  }
0x78: {  	v59 =	vmul.f32 v11, v56;
	[tilespmem:s26+$0x55A0] =	vst v5  }
0x79: {  	v0 =	vmul.f32 $5.000000000e-01, v0;
	[tilespmem:s26+$0x55D0] =	vst v8  }
0x7a: {  	v12 =	vld [tilespmem:s26+$0x560];
	v4 =	vmul.f32 $5.000000000e-01, v4;
	[tilespmem:s26+$0x55E0] =	vst v59  }
0x7b: {  	v13 =	vld [tilespmem:s26+$0x2D60];
	v27 =	vmul.f32 $5.000000000e-01, v2;
	[tilespmem:s26+$0x7D00] =	vst v0  }
0x7c: {  	v16 =	vld [tilespmem:s26+$0x580];
	v29 =	vmul.f32 $5.000000000e-01, v26;
	[tilespmem:s26+$0x7D10] =	vst v4  }
0x7d: {  	v18 =	vld [tilespmem:s26+$0x2D80];
	v36 =	vmul.f32 $5.000000000e-01, v1;
	[tilespmem:s26+$0x7D20] =	vst v27  }
0x7e: {  	v22 =	vld [tilespmem:s26+$0x5B0];
	v39 =	vmul.f32 $5.000000000e-01, v10;
	[tilespmem:s26+$0x7D30] =	vst v29  }
0x7f: {  	v25 =	vld [tilespmem:s26+$0x2DB0];
	v45 =	vmul.f32 $5.000000000e-01, v6;
	[tilespmem:s26+$0x7D40] =	vst v36  }
0x80: {  	v28 =	vld [tilespmem:s26+$0x5C0];
	v12 =	vadd.f32 v13, v12;
	v34 =	vbroadcast v17, $0x6;
	v51 =	vmul.f32 $5.000000000e-01, v3;
	[tilespmem:s26+$0x7D50] =	vst v39  }
0x81: {  	v30 =	vld [tilespmem:s26+$0x2DC0];
	v52 =	vmul.f32 $5.000000000e-01, v5;
	[tilespmem:s26+$0x7D70] =	vst v45  }
0x82: {  	v44 =	vld [tilespmem:s26+$0x5F0];
	v2 =	vmul.f32 v12, v34;
	[tilespmem:s26+$0x7D90] =	vst v51  }
0x83: {  	v48 =	vld [tilespmem:s26+$0x2DF0];
	v42 =	vadd.f32 v18, v16;
	v43 =	vbroadcast v17, $0x8;
	v61 =	vmul.f32 $5.000000000e-01, v8;
	[tilespmem:s26+$0x7DA0] =	vst v52  }
0x84: {  	v62 =	vmul.f32 $5.000000000e-01, v59;
	[tilespmem:s26+$0x5560] =	vst v2  }
0x85: {  	v12 =	vmul.f32 v42, v43;
	[tilespmem:s26+$0x7DD0] =	vst v61  }
0x86: {  	v49 =	vbroadcast v17, $0xB;
	v41 =	vmul.f32 $5.000000000e-01, v2;
	v0 =	vadd.f32 v25, v22;
	[tilespmem:s26+$0x7DE0] =	vst v62  }
0x87: {  	v53 =	vbroadcast v17, $0xC;
	v50 =	vmul.f32 $5.000000000e-01, v12;
	v4 =	vadd.f32 v30, v28;
	[tilespmem:s26+$0x5580] =	vst v12  }
0x88: {  	v57 =	vadd.f32 v48, v44;
	v58 =	vbroadcast v17, $0xF;
	[tilespmem:s26+$0x7D60] =	vst v41;
	v0 =	vmul.f32 v0, v49  }
0x89: {  	[tilespmem:s26+$0x7D80] =	vst v50;
	v1 =	vmul.f32 v4, v53  }
0x8a: {  	v4 =	vmul.f32 v57, v58;
	[tilespmem:s26+$0x55B0] =	vst v0  }
0x8b: {  	v54 =	vmul.f32 $5.000000000e-01, v0;
	[tilespmem:s26+$0x55C0] =	vst v1  }
0x8c: {  	v60 =	vmul.f32 $5.000000000e-01, v1;
	[tilespmem:s26+$0x55F0] =	vst v4  }
0x8d: {  	v63 =	vmul.f32 $5.000000000e-01, v4;
	[tilespmem:s26+$0x7DB0] =	vst v54  }
0x8e: {  	[tilespmem:s26+$0x7DC0] =	vst v60  }
0x8f: {  	s29 =	simm.s32 $0x0;
	[tilespmem:s26+$0x7DF0] =	vst v63  }
0x90: {  	[hbm4b:s9+s29] =	stream.linear.scatter [tilespmem:s18], [sflag:$0x2], $0x2800, $0x38;
	[tilespmem:$0xD600] =	vst v63  }
0x91: {  	_ =	swait.ge [sflag:s15], $0x2800  }
0x92: {  	[sflag:s15] =	ssyncset.done $0x0  }
0x93: {  	[sflag:s15] =	ssyncadd.s32 $0xFFFFD800  }
0x94: {  	[spmem:s10] =	stream.linear.scatter [tilespmem:s19], [sflag:$0x2], $0x2800, $0x38;
	[tilespmem:$0xD600] =	vst v63  }
0x95: {  	_ =	swait.ge [sflag:s15], $0x2800  }
0x96: {  	[sflag:s15] =	ssyncset.done $0x0  }
0x97: {  	[sflag:s15] =	ssyncadd.s32 $0xFFFFD800  }
0x98: {  	s30 =	sadd.s32 $0x0, s14;
	[bflag:$0x0] =	sbarrier.arrive $0xFFFF  }
0x99: {  	[tilespmem:s20], [sflag:$0x2] =	stream.linear.gather [hbm4b:s30+s3], $0x80, $0x38;
	[tilespmem:$0xD600] =	vst v63  }
0x9a: {  	_ =	swait.ge [sflag:s15], $0x80  }
0x9b: {  	[sflag:s15] =	ssyncset.done $0x0  }
0x9c: {  	[sflag:s15] =	ssyncadd.s32 $0xFFFFFF80  }
0x9d: {  	[tilespmem:s22], [sflag:$0x1] =	stream.indirect.gather [hbm4b:s4+s21], $0x10, s20, s21, $0xb8;
	[tilespmem:$0xD600] =	vst v63  }
0x9e: {  	_ =	swait.ge [sflag:s23], $0x800  }
0x9f: {  	[sflag:s23] =	ssyncset.done $0x0  }
0xa0: {  	s31 =	sadd.s32 $0x0, s13;
	[sflag:s23] =	ssyncadd.s32 $0xFFFFF800  }
0xa1: {  	[tilespmem:s24], [sflag:$0x2] =	stream.linear.gather [hbm4b:s31+s3], $0x80, $0x38;
	[tilespmem:$0xD600] =	vst v63  }
0xa2: {  	_ =	swait.ge [sflag:s15], $0x80  }
0xa3: {  	[sflag:s15] =	ssyncset.done $0x0  }
0xa4: {  	[sflag:s15] =	ssyncadd.s32 $0xFFFFFF80  }
0xa5: {  	[spmem:s2] =	stream.indirect.scatter.add.f32 [tilespmem:s22], [sflag:$0x2], $0x10, s24, s21, $0xb8;
	[tilespmem:$0xD600] =	vst v63  }
0xa6: {  	_ =	swait.ge [sflag:s15], $0x800  }
0xa7: {  	s28 =	simm.s32 $0x20;
	s26 =	simm.s32 $0x10;
	[sflag:s15] =	ssyncset.done $0x0  }
.LBB2_4:
0xa8: {  	s29 =	sadd.s32 s26, s14  }
0xa9: {  	[sflag:s15] =	ssyncadd.s32 $0xFFFFF800;
	s30 =	smov.u32 s28;
	s31 =	sadd.s32 $0x10, s28  }
0xaa: {  	[tilespmem:s20], [sflag:$0x2] =	stream.linear.gather [hbm4b:s29+s3], $0x80, $0x38;
	[tilespmem:$0xD600] =	vst v63  }
0xab: {  	p0 =	sne.s32 s28, $0x4E0;
	_ =	swait.ge [sflag:s15], $0x80  }
0xac: {  	[sflag:s15] =	ssyncset.done $0x0  }
0xad: {  	[sflag:s15] =	ssyncadd.s32 $0xFFFFFF80  }
0xae: {  	[tilespmem:s22], [sflag:$0x1] =	stream.indirect.gather [hbm4b:s4+s21], $0x10, s20, s21, $0xb8;
	[tilespmem:$0xD600] =	vst v63  }
0xaf: {  	_ =	swait.ge [sflag:s23], $0x800  }
0xb0: {  	[sflag:s23] =	ssyncset.done $0x0  }
0xb1: {  	s28 =	sadd.s32 s26, s13;
	s26 =	smov.u32 s30;
	[sflag:s23] =	ssyncadd.s32 $0xFFFFF800  }
0xb2: {  	[tilespmem:s24], [sflag:$0x2] =	stream.linear.gather [hbm4b:s28+s3], $0x80, $0x38;
	[tilespmem:$0xD600] =	vst v63  }
0xb3: {  	_ =	swait.ge [sflag:s15], $0x80  }
.Ltmp1:
0xb4: {  	[sflag:s15] =	ssyncset.done $0x0;
	(pc) =	sbr.rel @p0 .LBB2_4-.Ltmp1, $4  }
0xb5: {  	[sflag:s15] =	ssyncadd.s32 $0xFFFFFF80  }
0xb6: {  	[spmem:s2] =	stream.indirect.scatter.add.f32 [tilespmem:s22], [sflag:$0x2], $0x10, s24, s21, $0xb8;
	[tilespmem:$0xD600] =	vst v63  }
0xb7: {  	_ =	swait.ge [sflag:s15], $0x800  }
0xb8: {  	s28 =	smov.u32 s31;
	[sflag:s15] =	ssyncset.done $0x0  }
0xb9: {  	s28 =	sadd.s32 s26, s14;
	[sflag:s15] =	ssyncadd.s32 $0xFFFFF800  }
0xba: {  	[tilespmem:s20], [sflag:$0x2] =	stream.linear.gather [hbm4b:s28+s3], $0x80, $0x38;
	[tilespmem:$0xD600] =	vst v63  }
0xbb: {  	_ =	swait.ge [sflag:s15], $0x80  }
0xbc: {  	[sflag:s15] =	ssyncset.done $0x0  }
0xbd: {  	[sflag:s15] =	ssyncadd.s32 $0xFFFFFF80  }
0xbe: {  	[tilespmem:s22], [sflag:$0x1] =	stream.indirect.gather [hbm4b:s4+s21], $0x10, s20, s21, $0xb8;
	[tilespmem:$0xD600] =	vst v63  }
0xbf: {  	_ =	swait.ge [sflag:s23], $0x800  }
0xc0: {  	[sflag:s23] =	ssyncset.done $0x0  }
0xc1: {  	s29 =	sadd.s32 s26, s13;
	[sflag:s23] =	ssyncadd.s32 $0xFFFFF800  }
0xc2: {  	[tilespmem:s24], [sflag:$0x2] =	stream.linear.gather [hbm4b:s29+s3], $0x80, $0x38;
	[tilespmem:$0xD600] =	vst v63  }
0xc3: {  	_ =	swait.ge [sflag:s15], $0x80  }
0xc4: {  	[sflag:s15] =	ssyncset.done $0x0  }
0xc5: {  	[sflag:s15] =	ssyncadd.s32 $0xFFFFFF80  }
0xc6: {  	[spmem:s2] =	stream.indirect.scatter.add.f32 [tilespmem:s22], [sflag:$0x2], $0x10, s24, s21, $0xb8;
	[tilespmem:$0xD600] =	vst v63  }
0xc7: {  	_ =	swait.ge [sflag:s15], $0x800  }
0xc8: {  	s30 =	sshll.u32 s0, $0x6;
	s25 =	sadd.s32 $0x1, s25;
	[sflag:s15] =	ssyncset.done $0x0  }
0xc9: {  	s31 =	sshrl.u32 s10, $0x3;
	p0 =	sne.s32 s25, s12;
	[sflag:s15] =	ssyncadd.s32 $0xFFFFF800  }
.Ltmp2:
0xca: {  	s26 =	sor.u32 $0x1C02, s30;
	[bflag:$0x0] =	sbarrier.arrive $0xFFFF;
	(pc) =	sbr.rel @p0 .LBB2_1-.Ltmp2, $4  }
0xcb: {  	[hbm:s11], [sflag:s26] =	dma.local [spmem:s31], $0x500  }
0xcc: {  	_ =	swait.ge [sflag:s15], $0x500  }
0xcd: {  	[sflag:s15] =	ssyncset.done $0x0  }
0xce: {  	[sflag:s15] =	ssyncadd.s32 $0xFFFFFB00  }
0xcf: {  	_ =	sfence.sel $0x180000  }
0xd0: {  	[bflag:$0x0] =	sbarrier.arrive $0xFFFF  }
0xd1: {  	p0 =	sne.s32 s0, $0x0;
	_ =	strace $0x9000004D  }
0xd2: {  	s0 =	sadd.s32 @!p0 $0x100000, s1;
	[bflag:$0x2] =	sbarrier.arrive $0xFFFF  }
0xd3: {  	[sflag:s0] =	ssyncadd.tile.s32 @!p0 $0x1;
	_ =	shalt  }
.Lfunc_end2:
_tile_overlayer_lowered:
.L_overlay_start_2:
0xd4: {  	(tag) =	ssettag $0x2  }
0xd5: {  	s0 =	rddreg [dreg:$0x0];
	s2 =	stileid.u32  }
0xd6: {  	s1 =	rddreg [dreg:$0x1];
	p0 =	sne.s32 s2, $0x0  }
0xd7: {  	s3 =	rddreg [dreg:$0x2];
	[bflag:$0x3] =	sbarrier.arrive $0xFFFF;
	s2 =	simm.s32 @!p0 $0x1C02  }
0xd8: {  	[timem:s3], [sflag:s2] =	dma.local @!p0 [hbm:s0], s1  }
0xd9: {  	s0 =	simm.s32 @!p0 $0x2  }
0xda: {  	_ =	swait.ge @!p0 [sflag:s0], s1  }
0xdb: {  	s1 =	ssub.s32 @!p0 $0x0, s1;
	[sflag:s0] =	ssyncset.done @!p0 $0x0  }
0xdc: {  	[sflag:s0] =	ssyncadd.s32 @!p0 s1  }
0xdd: {  	[bflag:$0x3] =	sbarrier.arrive $0xFFFF  }
0xde: {  	_ =	shalt  }

// kernel: kernel.7.cloned.1.call-start
scs
__scs_entry_jumppad:
0x0: {  	(pc) =	sbr.rel $0x88, $3  }
0x1: {  	(tag) =	ssettag $0x0;
	lr =	simm.s32 $0x1  }
0x2: {  	[smem:$0x3F9D] =	sst lr;
	_ =	strace $0xD0000000  }
0x3: {  	_ = 	snop  }
0x4: {  	_ = 	snop  }
0x5: {  	_ = 	snop  }
0x6: {  	_ = 	snop  }
0x7: {  	_ = 	snop  }
__scs_overlays_trampoline_lowered:
0x8: {  	[smem:$0x3FAC] =	sst s0  }
0x9: {  	[smem:$0x3FAD] =	sst s1  }
0xa: {  	[smem:$0x3FAE] =	sst s2  }
0xb: {  	[smem:$0x3FAF] =	sst s3  }
0xc: {  	[smem:$0x3FB0] =	sst s4  }
0xd: {  	[smem:$0x3FB1] =	sst s5  }
0xe: {  	[smem:$0x3FB2] =	sst s6  }
0xf: {  	[smem:$0x3FB3] =	sst s7  }
0x10: {  	[smem:$0x3FB4] =	sst s8  }
0x11: {  	[smem:$0x3FB5] =	sst s9;
	s0 =	simm.s32 @!p0 $0x0  }
0x12: {  	s1 =	sld [smem:$0x3F9B];
	s0 =	simm.s32 @p0 $0x1  }
0x13: {  	[smem:$0x3FB6] =	sst s0;
	s0 =	simm.s32 @!p1 $0x0  }
0x14: {  	s2 =	sld [smem:$0x3F9A];
	s0 =	simm.s32 @p1 $0x1  }
0x15: {  	[smem:$0x3FB7] =	sst s0;
	s0 =	simm.s32 @!p2 $0x0  }
0x16: {  	s3 =	sld [smem:$0x3FDB];
	s0 =	simm.s32 @p2 $0x1  }
0x17: {  	s4 =	simm.s32 $0x1BF5;
	[smem:$0x3FB9] =	sst s0  }
0x18: {  	s0 =	sld [smem:$0x3F9C];
	_ =	swait.ge [sflag:s4], $0x0  }
0x19: {  	s7 =	sld [smem:$0x3F9D]  }
0x1a: {  	s8 =	sadd.s32 $0xFFFFE003, lr  }
0x1b: {  	s9 =	sadd.s32 $0xFFFFFEF7, lr;
	s5 =	simm.s32 $0xFFFFFFFF;
	p2 =	slt.u32 s8, $0xFFFFF086  }
0x1c: {  	p1 =	slt.u32 s9, $0xF7A;
	s5 =	simm.s32 @!p2 $0x0  }
0x1d: {  	s5 =	simm.s32 @p1 $0x1;
	p0 =	seq.s32 s7, s2  }
0x1e: {  	s7 =	smul.u32 @!p0 $0xF7A, s2;
	p2 =	seq.s32 @!p0 s5, $0x0  }
0x1f: {  	s9 =	smul.u32 $0xF7A, s1;
	s8 =	simm.s32 @!p0 $0x1BF5;
	p2 =	por !p2, p0  }
0x20: {  	[sflag:s8] =	ssyncset.s32 @!p0 $0xFFFFF086;
	s6 =	sadd.s32 @!p0 s3, s7;
	s7 =	simm.s32 @!p0 $0x108  }
0x21: {  	s3 =	sadd.s32 s3, s9;
	s6 =	sadd.s32 @!p0 $0x88, s6;
	s7 =	simm.s32 @p2 $0x1082  }
0x22: {  	[simem:s7], [sflag:s8] =	dma.local @!p0 [hbm:s6], $0xF7A  }
0x23: {  	s9 =	sor.u32 $0xD0000000, s2;
	s6 =	simm.s32 $0x108;
	_ =	swait.ge @!p0 [sflag:s8], $0x0  }
0x24: {  	s3 =	sadd.s32 $0x88, s3;
	s6 =	simm.s32 @!p1 $0x1082;
	[sflag:s4] =	ssyncset.s32 $0xFFFFF086  }
0x25: {  	[simem:s6], [sflag:s4] =	dma.local [hbm:s3], $0xF7A  }
0x26: {  	[smem:$0x3F9D] =	sst s1;
	(tag) =	ssettag s2;
	_ =	strace s9  }
0x27: {  	s1 =	sld [smem:$0x3FAD]  }
0x28: {  	s2 =	sld [smem:$0x3FAE]  }
0x29: {  	s4 =	sld [smem:$0x3FB0]  }
0x2a: {  	p0 =	seq.s32 s5, $0x0;
	s5 =	sld [smem:$0x3FB1]  }
0x2b: {  	s6 =	sld [smem:$0x3FB2]  }
0x2c: {  	s7 =	sld [smem:$0x3FB3]  }
0x2d: {  	s3 =	simm.s32 $0x108;
	s8 =	sld [smem:$0x3FB4]  }
0x2e: {  	s3 =	simm.s32 @!p0 $0x1082;
	s9 =	sld [smem:$0x3FB5]  }
0x2f: {  	lr =	sadd.s32 s0, s3;
	s0 =	sld [smem:$0x3FAC]  }
0x30: {  	s3 =	sld [smem:$0x3FAF]  }
0x31: {  	[smem:$0x3FB8] =	sst s10  }
0x32: {  	s10 =	sld [smem:$0x3FB6];
	_ =	sdelay $0x3  }
0x33: {  	p0 =	seq.s32 s10, $0x1;
	s10 =	sld [smem:$0x3FB8];
	_ =	sdelay $0x3  }
0x34: {  	[smem:$0x3FB8] =	sst s10  }
0x35: {  	s10 =	sld [smem:$0x3FB7];
	_ =	sdelay $0x3  }
0x36: {  	p1 =	seq.s32 s10, $0x1;
	s10 =	sld [smem:$0x3FB8];
	_ =	sdelay $0x3  }
0x37: {  	[smem:$0x3FB8] =	sst s10  }
0x38: {  	s10 =	sld [smem:$0x3FB9]  }
0x39: {  	_ = 	snop;
	(pc) =	sbr.ind lr, $3  }
0x3a: {  	_ = 	snop  }
0x3b: {  	_ = 	snop  }
0x3c: {  	p2 =	seq.s32 s10, $0x1;
	s10 =	sld [smem:$0x3FB8]  }
0x3d: {  	_ =	shalt  }
0x3e: {  	_ =	shalt  }
0x3f: {  	_ =	shalt  }
0x40: {  	_ =	shalt  }
0x41: {  	_ =	shalt  }
0x42: {  	_ =	shalt  }
0x43: {  	_ =	shalt  }
0x44: {  	_ =	shalt  }
0x45: {  	_ =	shalt  }
0x46: {  	_ =	shalt  }
0x47: {  	_ =	shalt  }
0x48: {  	_ =	shalt  }
0x49: {  	_ =	shalt  }
0x4a: {  	_ =	shalt  }
0x4b: {  	_ =	shalt  }
0x4c: {  	_ =	shalt  }
0x4d: {  	_ =	shalt  }
0x4e: {  	_ =	shalt  }
0x4f: {  	_ =	shalt  }
0x50: {  	_ =	shalt  }
0x51: {  	_ =	shalt  }
0x52: {  	_ =	shalt  }
0x53: {  	_ =	shalt  }
0x54: {  	_ =	shalt  }
0x55: {  	_ =	shalt  }
0x56: {  	_ =	shalt  }
0x57: {  	_ =	shalt  }
0x58: {  	_ =	shalt  }
0x59: {  	_ =	shalt  }
0x5a: {  	_ =	shalt  }
0x5b: {  	_ =	shalt  }
0x5c: {  	_ =	shalt  }
0x5d: {  	_ =	shalt  }
0x5e: {  	_ =	shalt  }
0x5f: {  	_ =	shalt  }
0x60: {  	_ =	shalt  }
0x61: {  	_ =	shalt  }
0x62: {  	_ =	shalt  }
0x63: {  	_ =	shalt  }
0x64: {  	_ =	shalt  }
0x65: {  	_ =	shalt  }
0x66: {  	_ =	shalt  }
0x67: {  	_ =	shalt  }
0x68: {  	_ =	shalt  }
0x69: {  	_ =	shalt  }
0x6a: {  	_ =	shalt  }
0x6b: {  	_ =	shalt  }
0x6c: {  	_ =	shalt  }
0x6d: {  	_ =	shalt  }
0x6e: {  	_ =	shalt  }
0x6f: {  	_ =	shalt  }
0x70: {  	_ =	shalt  }
0x71: {  	_ =	shalt  }
0x72: {  	_ =	shalt  }
0x73: {  	_ =	shalt  }
0x74: {  	_ =	shalt  }
0x75: {  	_ =	shalt  }
0x76: {  	_ =	shalt  }
0x77: {  	_ =	shalt  }
0x78: {  	_ =	shalt  }
0x79: {  	_ =	shalt  }
0x7a: {  	_ =	shalt  }
0x7b: {  	_ =	shalt  }
0x7c: {  	_ =	shalt  }
0x7d: {  	_ =	shalt  }
0x7e: {  	_ =	shalt  }
0x7f: {  	_ =	shalt  }
0x80: {  	_ =	shalt  }
0x81: {  	_ =	shalt  }
0x82: {  	_ =	shalt  }
0x83: {  	_ =	shalt  }
0x84: {  	_ =	shalt  }
0x85: {  	_ =	shalt  }
0x86: {  	_ =	shalt  }
0x87: {  	_ =	shalt  }
.Lfunc_end0:
.L_simem_size_0:
called_computation_lowered:
.L_overlay_start_0:
0x88: {  	s2 =	sld [smem:$0x3FD9]  }
0x89: {  	s3 =	sld [smem:$0x3FFE];
	_ =	sdelay $0x1  }
0x8a: {  	s1 =	srdreg.scid  }
0x8b: {  	s0 =	sand.u32 $0x1, s1  }
0x8c: {  	s17 =	sshll.u32 s0, $0xA;
	s2 =	sadd.s32 s3, s2  }
0x8d: {  	s2 =	sadd.s32 s2, s17  }
0x8e: {  	[smem:$0x3FC4] =	sst s2  }
0x8f: {  	_ = 	snop  }
0x90: {  	s2 =	sld [smem:$0x3FD0];
	(tm) =	ssettm $0x1  }
0x91: {  	s18 =	sld [smem:$0x3FFB];
	_ =	sdelay $0x3  }
0x92: {  	_ =	strace s18  }
0x93: {  	s3 =	sld [smem:$0x3FFC];
	_ =	sdelay $0x3  }
0x94: {  	_ =	strace s3  }
0x95: {  	s3 =	sld [smem:$0x3FFD];
	_ =	sdelay $0x3  }
0x96: {  	_ =	strace s3  }
0x97: {  	_ =	strace $0x8FFFFFFF  }
0x98: {  	s19 =	sld [smem:$0x3FDB];
	_ =	sdelay $0x1  }
0x99: {  	s4 =	simm.s32 $_scs_section_size  }
0x9a: {  	s5 =	simm.s32 $_size__tile_overlayer_lowered;
	s6 =	simm.s32 $_tile_overlayer_lowered  }
0x9b: {  	s22 =	simm.s32 $0x1BFF;
	s21 =	sshll.u32 s6, $0x1;
	s3 =	sadd.s32 s4, s19  }
0x9c: {  	s7 =	simm.s32 $0x0;
	s20 =	sshll.u32 s5, $0x1;
	s5 =	sadd.s32 s21, s3  }
0x9d: {  	[timem:s7], [sflag:s22] =	dma.local [hbm:s5], s20  }
0x9e: {  	_ =	swait.ge [sflag:s22], s20  }
0x9f: {  	s4 =	ssub.s32 $0x0, s20;
	[sflag:s22] =	ssyncset.done $0x0  }
0xa0: {  	[sflag:s22] =	ssyncadd.s32 s4;
	_ =	sdelay $0x1  }
0xa1: {  	s23 =	simm.s32 $0x1B8B  }
0xa2: {  	_ =	swait.ge [sflag:s23], $0x1  }
0xa3: {  	[sflag:s23] =	ssyncset.done $0x0  }
0xa4: {  	s25 =	simm.s32 $0x1B8E;
	s24 =	sld [smem:$0x3FFE];
	[sflag:s23] =	ssyncadd.s32 $0xFFFFFFFF  }
0xa5: {  	s26 =	simm.s32 $execute0_lowered;
	[smem:$0x3FD2] =	sst s25  }
0xa6: {  	s5 =	sshll.u32 s26, $0x1;
	_ =	strace $0x80000046;
	[dreg:$0x1] =	wrdreg $0xFFFFFFFF  }
0xa7: {  	s28 =	simm.s32 $_size_execute0_lowered;
	s3 =	sadd.s32 s3, s5;
	[dreg:$0x0] =	wrdreg $0x0  }
0xa8: {  	s5 =	sshll.u32 s28, $0x1;
	[dreg:$0x2] =	wrdreg s3  }
0xa9: {  	[dreg:$0x3] =	wrdreg s5  }
0xaa: {  	[dreg:$0x4] =	wrdreg $0xC0  }
0xab: {  	_ =	task [dreg:s7], $0x5FFFF  }
0xac: {  	[dreg:$0x1] =	wrdreg $0xFFFFFFFF  }
0xad: {  	[dreg:$0x0] =	wrdreg $0x60  }
0xae: {  	[dreg:$0x2] =	wrdreg s24  }
0xaf: {  	[dreg:$0x3] =	wrdreg s2  }
0xb0: {  	[dreg:$0x4] =	wrdreg $0x3800  }
0xb1: {  	[dreg:$0x5] =	wrdreg $0x9  }
0xb2: {  	_ =	task.clear_ibuf [dreg:s7], $0x6FFFF;
	_ =	strace $0x90000046  }
0xb3: {  	s29 =	simm.s32 $0x9;
	_ =	strace $0x80000048  }
0xb4: {  	_ =	swait.ge [sflag:s29], $0x1  }
0xb5: {  	[sflag:s29] =	ssyncadd.s32 $0xFFFFFFFF  }
0xb6: {  	_ =	strace $0x90000048  }
0xb7: {  	_ =	sfence  }
0xb8: {  	s30 =	sld [smem:$0x0];
	_ =	sdelay $0x2  }
0xb9: {  	s31 =	sshll.u32 s1, $0xD;
	s1 =	sshrl.u32 s1, $0x2  }
0xba: {  	s3 =	sand.u32 $0x4000, s31;
	s1 =	sadd.s32 s1, s30  }
0xbb: {  	s0 =	sor.u32 s3, s0;
	s1 =	sshll.u32 s1, $0x11  }
0xbc: {  	s0 =	sor.u32 s1, s0  }
0xbd: {  	s0 =	sadd.s32 $0x8F2B, s0  }
0xbe: {  	[sflag:s0] =	ssyncadd.remote.s32 $0x1  }
0xbf: {  	_ =	sfence.sel $0xFFFF  }
0xc0: {  	[dreg:$0x0] =	wrdreg $0xFFFFFFFF;
	(pc) =	sbr.abs _section_cstart, $3  }
0xc1: {  	[dreg:$0x1] =	wrdreg $0xFFFFFFFF  }
0xc2: {  	_ =	task.clear_ibuf [dreg:s7], $0x2FFFF;
	_ =	strace $0x9FFFFFFF  }
0xc3: {  	(tm) =	ssettm $0x7FFFFFFF  }
tec
execute0_lowered:
.L_overlay_start_1:
0x0: {  	(tag) =	ssettag $0x1  }
0x1: {  	s4 =	rddreg [dreg:$0x0]  }
0x2: {  	s0 =	srdreg.scid;
	s5 =	rddreg [dreg:$0x1]  }
0x3: {  	s2 =	rddreg [dreg:$0x2];
	s6 =	sand.u32 $0x1, s0  }
0x4: {  	s0 =	stileid.u32;
	s7 =	smul.u32 $0x27800, s6  }
0x5: {  	s1 =	rddreg [dreg:$0x3];
	s8 =	smul.u32 $0x2780, s0  }
0x6: {  	s3 =	simm.s32 $0x0;
	s13 =	simm.s32 $0x0;
	s9 =	smul.u32 $0x280, s0  }
0x7: {  	[smem:$0x7FF] =	sst s3;
	s10 =	smul.u32 $0x2800, s6;
	s6 =	ssub.s32 $0x2, s6  }
0x8: {  	_ =	strace $0x80000047;
	s11 =	sshll.u32 s0, $0x6;
	s31 =	sshrl.u32 s6, $0x1  }
0x9: {  	s11 =	sor.u32 $0x1C01, s11;
	s7 =	sadd.s32 s8, s7;
	s30 =	sadd.s32 s9, s10  }
0xa: {  	s6 =	ssub.s32 s6, s31;
	s10 =	simm.s32 $0x80;
	s7 =	sshrl.u32 s7, $0x3  }
0xb: {  	s8 =	sshrl.u32 s30, $0x3;
	s6 =	smax.u32 s6, $0x1;
	s7 =	sadd.s32 s7, s4  }
0xc: {  	s4 =	sadd.s32 s9, s2;
	s5 =	sadd.s32 s5, s8;
	s8 =	simm.s32 $0x100  }
0xd: {  	v0 =	vimm.f32 $1.000000000e+00;
	v1 =	vimm.f32 $5.000000000e-01;
	s9 =	simm.s32 $0x1;
	s7 =	sadd.s32 $0x1E00, s7;
	s12 =	sshrl.u32 s4, $0x3  }
.LBB2_1:
0xe: {  	[tilespmem:$0x80] =	vst v0  }
0xf: {  	[tilespmem:$0x90] =	vst v0  }
0x10: {  	[tilespmem:$0xA0] =	vst v0  }
0x11: {  	[tilespmem:$0xB0] =	vst v0  }
0x12: {  	[tilespmem:$0xC0] =	vst v0  }
0x13: {  	[tilespmem:$0xD0] =	vst v0  }
0x14: {  	[tilespmem:$0xE0] =	vst v0  }
0x15: {  	[tilespmem:$0xF0] =	vst v0  }
0x16: {  	[tilespmem:$0x100] =	vst v1  }
0x17: {  	[tilespmem:$0x110] =	vst v1  }
0x18: {  	[tilespmem:$0x120] =	vst v1  }
0x19: {  	[tilespmem:$0x130] =	vst v1  }
0x1a: {  	[tilespmem:$0x140] =	vst v1  }
0x1b: {  	[tilespmem:$0x150] =	vst v1  }
0x1c: {  	[tilespmem:$0x160] =	vst v1  }
0x1d: {  	[tilespmem:$0x170] =	vst v1  }
0x1e: {  	[tilespmem:$0x180] =	vst v1  }
0x1f: {  	[tilespmem:$0x190] =	vst v1  }
0x20: {  	[tilespmem:$0x1A0] =	vst v1  }
0x21: {  	[tilespmem:$0x1B0] =	vst v1  }
0x22: {  	[tilespmem:$0x1C0] =	vst v1  }
0x23: {  	[tilespmem:$0x1D0] =	vst v1  }
0x24: {  	[tilespmem:$0x1E0] =	vst v1  }
0x25: {  	[tilespmem:$0x1F0] =	vst v1  }
0x26: {  	[tilespmem:$0x200] =	vst v1  }
0x27: {  	[tilespmem:$0x210] =	vst v1  }
0x28: {  	[tilespmem:$0x220] =	vst v1  }
0x29: {  	[tilespmem:$0x230] =	vst v1  }
0x2a: {  	[tilespmem:$0x240] =	vst v1  }
0x2b: {  	[tilespmem:$0x250] =	vst v1  }
0x2c: {  	[tilespmem:$0x260] =	vst v1  }
0x2d: {  	[tilespmem:$0x270] =	vst v1  }
0x2e: {  	[tilespmem:$0x280] =	vst v1  }
0x2f: {  	[tilespmem:$0x290] =	vst v1  }
0x30: {  	[tilespmem:$0x2A0] =	vst v1  }
0x31: {  	[tilespmem:$0x2B0] =	vst v1  }
0x32: {  	[tilespmem:$0x2C0] =	vst v1  }
0x33: {  	[tilespmem:$0x2D0] =	vst v1  }
0x34: {  	[tilespmem:$0x2E0] =	vst v1  }
0x35: {  	[tilespmem:$0x2F0] =	vst v1  }
0x36: {  	[tilespmem:$0x300] =	vst v1  }
0x37: {  	[tilespmem:$0x310] =	vst v1  }
0x38: {  	[tilespmem:$0x320] =	vst v1  }
0x39: {  	[tilespmem:$0x330] =	vst v1  }
0x3a: {  	[tilespmem:$0x340] =	vst v1  }
0x3b: {  	[tilespmem:$0x350] =	vst v1  }
0x3c: {  	[tilespmem:$0x360] =	vst v1  }
0x3d: {  	[tilespmem:$0x370] =	vst v1  }
0x3e: {  	[spmem:s4] =	stream.linear.scatter [tilespmem:s8], [sflag:$0x1], $0x280, $0x38;
	[tilespmem:$0x600] =	vst v63  }
0x3f: {  	_ =	swait.ge [sflag:s9], $0x280  }
0x40: {  	[sflag:s9] =	ssyncset.done $0x0  }
0x41: {  	[sflag:s9] =	ssyncadd.s32 $0xFFFFFD80  }
0x42: {  	s14 =	sadd.s32 $0x0, s7;
	[bflag:$0x0] =	sbarrier.arrive $0xFFFF  }
0x43: {  	[tilespmem:s3], [sflag:$0x1] =	stream.linear.gather [hbm4b:s14+s3], $0x80, $0x38;
	[tilespmem:$0x600] =	vst v63  }
0x44: {  	_ =	swait.ge [sflag:s9], $0x80  }
0x45: {  	[sflag:s9] =	ssyncset.done $0x0  }
0x46: {  	[sflag:s9] =	ssyncadd.s32 $0xFFFFFF80  }
0x47: {  	[spmem:s2] =	stream.indirect.scatter.add.f32 [tilespmem:s10], [sflag:$0x1], $0x1, s3, s10, $0xb8;
	[tilespmem:$0x600] =	vst v63  }
0x48: {  	_ =	swait.ge [sflag:s9], $0x80  }
0x49: {  	s15 =	simm.s32 $0x20;
	s14 =	simm.s32 $0x10;
	[sflag:s9] =	ssyncset.done $0x0  }
.LBB2_2:
0x4a: {  	s16 =	sadd.s32 s14, s7  }
0x4b: {  	[sflag:s9] =	ssyncadd.s32 $0xFFFFFF80;
	s14 =	smov.u32 s15;
	s17 =	sadd.s32 $0x10, s15  }
0x4c: {  	[tilespmem:s3], [sflag:$0x1] =	stream.linear.gather [hbm4b:s16+s3], $0x80, $0x38;
	[tilespmem:$0x600] =	vst v63  }
0x4d: {  	p0 =	sne.s32 s15, $0x4E0;
	_ =	swait.ge [sflag:s9], $0x80  }
.Ltmp0:
0x4e: {  	[sflag:s9] =	ssyncset.done $0x0;
	(pc) =	sbr.rel @p0 .LBB2_2-.Ltmp0, $4  }
0x4f: {  	[sflag:s9] =	ssyncadd.s32 $0xFFFFFF80  }
0x50: {  	[spmem:s2] =	stream.indirect.scatter.add.f32 [tilespmem:s10], [sflag:$0x1], $0x1, s3, s10, $0xb8;
	[tilespmem:$0x600] =	vst v63  }
0x51: {  	_ =	swait.ge [sflag:s9], $0x80  }
0x52: {  	s15 =	smov.u32 s17;
	[sflag:s9] =	ssyncset.done $0x0  }
0x53: {  	s14 =	sadd.s32 s14, s7;
	[sflag:s9] =	ssyncadd.s32 $0xFFFFFF80  }
0x54: {  	[tilespmem:s3], [sflag:$0x1] =	stream.linear.gather [hbm4b:s14+s3], $0x80, $0x38;
	[tilespmem:$0x600] =	vst v63  }
0x55: {  	_ =	swait.ge [sflag:s9], $0x80  }
0x56: {  	[sflag:s9] =	ssyncset.done $0x0  }
0x57: {  	[sflag:s9] =	ssyncadd.s32 $0xFFFFFF80  }
0x58: {  	[spmem:s2] =	stream.indirect.scatter.add.f32 [tilespmem:s10], [sflag:$0x1], $0x1, s3, s10, $0xb8;
	[tilespmem:$0x600] =	vst v63  }
0x59: {  	_ =	swait.ge [sflag:s9], $0x80  }
0x5a: {  	s13 =	sadd.s32 $0x1, s13;
	[sflag:s9] =	ssyncset.done $0x0  }
0x5b: {  	p0 =	sne.s32 s13, s6;
	[sflag:s9] =	ssyncadd.s32 $0xFFFFFF80  }
.Ltmp1:
0x5c: {  	[bflag:$0x0] =	sbarrier.arrive $0xFFFF;
	(pc) =	sbr.rel @p0 .LBB2_1-.Ltmp1, $4  }
0x5d: {  	[hbm:s5], [sflag:s11] =	dma.local [spmem:s12], $0x50  }
0x5e: {  	_ =	swait.ge [sflag:s9], $0x50  }
0x5f: {  	[sflag:s9] =	ssyncset.done $0x0  }
0x60: {  	[sflag:s9] =	ssyncadd.s32 $0xFFFFFFB0  }
0x61: {  	_ =	sfence.sel $0x180000  }
0x62: {  	[bflag:$0x0] =	sbarrier.arrive $0xFFFF  }
0x63: {  	p0 =	sne.s32 s0, $0x0;
	_ =	strace $0x90000047  }
0x64: {  	s0 =	sadd.s32 @!p0 $0x100000, s1;
	[bflag:$0x2] =	sbarrier.arrive $0xFFFF  }
0x65: {  	[sflag:s0] =	ssyncadd.tile.s32 @!p0 $0x1;
	_ =	shalt  }
.Lfunc_end2:
_tile_overlayer_lowered:
.L_overlay_start_2:
0x66: {  	(tag) =	ssettag $0x2  }
0x67: {  	s0 =	rddreg [dreg:$0x0];
	s2 =	stileid.u32  }
0x68: {  	s1 =	rddreg [dreg:$0x1];
	p0 =	sne.s32 s2, $0x0  }
0x69: {  	s3 =	rddreg [dreg:$0x2];
	[bflag:$0x3] =	sbarrier.arrive $0xFFFF;
	s2 =	simm.s32 @!p0 $0x1C01  }
0x6a: {  	[timem:s3], [sflag:s2] =	dma.local @!p0 [hbm:s0], s1  }
0x6b: {  	s0 =	simm.s32 @!p0 $0x1  }
0x6c: {  	_ =	swait.ge @!p0 [sflag:s0], s1  }
0x6d: {  	s1 =	ssub.s32 @!p0 $0x0, s1;
	[sflag:s0] =	ssyncset.done @!p0 $0x0  }
0x6e: {  	[sflag:s0] =	ssyncadd.s32 @!p0 s1  }
0x6f: {  	[bflag:$0x3] =	sbarrier.arrive $0xFFFF  }
0x70: {  	_ =	shalt  }

</sc_bundles>
